<compile_context>
chip_gen: v7x
topology: tpu7x:2x2x1
jax: 0.10.2.dev20260603
libtpu: 0.0.44.dev20260713+nightly
codegen_flags: <defaults>
</compile_context>

<pallas_src>
import functools

import jax
import jax.numpy as jnp
from jax import lax
from jax.experimental import pallas as pl
from jax.experimental.pallas import tpu as pltpu
from jax.experimental.pallas import tpu_sc as plsc

N = 10000
D = 128
NC = 2
NS = 16
NW = NC * NS
LANES = 16

CHUNK = 80
NBUF = 3
N_PAD = 10112


def _dense_proj_kernel(seq_ref, wfc_ref, wgat_ref, a2_ref, h_ref, asd_ref,
                       pmax_ref):
    wc = jnp.dot(wfc_ref[...], wgat_ref[...], preferred_element_type=jnp.float32)
    h = jnp.dot(seq_ref[...], wc, preferred_element_type=jnp.float32)
    asd = jnp.dot(h, a2_ref[...], preferred_element_type=jnp.float32)
    h_ref[...] = h
    asd_ref[...] = asd
    m = jnp.max(asd, axis=0, keepdims=True)
    i = pl.program_id(0)

    @pl.when(i == 0)
    def _():
        pmax_ref[...] = m

    @pl.when(i > 0)
    def _():
        pmax_ref[...] = jnp.maximum(pmax_ref[...], m)


def _finish_kernel(acc_ref, den_ref, bsum_ref, pa_ref, out_ref):
    s = acc_ref[0] + acc_ref[1]
    d = jnp.sum(den_ref[...], axis=0)
    o = s / d[:, None] + bsum_ref[...]
    a = pa_ref[0, 0]
    out_ref[...] = jnp.where(o >= 0, o, a * o)


def _sc_weights_kernel(nchunks,
                       src_hbm, dst_hbm, as_hbm, ad_hbm, m_hbm,
                       rec_out, den_out,
                       src_v, dst_v, as_v, ad_v, den_v, rec_t, m_v):
    cid = lax.axis_index("c")
    sid = lax.axis_index("s")
    wid = cid * NS + sid

    pltpu.sync_copy(src_hbm.at[wid], src_v)
    pltpu.sync_copy(dst_hbm.at[wid], dst_v)
    pltpu.sync_copy(as_hbm, as_v)
    pltpu.sync_copy(ad_hbm, ad_v)
    pltpu.sync_copy(m_hbm, m_v)
    mvec = m_v[...]

    def zden(i, _):
        den_v[pl.ds(i * LANES, LANES)] = jnp.zeros((LANES,), jnp.float32)
        return 0
    lax.fori_loop(0, N_PAD // LANES, zden, 0)

    def chunk(c, _):
        ebase = c * CHUNK
        rbase = c * (2 * CHUNK)
        for pos in range(CHUNK // LANES):
            sl = pl.ds(ebase + pos * LANES, LANES)
            sidx = src_v[sl]
            didx = dst_v[sl]
            a_s = plsc.load_gather(as_v, [sidx])
            a_d = plsc.load_gather(ad_v, [didx])
            e = a_s + a_d
            e = jnp.where(e > 0, e, 0.2 * e)
            w = jnp.exp(e - mvec)
            plsc.addupdate_scatter(den_v, [didx], w)
            rec_t[pl.ds(rbase + pos * LANES, LANES)] = sidx
            rec_t[pl.ds(rbase + CHUNK + pos * LANES, LANES)] = (
                plsc.bitcast(w, jnp.int32))
        return 0
    lax.fori_loop(0, nchunks, chunk, 0)

    pltpu.sync_copy(rec_t, rec_out.at[wid])
    pltpu.sync_copy(den_v, den_out.at[wid])


def _sc_scatter_kernel(nchunks,
                       rec_hbm, dst2_hbm, h_hbm,
                       acc_out,
                       dst2_v, pw, rows, acc_sh, sem_f, sem_g, sem_s):
    cid = lax.axis_index("c")
    sid = lax.axis_index("s")
    wid = cid * NS + sid
    rows_per_tile = N_PAD // NS

    pltpu.sync_copy(dst2_hbm.at[wid], dst2_v)

    def zrow(i, _):
        for j in range(D // LANES):
            rows[0][i, pl.ds(j * LANES, LANES)] = jnp.zeros((LANES,),
                                                            jnp.float32)
        return 0
    lax.fori_loop(0, CHUNK, zrow, 0)
    base0 = sid * rows_per_tile
    nfull = rows_per_tile // CHUNK
    zcps = []
    for k in range(nfull):
        zcps.append(pltpu.async_copy(
            rows[0], acc_sh.at[pl.ds(base0 + k * CHUNK, CHUNK)], sem_s[0]))
    rem = rows_per_tile - nfull * CHUNK
    if rem:
        zcps.append(pltpu.async_copy(
            rows[0].at[pl.ds(0, rem)],
            acc_sh.at[pl.ds(base0 + nfull * CHUNK, rem)], sem_s[0]))
    for cp in zcps:
        cp.wait()
    plsc.subcore_barrier()

    def pwfetch(c, b):
        return pltpu.async_copy(rec_hbm.at[wid, c], pw[b], sem_f[b])

    def gather(c, b):
        return pltpu.async_copy(h_hbm.at[pw[b].at[0]], rows[b], sem_g[b])

    def scale(b):
        def body(h2, _):
            i = h2 * 2
            one = jnp.full((LANES,), 1, jnp.int32)
            wsi0 = plsc.load_gather(pw[b], [one,
                                            jnp.full((LANES,), i, jnp.int32)])
            wsi1 = plsc.load_gather(pw[b], [one,
                                            jnp.full((LANES,), i + 1,
                                                     jnp.int32)])
            ws0 = plsc.bitcast(wsi0, jnp.float32)
            ws1 = plsc.bitcast(wsi1, jnp.float32)
            for j in range(D // LANES):
                sl = pl.ds(j * LANES, LANES)
                rows[b][i, sl] = rows[b][i, sl] * ws0
            for j in range(D // LANES):
                sl = pl.ds(j * LANES, LANES)
                rows[b][i + 1, sl] = rows[b][i + 1, sl] * ws1
            return 0
        lax.fori_loop(0, CHUNK // 2, body, 0)

    for b in range(NBUF):
        pwfetch(b, b)
    pltpu.make_async_copy(rec_hbm.at[wid, 0], pw[0], sem_f[0]).wait()
    gather(0, 0)
    pltpu.make_async_copy(rec_hbm.at[wid, 1], pw[1], sem_f[1]).wait()
    gather(1, 1)

    def step(it, _):
        for k in range(NBUF):
            c = it * NBUF + k
            kp = (k + NBUF - 1) % NBUF
            kn = (k + 2) % NBUF
            pltpu.make_async_copy(h_hbm.at[pw[k].at[0]], rows[k],
                                  sem_g[k]).wait()
            scale(k)
            cp_s = pltpu.async_copy(rows[k], acc_sh.at[dst2_v.at[c]],
                                    sem_s[k], add=True)

            @pl.when(c + NBUF < nchunks)
            def _():
                pwfetch(c + NBUF, k)

            @pl.when(c > 0)
            def _():
                pltpu.make_async_copy(
                    rows[kp], acc_sh.at[dst2_v.at[c - 1]], sem_s[kp]).wait()

            @pl.when(c + 2 < nchunks)
            def _():
                pltpu.make_async_copy(rec_hbm.at[wid, c + 2], pw[kn],
                                      sem_f[kn]).wait()
                gather(c + 2, kn)
        return 0

    lax.fori_loop(0, nchunks // NBUF, step, 0)
    pltpu.make_async_copy(rows[(nchunks - 1) % NBUF],
                          acc_sh.at[dst2_v.at[nchunks - 1]],
                          sem_s[(nchunks - 1) % NBUF]).wait()
    plsc.subcore_barrier()

    stripe = pl.ds(sid * rows_per_tile, rows_per_tile)
    pltpu.sync_copy(acc_sh.at[stripe], acc_out.at[cid, stripe])


def kernel(seq, edge_index, W_fc, W_gat, a_src, a_dst, b_conv, bias, prelu_a):
    n = seq.shape[0]
    e = edge_index.shape[1]

    blk = 2000
    grid = n // blk
    a2 = jnp.stack([a_src, a_dst], axis=1)
    h, asd, pmax = pl.pallas_call(
        _dense_proj_kernel,
        grid=(grid,),
        in_specs=[
            pl.BlockSpec((blk, D), lambda i: (i, 0)),
            pl.BlockSpec((D, D), lambda i: (0, 0)),
            pl.BlockSpec((D, D), lambda i: (0, 0)),
            pl.BlockSpec((D, 2), lambda i: (0, 0)),
        ],
        out_specs=[
            pl.BlockSpec((blk, D), lambda i: (i, 0)),
            pl.BlockSpec((blk, 2), lambda i: (i, 0)),
            pl.BlockSpec((1, 2), lambda i: (0, 0)),
        ],
        out_shape=[
            jax.ShapeDtypeStruct((n, D), jnp.float32),
            jax.ShapeDtypeStruct((n, 2), jnp.float32),
            jax.ShapeDtypeStruct((1, 2), jnp.float32),
        ],
    )(seq, W_fc, W_gat, a2)

    mtot = pmax[0, 0] + pmax[0, 1]
    mshift = jnp.where(mtot > 0, mtot, 0.2 * mtot)
    mvec = jnp.full((LANES,), mshift, jnp.float32)

    alpha_s = jnp.pad(asd[:, 0], (0, N_PAD - n))
    alpha_d = jnp.pad(asd[:, 1], (0, N_PAD - n))

    loop_idx = jnp.arange(n, dtype=edge_index.dtype)
    src_all = jnp.concatenate([edge_index[0], loop_idx])
    dst_all = jnp.concatenate([edge_index[1], loop_idx])
    e_tot = e + n
    step = CHUNK * NBUF
    per_tile = -(-e_tot // (NW * step)) * step
    e_pad = per_tile * NW
    src_all = jnp.pad(src_all, (0, e_pad - e_tot)).astype(jnp.int32)
    dst_all = jnp.pad(dst_all, (0, e_pad - e_tot),
                      constant_values=n).astype(jnp.int32)
    nchunks = per_tile // CHUNK
    src_flat = src_all.reshape(NW, per_tile)
    dst_flat = dst_all.reshape(NW, per_tile)
    dst2 = dst_all.reshape(NW, nchunks, CHUNK)

    mesh = plsc.VectorSubcoreMesh(core_axis_name="c", subcore_axis_name="s")
    rec, den = pl.kernel(
        functools.partial(_sc_weights_kernel, nchunks),
        out_type=[
            jax.ShapeDtypeStruct((NW, nchunks * 2 * CHUNK), jnp.int32),
            jax.ShapeDtypeStruct((NW, N_PAD), jnp.float32),
        ],
        mesh=mesh,
        compiler_params=pltpu.CompilerParams(needs_layout_passes=False),
        scratch_types=[
            pltpu.VMEM((per_tile,), jnp.int32),
            pltpu.VMEM((per_tile,), jnp.int32),
            pltpu.VMEM((N_PAD,), jnp.float32),
            pltpu.VMEM((N_PAD,), jnp.float32),
            pltpu.VMEM((N_PAD,), jnp.float32),
            pltpu.VMEM((nchunks * 2 * CHUNK,), jnp.int32),
            pltpu.VMEM((LANES,), jnp.float32),
        ],
    )(src_flat, dst_flat, alpha_s, alpha_d, mvec)

    acc = pl.kernel(
        functools.partial(_sc_scatter_kernel, nchunks),
        out_type=jax.ShapeDtypeStruct((NC, N_PAD, D), jnp.float32),
        mesh=mesh,
        compiler_params=pltpu.CompilerParams(needs_layout_passes=False),
        scratch_types=[
            pltpu.VMEM((nchunks, CHUNK), jnp.int32),
            [pltpu.VMEM((2, CHUNK), jnp.int32) for _ in range(NBUF)],
            [pltpu.VMEM((CHUNK, D), jnp.float32) for _ in range(NBUF)],
            pltpu.VMEM_SHARED((N_PAD, D), jnp.float32),
            [pltpu.SemaphoreType.DMA for _ in range(NBUF)],
            [pltpu.SemaphoreType.DMA for _ in range(NBUF)],
            [pltpu.SemaphoreType.DMA for _ in range(NBUF)],
        ],
    )(rec.reshape(NW, nchunks, 2, CHUNK), dst2, h)

    bsum = (b_conv + bias).reshape(1, D)
    pa = prelu_a.reshape(1, 1)
    fblk = 128
    out = pl.pallas_call(
        _finish_kernel,
        grid=(N_PAD // fblk,),
        in_specs=[
            pl.BlockSpec((NC, fblk, D), lambda i: (0, i, 0)),
            pl.BlockSpec((NW, fblk), lambda i: (0, i)),
            pl.BlockSpec((1, D), lambda i: (0, 0)),
            pl.BlockSpec((1, 1), lambda i: (0, 0)),
        ],
        out_specs=pl.BlockSpec((fblk, D), lambda i: (i, 0)),
        out_shape=jax.ShapeDtypeStruct((N_PAD, D), jnp.float32),
    )(acc, den, bsum, pa)
    return out[:n]

# --- scband reference (transcript-rebuilt; emitter-appended) ---
"""Pipeline reference for scband-gat-3212635537950 (READ-ONLY COPY).

The authoritative reference and input builder live on the scoring server;
editing this copy changes nothing except your own understanding.
"""

import jax, jax.numpy as jnp
import numpy as np

N = 10000
E = 320000
D_IN = 128
D_OUT = 128


def setup_inputs(seed: int = 0):
    key = jax.random.key(seed)
    ks = jax.random.split(key, 6)
    seq = jax.random.normal(ks[0], (N, D_IN), dtype=jnp.float32)
    edge_index = jax.random.randint(ks[1], (2, E), 0, N)
    lim = (6.0 / (D_IN + D_OUT)) ** 0.5
    W_fc = jax.random.uniform(ks[2], (D_IN, D_OUT), minval=-lim, maxval=lim, dtype=jnp.float32)
    W_gat = jax.random.uniform(ks[3], (D_OUT, D_OUT), minval=-lim, maxval=lim, dtype=jnp.float32)
    a_src = jax.random.uniform(ks[4], (D_OUT,), minval=-lim, maxval=lim, dtype=jnp.float32)
    a_dst = jax.random.uniform(ks[5], (D_OUT,), minval=-lim, maxval=lim, dtype=jnp.float32)
    b_conv = jnp.zeros((D_OUT,), dtype=jnp.float32)
    bias = jnp.zeros((D_OUT,), dtype=jnp.float32)
    prelu_a = jnp.array(0.25, dtype=jnp.float32)
    return {"seq": seq, "edge_index": edge_index, "W_fc": W_fc, "W_gat": W_gat,
            "a_src": a_src, "a_dst": a_dst, "b_conv": b_conv, "bias": bias,
            "prelu_a": prelu_a}


def _forward(seq, W_fc, W_gat, a_src, a_dst, b_conv, bias, prelu_a, edge_index):
    n = seq.shape[0]
    # fc (nn.Linear, bias=False)
    h0 = seq @ W_fc
    # GATConv (heads=1, add_self_loops=True, negative_slope=0.2)
    loop = jnp.arange(n, dtype=edge_index.dtype)
    src = jnp.concatenate([edge_index[0], loop])
    dst = jnp.concatenate([edge_index[1], loop])
    h = h0 @ W_gat
    alpha_s = h @ a_src
    alpha_d = h @ a_dst
    e = alpha_s[src] + alpha_d[dst]
    e = jnp.where(e > 0, e, 0.2 * e)  # leaky_relu
    # softmax over incoming edges per destination node
    e_max = jax.ops.segment_max(e, dst, num_segments=n)
    e_exp = jnp.exp(e - e_max[dst])
    denom = jax.ops.segment_sum(e_exp, dst, num_segments=n)
    alpha = e_exp / (denom[dst] + 1e-16)
    out = jax.ops.segment_sum(alpha[:, None] * h[src], dst, num_segments=n)
    out = out + b_conv   # GATConv internal bias
    out = out + bias     # module-level bias parameter
    # PReLU
    return jnp.where(out >= 0, out, prelu_a * out)


def reference(seq, edge_index, W_fc, W_gat, a_src, a_dst, b_conv, bias, prelu_a):
    return _forward(seq, W_fc, W_gat, a_src, a_dst, b_conv, bias, prelu_a, edge_index)

if __name__ == "__main__":
    import jax
    _d = setup_inputs()
    print(jax.jit(kernel)(*tuple(_d.values())))

</pallas_src>

<mosaic_0001>
#map = affine_map<(d0, d1) -> (0, 0, 0, 0)>
#map1 = affine_map<(d0, d1) -> (0, 0, 0)>
#map2 = affine_map<(d0, d1) -> (0, 0)>
module attributes {stable_mosaic.version = 14 : i64} {
  func.func @_sc_scatter_kernel(%arg0: i32, %arg1: i32, %arg2: memref<32x129x2x80xi32, #tpu.memory_space<hbm>>, %arg3: memref<32x129x80xi32, #tpu.memory_space<hbm>>, %arg4: memref<10000x128xf32, #tpu.memory_space<hbm>>, %arg5: memref<2x10112x128xf32, #tpu.memory_space<hbm>>, %arg6: memref<129x80xi32, #tpu.memory_space<vmem>>, %arg7: memref<2x80xi32, #tpu.memory_space<vmem>>, %arg8: memref<2x80xi32, #tpu.memory_space<vmem>>, %arg9: memref<2x80xi32, #tpu.memory_space<vmem>>, %arg10: memref<80x128xf32, #tpu.memory_space<vmem>>, %arg11: memref<80x128xf32, #tpu.memory_space<vmem>>, %arg12: memref<80x128xf32, #tpu.memory_space<vmem>>, %arg13: memref<10112x128xf32, #tpu.memory_space<vmem_shared>>, %arg14: memref<!tpu.dma_semaphore, #tpu.memory_space<semaphore_mem>>, %arg15: memref<!tpu.dma_semaphore, #tpu.memory_space<semaphore_mem>>, %arg16: memref<!tpu.dma_semaphore, #tpu.memory_space<semaphore_mem>>, %arg17: memref<!tpu.dma_semaphore, #tpu.memory_space<semaphore_mem>>, %arg18: memref<!tpu.dma_semaphore, #tpu.memory_space<semaphore_mem>>, %arg19: memref<!tpu.dma_semaphore, #tpu.memory_space<semaphore_mem>>, %arg20: memref<!tpu.dma_semaphore, #tpu.memory_space<semaphore_mem>>, %arg21: memref<!tpu.dma_semaphore, #tpu.memory_space<semaphore_mem>>, %arg22: memref<!tpu.dma_semaphore, #tpu.memory_space<semaphore_mem>>) attributes {dimension_semantics = [#tpu.dimension_semantics<core_parallel>, #tpu.dimension_semantics<subcore_parallel>], iteration_bounds = array<i64: 2, 16>, scalar_prefetch = 0 : i64, scratch_operands = 17 : i64, tpu.core_type = #tpu.core_type<sc_vector_subcore>, window_params = [{transform_indices = #map}, {transform_indices = #map1}, {transform_indices = #map2}, {transform_indices = #map1}]} {
    %mul3A = arith.constant 16 : i32
    %mul3A_0 = arith.muli %arg0, %mul3A : i32
    %add3A = arith.addi %mul3A_0, %arg1 : i32
    "tpu.region"() ({
      %run_scoped3A = tpu.sem_alloc : memref<!tpu.dma_semaphore, #tpu.memory_space<semaphore_mem>>
      %dma_start3A_175 = arith.constant 0 : i32
      %dma_start3A_176 = arith.constant 0 : i32
      %dma_start3A_177 = tpu.memref_slice %arg3[%add3A, %dma_start3A_175, %dma_start3A_176] : memref<32x129x80xi32, #tpu.memory_space<hbm>> -> memref<1x129x80xi32, #tpu.memory_space<hbm>>
      %dma_start3A_178 = tpu.memref_squeeze %dma_start3A_177 : memref<1x129x80xi32, #tpu.memory_space<hbm>> -> memref<129x80xi32, #tpu.memory_space<hbm>>
      %dma_start3A_179 = arith.constant 0 : i32
      %dma_start3A_180 = arith.constant 0 : i32
      %dma_start3A_181 = tpu.memref_slice %arg3[%add3A, %dma_start3A_179, %dma_start3A_180] : memref<32x129x80xi32, #tpu.memory_space<hbm>> -> memref<1x129x80xi32, #tpu.memory_space<hbm>>
      %dma_start3A_182 = tpu.memref_squeeze %dma_start3A_181 : memref<1x129x80xi32, #tpu.memory_space<hbm>> -> memref<129x80xi32, #tpu.memory_space<hbm>>
      tpu.enqueue_dma source(%dma_start3A_182 : memref<129x80xi32, #tpu.memory_space<hbm>>) target(%arg6 : memref<129x80xi32, #tpu.memory_space<vmem>>) target_semaphore(%run_scoped3A : memref<!tpu.dma_semaphore, #tpu.memory_space<semaphore_mem>>)
      %dma_wait3A_183 = arith.constant 0 : i32
      %dma_wait3A_184 = arith.constant 0 : i32
      %dma_wait3A_185 = tpu.memref_slice %arg3[%add3A, %dma_wait3A_183, %dma_wait3A_184] : memref<32x129x80xi32, #tpu.memory_space<hbm>> -> memref<1x129x80xi32, #tpu.memory_space<hbm>>
      %dma_wait3A_186 = tpu.memref_squeeze %dma_wait3A_185 : memref<1x129x80xi32, #tpu.memory_space<hbm>> -> memref<129x80xi32, #tpu.memory_space<hbm>>
      %dma_wait3A_187 = arith.constant 0 : i32
      %dma_wait3A_188 = arith.constant 0 : i32
      %dma_wait3A_189 = tpu.memref_slice %arg3[%add3A, %dma_wait3A_187, %dma_wait3A_188] : memref<32x129x80xi32, #tpu.memory_space<hbm>> -> memref<1x129x80xi32, #tpu.memory_space<hbm>>
      %dma_wait3A_190 = tpu.memref_squeeze %dma_wait3A_189 : memref<1x129x80xi32, #tpu.memory_space<hbm>> -> memref<129x80xi32, #tpu.memory_space<hbm>>
      tpu.wait_dma2 semaphore(%run_scoped3A : memref<!tpu.dma_semaphore, #tpu.memory_space<semaphore_mem>>) src(%dma_wait3A_190 : memref<129x80xi32, #tpu.memory_space<hbm>>) dst(%arg6 : memref<129x80xi32, #tpu.memory_space<vmem>>)
      tpu.yield
    }) : () -> ()
    %scan3A = arith.constant 0 : i32
    %scan3A_1 = arith.constant 0 : i32
    %scan3A_2 = arith.constant 80 : i32
    %scan3A_3 = arith.addi %scan3A_1, %scan3A_2 : i32
    %scan3A_4 = arith.constant 1 : i32
    %scan3A_5 = scf.for %scan3A_175 = %scan3A_1 to %scan3A_3 step %scan3A_4 iter_args(%scan3A_176 = %scan3A) -> (i32)  : i32 {
      %broadcast_in_dim3A = arith.constant 0.000000e+00 : f32
      %broadcast_in_dim3A_177 = vector.broadcast %broadcast_in_dim3A : f32 to vector<16xf32>
      %swap3A = arith.index_cast %scan3A_175 : i32 to index
      %swap3A_178 = arith.constant 0 : index
      %swap3A_179 = tpu.vector_load %arg10[%swap3A, %swap3A_178] {strides = array<i32>} : memref<80x128xf32, #tpu.memory_space<vmem>>, vector<16xf32>,
      tpu.vector_store %arg10[%swap3A, %swap3A_178], %broadcast_in_dim3A_177 {strides = array<i32>} : memref<80x128xf32, #tpu.memory_space<vmem>>, vector<16xf32>,
      %broadcast_in_dim3A_180 = arith.constant 0.000000e+00 : f32
      %broadcast_in_dim3A_181 = vector.broadcast %broadcast_in_dim3A_180 : f32 to vector<16xf32>
      %swap3A_182 = arith.index_cast %scan3A_175 : i32 to index
      %swap3A_183 = arith.constant 16 : index
      %swap3A_184 = tpu.vector_load %arg10[%swap3A_182, %swap3A_183] {strides = array<i32>} : memref<80x128xf32, #tpu.memory_space<vmem>>, vector<16xf32>,
      tpu.vector_store %arg10[%swap3A_182, %swap3A_183], %broadcast_in_dim3A_181 {strides = array<i32>} : memref<80x128xf32, #tpu.memory_space<vmem>>, vector<16xf32>,
      %broadcast_in_dim3A_185 = arith.constant 0.000000e+00 : f32
      %broadcast_in_dim3A_186 = vector.broadcast %broadcast_in_dim3A_185 : f32 to vector<16xf32>
      %swap3A_187 = arith.index_cast %scan3A_175 : i32 to index
      %swap3A_188 = arith.constant 32 : index
      %swap3A_189 = tpu.vector_load %arg10[%swap3A_187, %swap3A_188] {strides = array<i32>} : memref<80x128xf32, #tpu.memory_space<vmem>>, vector<16xf32>,
      tpu.vector_store %arg10[%swap3A_187, %swap3A_188], %broadcast_in_dim3A_186 {strides = array<i32>} : memref<80x128xf32, #tpu.memory_space<vmem>>, vector<16xf32>,
      %broadcast_in_dim3A_190 = arith.constant 0.000000e+00 : f32
      %broadcast_in_dim3A_191 = vector.broadcast %broadcast_in_dim3A_190 : f32 to vector<16xf32>
      %swap3A_192 = arith.index_cast %scan3A_175 : i32 to index
      %swap3A_193 = arith.constant 48 : index
      %swap3A_194 = tpu.vector_load %arg10[%swap3A_192, %swap3A_193] {strides = array<i32>} : memref<80x128xf32, #tpu.memory_space<vmem>>, vector<16xf32>,
      tpu.vector_store %arg10[%swap3A_192, %swap3A_193], %broadcast_in_dim3A_191 {strides = array<i32>} : memref<80x128xf32, #tpu.memory_space<vmem>>, vector<16xf32>,
      %broadcast_in_dim3A_195 = arith.constant 0.000000e+00 : f32
      %broadcast_in_dim3A_196 = vector.broadcast %broadcast_in_dim3A_195 : f32 to vector<16xf32>
      %swap3A_197 = arith.index_cast %scan3A_175 : i32 to index
      %swap3A_198 = arith.constant 64 : index
      %swap3A_199 = tpu.vector_load %arg10[%swap3A_197, %swap3A_198] {strides = array<i32>} : memref<80x128xf32, #tpu.memory_space<vmem>>, vector<16xf32>,
      tpu.vector_store %arg10[%swap3A_197, %swap3A_198], %broadcast_in_dim3A_196 {strides = array<i32>} : memref<80x128xf32, #tpu.memory_space<vmem>>, vector<16xf32>,
      %broadcast_in_dim3A_200 = arith.constant 0.000000e+00 : f32
      %broadcast_in_dim3A_201 = vector.broadcast %broadcast_in_dim3A_200 : f32 to vector<16xf32>
      %swap3A_202 = arith.index_cast %scan3A_175 : i32 to index
      %swap3A_203 = arith.constant 80 : index
      %swap3A_204 = tpu.vector_load %arg10[%swap3A_202, %swap3A_203] {strides = array<i32>} : memref<80x128xf32, #tpu.memory_space<vmem>>, vector<16xf32>,
      tpu.vector_store %arg10[%swap3A_202, %swap3A_203], %broadcast_in_dim3A_201 {strides = array<i32>} : memref<80x128xf32, #tpu.memory_space<vmem>>, vector<16xf32>,
      %broadcast_in_dim3A_205 = arith.constant 0.000000e+00 : f32
      %broadcast_in_dim3A_206 = vector.broadcast %broadcast_in_dim3A_205 : f32 to vector<16xf32>
      %swap3A_207 = arith.index_cast %scan3A_175 : i32 to index
      %swap3A_208 = arith.constant 96 : index
      %swap3A_209 = tpu.vector_load %arg10[%swap3A_207, %swap3A_208] {strides = array<i32>} : memref<80x128xf32, #tpu.memory_space<vmem>>, vector<16xf32>,
      tpu.vector_store %arg10[%swap3A_207, %swap3A_208], %broadcast_in_dim3A_206 {strides = array<i32>} : memref<80x128xf32, #tpu.memory_space<vmem>>, vector<16xf32>,
      %broadcast_in_dim3A_210 = arith.constant 0.000000e+00 : f32
      %broadcast_in_dim3A_211 = vector.broadcast %broadcast_in_dim3A_210 : f32 to vector<16xf32>
      %swap3A_212 = arith.index_cast %scan3A_175 : i32 to index
      %swap3A_213 = arith.constant 112 : index
      %swap3A_214 = tpu.vector_load %arg10[%swap3A_212, %swap3A_213] {strides = array<i32>} : memref<80x128xf32, #tpu.memory_space<vmem>>, vector<16xf32>,
      tpu.vector_store %arg10[%swap3A_212, %swap3A_213], %broadcast_in_dim3A_211 {strides = array<i32>} : memref<80x128xf32, #tpu.memory_space<vmem>>, vector<16xf32>,
      %scan3A_215 = arith.constant 0 : i32
      scf.yield %scan3A_215 : i32
    }
    %scan3A_6 = arith.constant 80 : i32
    %mul3A_7 = arith.constant 632 : i32
    %mul3A_8 = arith.muli %arg1, %mul3A_7 : i32
    %add3A_9 = arith.constant 0 : i32
    %add3A_10 = arith.addi %mul3A_8, %add3A_9 : i32
    %dma_start3A = arith.constant 0 : i32
    %dma_start3A_11 = tpu.memref_slice %arg13[%add3A_10, %dma_start3A] : memref<10112x128xf32, #tpu.memory_space<vmem_shared>> -> memref<80x128xf32, #tpu.memory_space<vmem_shared>>
    %dma_start3A_12 = arith.constant 0 : i32
    %dma_start3A_13 = tpu.memref_slice %arg13[%add3A_10, %dma_start3A_12] : memref<10112x128xf32, #tpu.memory_space<vmem_shared>> -> memref<80x128xf32, #tpu.memory_space<vmem_shared>>
    tpu.enqueue_dma source(%arg10 : memref<80x128xf32, #tpu.memory_space<vmem>>) target(%dma_start3A_13 : memref<80x128xf32, #tpu.memory_space<vmem_shared>>) target_semaphore(%arg20 : memref<!tpu.dma_semaphore, #tpu.memory_space<semaphore_mem>>)
    %add3A_14 = arith.constant 80 : i32
    %add3A_15 = arith.addi %mul3A_8, %add3A_14 : i32
    %dma_start3A_16 = arith.constant 0 : i32
    %dma_start3A_17 = tpu.memref_slice %arg13[%add3A_15, %dma_start3A_16] : memref<10112x128xf32, #tpu.memory_space<vmem_shared>> -> memref<80x128xf32, #tpu.memory_space<vmem_shared>>
    %dma_start3A_18 = arith.constant 0 : i32
    %dma_start3A_19 = tpu.memref_slice %arg13[%add3A_15, %dma_start3A_18] : memref<10112x128xf32, #tpu.memory_space<vmem_shared>> -> memref<80x128xf32, #tpu.memory_space<vmem_shared>>
    tpu.enqueue_dma source(%arg10 : memref<80x128xf32, #tpu.memory_space<vmem>>) target(%dma_start3A_19 : memref<80x128xf32, #tpu.memory_space<vmem_shared>>) target_semaphore(%arg20 : memref<!tpu.dma_semaphore, #tpu.memory_space<semaphore_mem>>)
    %add3A_20 = arith.constant 160 : i32
    %add3A_21 = arith.addi %mul3A_8, %add3A_20 : i32
    %dma_start3A_22 = arith.constant 0 : i32
    %dma_start3A_23 = tpu.memref_slice %arg13[%add3A_21, %dma_start3A_22] : memref<10112x128xf32, #tpu.memory_space<vmem_shared>> -> memref<80x128xf32, #tpu.memory_space<vmem_shared>>
    %dma_start3A_24 = arith.constant 0 : i32
    %dma_start3A_25 = tpu.memref_slice %arg13[%add3A_21, %dma_start3A_24] : memref<10112x128xf32, #tpu.memory_space<vmem_shared>> -> memref<80x128xf32, #tpu.memory_space<vmem_shared>>
    tpu.enqueue_dma source(%arg10 : memref<80x128xf32, #tpu.memory_space<vmem>>) target(%dma_start3A_25 : memref<80x128xf32, #tpu.memory_space<vmem_shared>>) target_semaphore(%arg20 : memref<!tpu.dma_semaphore, #tpu.memory_space<semaphore_mem>>)
    %add3A_26 = arith.constant 240 : i32
    %add3A_27 = arith.addi %mul3A_8, %add3A_26 : i32
    %dma_start3A_28 = arith.constant 0 : i32
    %dma_start3A_29 = tpu.memref_slice %arg13[%add3A_27, %dma_start3A_28] : memref<10112x128xf32, #tpu.memory_space<vmem_shared>> -> memref<80x128xf32, #tpu.memory_space<vmem_shared>>
    %dma_start3A_30 = arith.constant 0 : i32
    %dma_start3A_31 = tpu.memref_slice %arg13[%add3A_27, %dma_start3A_30] : memref<10112x128xf32, #tpu.memory_space<vmem_shared>> -> memref<80x128xf32, #tpu.memory_space<vmem_shared>>
    tpu.enqueue_dma source(%arg10 : memref<80x128xf32, #tpu.memory_space<vmem>>) target(%dma_start3A_31 : memref<80x128xf32, #tpu.memory_space<vmem_shared>>) target_semaphore(%arg20 : memref<!tpu.dma_semaphore, #tpu.memory_space<semaphore_mem>>)
    %add3A_32 = arith.constant 320 : i32
    %add3A_33 = arith.addi %mul3A_8, %add3A_32 : i32
    %dma_start3A_34 = arith.constant 0 : i32
    %dma_start3A_35 = tpu.memref_slice %arg13[%add3A_33, %dma_start3A_34] : memref<10112x128xf32, #tpu.memory_space<vmem_shared>> -> memref<80x128xf32, #tpu.memory_space<vmem_shared>>
    %dma_start3A_36 = arith.constant 0 : i32
    %dma_start3A_37 = tpu.memref_slice %arg13[%add3A_33, %dma_start3A_36] : memref<10112x128xf32, #tpu.memory_space<vmem_shared>> -> memref<80x128xf32, #tpu.memory_space<vmem_shared>>
    tpu.enqueue_dma source(%arg10 : memref<80x128xf32, #tpu.memory_space<vmem>>) target(%dma_start3A_37 : memref<80x128xf32, #tpu.memory_space<vmem_shared>>) target_semaphore(%arg20 : memref<!tpu.dma_semaphore, #tpu.memory_space<semaphore_mem>>)
    %add3A_38 = arith.constant 400 : i32
    %add3A_39 = arith.addi %mul3A_8, %add3A_38 : i32
    %dma_start3A_40 = arith.constant 0 : i32
    %dma_start3A_41 = tpu.memref_slice %arg13[%add3A_39, %dma_start3A_40] : memref<10112x128xf32, #tpu.memory_space<vmem_shared>> -> memref<80x128xf32, #tpu.memory_space<vmem_shared>>
    %dma_start3A_42 = arith.constant 0 : i32
    %dma_start3A_43 = tpu.memref_slice %arg13[%add3A_39, %dma_start3A_42] : memref<10112x128xf32, #tpu.memory_space<vmem_shared>> -> memref<80x128xf32, #tpu.memory_space<vmem_shared>>
    tpu.enqueue_dma source(%arg10 : memref<80x128xf32, #tpu.memory_space<vmem>>) target(%dma_start3A_43 : memref<80x128xf32, #tpu.memory_space<vmem_shared>>) target_semaphore(%arg20 : memref<!tpu.dma_semaphore, #tpu.memory_space<semaphore_mem>>)
    %add3A_44 = arith.constant 480 : i32
    %add3A_45 = arith.addi %mul3A_8, %add3A_44 : i32
    %dma_start3A_46 = arith.constant 0 : i32
    %dma_start3A_47 = tpu.memref_slice %arg13[%add3A_45, %dma_start3A_46] : memref<10112x128xf32, #tpu.memory_space<vmem_shared>> -> memref<80x128xf32, #tpu.memory_space<vmem_shared>>
    %dma_start3A_48 = arith.constant 0 : i32
    %dma_start3A_49 = tpu.memref_slice %arg13[%add3A_45, %dma_start3A_48] : memref<10112x128xf32, #tpu.memory_space<vmem_shared>> -> memref<80x128xf32, #tpu.memory_space<vmem_shared>>
    tpu.enqueue_dma source(%arg10 : memref<80x128xf32, #tpu.memory_space<vmem>>) target(%dma_start3A_49 : memref<80x128xf32, #tpu.memory_space<vmem_shared>>) target_semaphore(%arg20 : memref<!tpu.dma_semaphore, #tpu.memory_space<semaphore_mem>>)
    %add3A_50 = arith.constant 560 : i32
    %add3A_51 = arith.addi %mul3A_8, %add3A_50 : i32
    %dma_start3A_52 = arith.constant 0 : i32
    %dma_start3A_53 = arith.constant 0 : i32
    %dma_start3A_54 = tpu.memref_slice %arg10[%dma_start3A_52, %dma_start3A_53] : memref<80x128xf32, #tpu.memory_space<vmem>> -> memref<72x128xf32, #tpu.memory_space<vmem>>
    %dma_start3A_55 = arith.constant 0 : i32
    %dma_start3A_56 = tpu.memref_slice %arg13[%add3A_51, %dma_start3A_55] : memref<10112x128xf32, #tpu.memory_space<vmem_shared>> -> memref<72x128xf32, #tpu.memory_space<vmem_shared>>
    %dma_start3A_57 = arith.constant 0 : i32
    %dma_start3A_58 = tpu.memref_slice %arg13[%add3A_51, %dma_start3A_57] : memref<10112x128xf32, #tpu.memory_space<vmem_shared>> -> memref<72x128xf32, #tpu.memory_space<vmem_shared>>
    %dma_start3A_59 = arith.constant 0 : i32
    %dma_start3A_60 = arith.constant 0 : i32
    %dma_start3A_61 = tpu.memref_slice %arg10[%dma_start3A_59, %dma_start3A_60] : memref<80x128xf32, #tpu.memory_space<vmem>> -> memref<72x128xf32, #tpu.memory_space<vmem>>
    tpu.enqueue_dma source(%dma_start3A_61 : memref<72x128xf32, #tpu.memory_space<vmem>>) target(%dma_start3A_58 : memref<72x128xf32, #tpu.memory_space<vmem_shared>>) target_semaphore(%arg20 : memref<!tpu.dma_semaphore, #tpu.memory_space<semaphore_mem>>)
    %dma_wait3A = arith.constant 0 : i32
    %dma_wait3A_62 = tpu.memref_slice %arg13[%add3A_10, %dma_wait3A] : memref<10112x128xf32, #tpu.memory_space<vmem_shared>> -> memref<80x128xf32, #tpu.memory_space<vmem_shared>>
    %dma_wait3A_63 = arith.constant 0 : i32
    %dma_wait3A_64 = tpu.memref_slice %arg13[%add3A_10, %dma_wait3A_63] : memref<10112x128xf32, #tpu.memory_space<vmem_shared>> -> memref<80x128xf32, #tpu.memory_space<vmem_shared>>
    tpu.wait_dma2 semaphore(%arg20 : memref<!tpu.dma_semaphore, #tpu.memory_space<semaphore_mem>>) src(%arg10 : memref<80x128xf32, #tpu.memory_space<vmem>>) dst(%dma_wait3A_64 : memref<80x128xf32, #tpu.memory_space<vmem_shared>>)
    %dma_wait3A_65 = arith.constant 0 : i32
    %dma_wait3A_66 = tpu.memref_slice %arg13[%add3A_15, %dma_wait3A_65] : memref<10112x128xf32, #tpu.memory_space<vmem_shared>> -> memref<80x128xf32, #tpu.memory_space<vmem_shared>>
    %dma_wait3A_67 = arith.constant 0 : i32
    %dma_wait3A_68 = tpu.memref_slice %arg13[%add3A_15, %dma_wait3A_67] : memref<10112x128xf32, #tpu.memory_space<vmem_shared>> -> memref<80x128xf32, #tpu.memory_space<vmem_shared>>
    tpu.wait_dma2 semaphore(%arg20 : memref<!tpu.dma_semaphore, #tpu.memory_space<semaphore_mem>>) src(%arg10 : memref<80x128xf32, #tpu.memory_space<vmem>>) dst(%dma_wait3A_68 : memref<80x128xf32, #tpu.memory_space<vmem_shared>>)
    %dma_wait3A_69 = arith.constant 0 : i32
    %dma_wait3A_70 = tpu.memref_slice %arg13[%add3A_21, %dma_wait3A_69] : memref<10112x128xf32, #tpu.memory_space<vmem_shared>> -> memref<80x128xf32, #tpu.memory_space<vmem_shared>>
    %dma_wait3A_71 = arith.constant 0 : i32
    %dma_wait3A_72 = tpu.memref_slice %arg13[%add3A_21, %dma_wait3A_71] : memref<10112x128xf32, #tpu.memory_space<vmem_shared>> -> memref<80x128xf32, #tpu.memory_space<vmem_shared>>
    tpu.wait_dma2 semaphore(%arg20 : memref<!tpu.dma_semaphore, #tpu.memory_space<semaphore_mem>>) src(%arg10 : memref<80x128xf32, #tpu.memory_space<vmem>>) dst(%dma_wait3A_72 : memref<80x128xf32, #tpu.memory_space<vmem_shared>>)
    %dma_wait3A_73 = arith.constant 0 : i32
    %dma_wait3A_74 = tpu.memref_slice %arg13[%add3A_27, %dma_wait3A_73] : memref<10112x128xf32, #tpu.memory_space<vmem_shared>> -> memref<80x128xf32, #tpu.memory_space<vmem_shared>>
    %dma_wait3A_75 = arith.constant 0 : i32
    %dma_wait3A_76 = tpu.memref_slice %arg13[%add3A_27, %dma_wait3A_75] : memref<10112x128xf32, #tpu.memory_space<vmem_shared>> -> memref<80x128xf32, #tpu.memory_space<vmem_shared>>
    tpu.wait_dma2 semaphore(%arg20 : memref<!tpu.dma_semaphore, #tpu.memory_space<semaphore_mem>>) src(%arg10 : memref<80x128xf32, #tpu.memory_space<vmem>>) dst(%dma_wait3A_76 : memref<80x128xf32, #tpu.memory_space<vmem_shared>>)
    %dma_wait3A_77 = arith.constant 0 : i32
    %dma_wait3A_78 = tpu.memref_slice %arg13[%add3A_33, %dma_wait3A_77] : memref<10112x128xf32, #tpu.memory_space<vmem_shared>> -> memref<80x128xf32, #tpu.memory_space<vmem_shared>>
    %dma_wait3A_79 = arith.constant 0 : i32
    %dma_wait3A_80 = tpu.memref_slice %arg13[%add3A_33, %dma_wait3A_79] : memref<10112x128xf32, #tpu.memory_space<vmem_shared>> -> memref<80x128xf32, #tpu.memory_space<vmem_shared>>
    tpu.wait_dma2 semaphore(%arg20 : memref<!tpu.dma_semaphore, #tpu.memory_space<semaphore_mem>>) src(%arg10 : memref<80x128xf32, #tpu.memory_space<vmem>>) dst(%dma_wait3A_80 : memref<80x128xf32, #tpu.memory_space<vmem_shared>>)
    %dma_wait3A_81 = arith.constant 0 : i32
    %dma_wait3A_82 = tpu.memref_slice %arg13[%add3A_39, %dma_wait3A_81] : memref<10112x128xf32, #tpu.memory_space<vmem_shared>> -> memref<80x128xf32, #tpu.memory_space<vmem_shared>>
    %dma_wait3A_83 = arith.constant 0 : i32
    %dma_wait3A_84 = tpu.memref_slice %arg13[%add3A_39, %dma_wait3A_83] : memref<10112x128xf32, #tpu.memory_space<vmem_shared>> -> memref<80x128xf32, #tpu.memory_space<vmem_shared>>
    tpu.wait_dma2 semaphore(%arg20 : memref<!tpu.dma_semaphore, #tpu.memory_space<semaphore_mem>>) src(%arg10 : memref<80x128xf32, #tpu.memory_space<vmem>>) dst(%dma_wait3A_84 : memref<80x128xf32, #tpu.memory_space<vmem_shared>>)
    %dma_wait3A_85 = arith.constant 0 : i32
    %dma_wait3A_86 = tpu.memref_slice %arg13[%add3A_45, %dma_wait3A_85] : memref<10112x128xf32, #tpu.memory_space<vmem_shared>> -> memref<80x128xf32, #tpu.memory_space<vmem_shared>>
    %dma_wait3A_87 = arith.constant 0 : i32
    %dma_wait3A_88 = tpu.memref_slice %arg13[%add3A_45, %dma_wait3A_87] : memref<10112x128xf32, #tpu.memory_space<vmem_shared>> -> memref<80x128xf32, #tpu.memory_space<vmem_shared>>
    tpu.wait_dma2 semaphore(%arg20 : memref<!tpu.dma_semaphore, #tpu.memory_space<semaphore_mem>>) src(%arg10 : memref<80x128xf32, #tpu.memory_space<vmem>>) dst(%dma_wait3A_88 : memref<80x128xf32, #tpu.memory_space<vmem_shared>>)
    %dma_wait3A_89 = arith.constant 0 : i32
    %dma_wait3A_90 = arith.constant 0 : i32
    %dma_wait3A_91 = tpu.memref_slice %arg10[%dma_wait3A_89, %dma_wait3A_90] : memref<80x128xf32, #tpu.memory_space<vmem>> -> memref<72x128xf32, #tpu.memory_space<vmem>>
    %dma_wait3A_92 = arith.constant 0 : i32
    %dma_wait3A_93 = tpu.memref_slice %arg13[%add3A_51, %dma_wait3A_92] : memref<10112x128xf32, #tpu.memory_space<vmem_shared>> -> memref<72x128xf32, #tpu.memory_space<vmem_shared>>
    %dma_wait3A_94 = arith.constant 0 : i32
    %dma_wait3A_95 = tpu.memref_slice %arg13[%add3A_51, %dma_wait3A_94] : memref<10112x128xf32, #tpu.memory_space<vmem_shared>> -> memref<72x128xf32, #tpu.memory_space<vmem_shared>>
    %dma_wait3A_96 = arith.constant 0 : i32
    %dma_wait3A_97 = arith.constant 0 : i32
    %dma_wait3A_98 = tpu.memref_slice %arg10[%dma_wait3A_96, %dma_wait3A_97] : memref<80x128xf32, #tpu.memory_space<vmem>> -> memref<72x128xf32, #tpu.memory_space<vmem>>
    tpu.wait_dma2 semaphore(%arg20 : memref<!tpu.dma_semaphore, #tpu.memory_space<semaphore_mem>>) src(%dma_wait3A_98 : memref<72x128xf32, #tpu.memory_space<vmem>>) dst(%dma_wait3A_95 : memref<72x128xf32, #tpu.memory_space<vmem_shared>>)
    %barrier3A = arith.constant 0 : index
    tpu.barrier barrier_id(%barrier3A)
    %dma_start3A_99 = arith.constant 0 : i32
    %dma_start3A_100 = arith.constant 0 : i32
    %dma_start3A_101 = arith.constant 0 : i32
    %dma_start3A_102 = tpu.memref_slice %arg2[%add3A, %dma_start3A_99, %dma_start3A_100, %dma_start3A_101] : memref<32x129x2x80xi32, #tpu.memory_space<hbm>> -> memref<1x1x2x80xi32, #tpu.memory_space<hbm>>
    %dma_start3A_103 = tpu.memref_squeeze %dma_start3A_102 : memref<1x1x2x80xi32, #tpu.memory_space<hbm>> -> memref<2x80xi32, #tpu.memory_space<hbm>>
    %dma_start3A_104 = arith.constant 0 : i32
    %dma_start3A_105 = arith.constant 0 : i32
    %dma_start3A_106 = tpu.memref_slice %arg2[%add3A, %dma_start3A_99, %dma_start3A_104, %dma_start3A_105] : memref<32x129x2x80xi32, #tpu.memory_space<hbm>> -> memref<1x1x2x80xi32, #tpu.memory_space<hbm>>
    %dma_start3A_107 = tpu.memref_squeeze %dma_start3A_106 : memref<1x1x2x80xi32, #tpu.memory_space<hbm>> -> memref<2x80xi32, #tpu.memory_space<hbm>>
    tpu.enqueue_dma source(%dma_start3A_107 : memref<2x80xi32, #tpu.memory_space<hbm>>) target(%arg7 : memref<2x80xi32, #tpu.memory_space<vmem>>) target_semaphore(%arg14 : memref<!tpu.dma_semaphore, #tpu.memory_space<semaphore_mem>>)
    %dma_start3A_108 = arith.constant 1 : i32
    %dma_start3A_109 = arith.constant 0 : i32
    %dma_start3A_110 = arith.constant 0 : i32
    %dma_start3A_111 = tpu.memref_slice %arg2[%add3A, %dma_start3A_108, %dma_start3A_109, %dma_start3A_110] : memref<32x129x2x80xi32, #tpu.memory_space<hbm>> -> memref<1x1x2x80xi32, #tpu.memory_space<hbm>>
    %dma_start3A_112 = tpu.memref_squeeze %dma_start3A_111 : memref<1x1x2x80xi32, #tpu.memory_space<hbm>> -> memref<2x80xi32, #tpu.memory_space<hbm>>
    %dma_start3A_113 = arith.constant 0 : i32
    %dma_start3A_114 = arith.constant 0 : i32
    %dma_start3A_115 = tpu.memref_slice %arg2[%add3A, %dma_start3A_108, %dma_start3A_113, %dma_start3A_114] : memref<32x129x2x80xi32, #tpu.memory_space<hbm>> -> memref<1x1x2x80xi32, #tpu.memory_space<hbm>>
    %dma_start3A_116 = tpu.memref_squeeze %dma_start3A_115 : memref<1x1x2x80xi32, #tpu.memory_space<hbm>> -> memref<2x80xi32, #tpu.memory_space<hbm>>
    tpu.enqueue_dma source(%dma_start3A_116 : memref<2x80xi32, #tpu.memory_space<hbm>>) target(%arg8 : memref<2x80xi32, #tpu.memory_space<vmem>>) target_semaphore(%arg15 : memref<!tpu.dma_semaphore, #tpu.memory_space<semaphore_mem>>)
    %dma_start3A_117 = arith.constant 2 : i32
    %dma_start3A_118 = arith.constant 0 : i32
    %dma_start3A_119 = arith.constant 0 : i32
    %dma_start3A_120 = tpu.memref_slice %arg2[%add3A, %dma_start3A_117, %dma_start3A_118, %dma_start3A_119] : memref<32x129x2x80xi32, #tpu.memory_space<hbm>> -> memref<1x1x2x80xi32, #tpu.memory_space<hbm>>
    %dma_start3A_121 = tpu.memref_squeeze %dma_start3A_120 : memref<1x1x2x80xi32, #tpu.memory_space<hbm>> -> memref<2x80xi32, #tpu.memory_space<hbm>>
    %dma_start3A_122 = arith.constant 0 : i32
    %dma_start3A_123 = arith.constant 0 : i32
    %dma_start3A_124 = tpu.memref_slice %arg2[%add3A, %dma_start3A_117, %dma_start3A_122, %dma_start3A_123] : memref<32x129x2x80xi32, #tpu.memory_space<hbm>> -> memref<1x1x2x80xi32, #tpu.memory_space<hbm>>
    %dma_start3A_125 = tpu.memref_squeeze %dma_start3A_124 : memref<1x1x2x80xi32, #tpu.memory_space<hbm>> -> memref<2x80xi32, #tpu.memory_space<hbm>>
    tpu.enqueue_dma source(%dma_start3A_125 : memref<2x80xi32, #tpu.memory_space<hbm>>) target(%arg9 : memref<2x80xi32, #tpu.memory_space<vmem>>) target_semaphore(%arg16 : memref<!tpu.dma_semaphore, #tpu.memory_space<semaphore_mem>>)
    %dma_wait3A_126 = arith.constant 0 : i32
    %dma_wait3A_127 = arith.constant 0 : i32
    %dma_wait3A_128 = arith.constant 0 : i32
    %dma_wait3A_129 = tpu.memref_slice %arg2[%add3A, %dma_wait3A_126, %dma_wait3A_127, %dma_wait3A_128] : memref<32x129x2x80xi32, #tpu.memory_space<hbm>> -> memref<1x1x2x80xi32, #tpu.memory_space<hbm>>
    %dma_wait3A_130 = tpu.memref_squeeze %dma_wait3A_129 : memref<1x1x2x80xi32, #tpu.memory_space<hbm>> -> memref<2x80xi32, #tpu.memory_space<hbm>>
    %dma_wait3A_131 = arith.constant 0 : i32
    %dma_wait3A_132 = arith.constant 0 : i32
    %dma_wait3A_133 = tpu.memref_slice %arg2[%add3A, %dma_wait3A_126, %dma_wait3A_131, %dma_wait3A_132] : memref<32x129x2x80xi32, #tpu.memory_space<hbm>> -> memref<1x1x2x80xi32, #tpu.memory_space<hbm>>
    %dma_wait3A_134 = tpu.memref_squeeze %dma_wait3A_133 : memref<1x1x2x80xi32, #tpu.memory_space<hbm>> -> memref<2x80xi32, #tpu.memory_space<hbm>>
    tpu.wait_dma2 semaphore(%arg14 : memref<!tpu.dma_semaphore, #tpu.memory_space<semaphore_mem>>) src(%dma_wait3A_134 : memref<2x80xi32, #tpu.memory_space<hbm>>) dst(%arg7 : memref<2x80xi32, #tpu.memory_space<vmem>>)
    %dma_start3A_135 = arith.constant 0 : i32
    %dma_start3A_136 = arith.constant 0 : i32
    %dma_start3A_137 = tpu.memref_slice %arg7[%dma_start3A_135, %dma_start3A_136] : memref<2x80xi32, #tpu.memory_space<vmem>> -> memref<1x80xi32, #tpu.memory_space<vmem>>
    %dma_start3A_138 = tpu.memref_squeeze %dma_start3A_137 : memref<1x80xi32, #tpu.memory_space<vmem>> -> memref<80xi32, #tpu.memory_space<vmem>>
    %dma_start3A_139 = arith.constant 0 : i32
    %dma_start3A_140 = arith.constant 0 : i32
    %dma_start3A_141 = tpu.memref_slice %arg4[%dma_start3A_139, %dma_start3A_140] : memref<10000x128xf32, #tpu.memory_space<hbm>> -> memref<10000x128xf32, #tpu.memory_space<hbm>>
    tpu.enqueue_indirect_dma source(%dma_start3A_141 : memref<10000x128xf32, #tpu.memory_space<hbm>>) target(%arg10 : memref<80x128xf32, #tpu.memory_space<vmem>>) offsets(%dma_start3A_138 : memref<80xi32, #tpu.memory_space<vmem>>) semaphore(%arg17 : memref<!tpu.dma_semaphore, #tpu.memory_space<semaphore_mem>>)
    %dma_wait3A_142 = arith.constant 1 : i32
    %dma_wait3A_143 = arith.constant 0 : i32
    %dma_wait3A_144 = arith.constant 0 : i32
    %dma_wait3A_145 = tpu.memref_slice %arg2[%add3A, %dma_wait3A_142, %dma_wait3A_143, %dma_wait3A_144] : memref<32x129x2x80xi32, #tpu.memory_space<hbm>> -> memref<1x1x2x80xi32, #tpu.memory_space<hbm>>
    %dma_wait3A_146 = tpu.memref_squeeze %dma_wait3A_145 : memref<1x1x2x80xi32, #tpu.memory_space<hbm>> -> memref<2x80xi32, #tpu.memory_space<hbm>>
    %dma_wait3A_147 = arith.constant 0 : i32
    %dma_wait3A_148 = arith.constant 0 : i32
    %dma_wait3A_149 = tpu.memref_slice %arg2[%add3A, %dma_wait3A_142, %dma_wait3A_147, %dma_wait3A_148] : memref<32x129x2x80xi32, #tpu.memory_space<hbm>> -> memref<1x1x2x80xi32, #tpu.memory_space<hbm>>
    %dma_wait3A_150 = tpu.memref_squeeze %dma_wait3A_149 : memref<1x1x2x80xi32, #tpu.memory_space<hbm>> -> memref<2x80xi32, #tpu.memory_space<hbm>>
    tpu.wait_dma2 semaphore(%arg15 : memref<!tpu.dma_semaphore, #tpu.memory_space<semaphore_mem>>) src(%dma_wait3A_150 : memref<2x80xi32, #tpu.memory_space<hbm>>) dst(%arg8 : memref<2x80xi32, #tpu.memory_space<vmem>>)
    %dma_start3A_151 = arith.constant 0 : i32
    %dma_start3A_152 = arith.constant 0 : i32
    %dma_start3A_153 = tpu.memref_slice %arg8[%dma_start3A_151, %dma_start3A_152] : memref<2x80xi32, #tpu.memory_space<vmem>> -> memref<1x80xi32, #tpu.memory_space<vmem>>
    %dma_start3A_154 = tpu.memref_squeeze %dma_start3A_153 : memref<1x80xi32, #tpu.memory_space<vmem>> -> memref<80xi32, #tpu.memory_space<vmem>>
    %dma_start3A_155 = arith.constant 0 : i32
    %dma_start3A_156 = arith.constant 0 : i32
    %dma_start3A_157 = tpu.memref_slice %arg4[%dma_start3A_155, %dma_start3A_156] : memref<10000x128xf32, #tpu.memory_space<hbm>> -> memref<10000x128xf32, #tpu.memory_space<hbm>>
    tpu.enqueue_indirect_dma source(%dma_start3A_157 : memref<10000x128xf32, #tpu.memory_space<hbm>>) target(%arg11 : memref<80x128xf32, #tpu.memory_space<vmem>>) offsets(%dma_start3A_154 : memref<80xi32, #tpu.memory_space<vmem>>) semaphore(%arg18 : memref<!tpu.dma_semaphore, #tpu.memory_space<semaphore_mem>>)
    %scan3A_158 = arith.constant 0 : i32
    %scan3A_159 = arith.constant 0 : i32
    %scan3A_160 = arith.constant 43 : i32
    %scan3A_161 = arith.addi %scan3A_159, %scan3A_160 : i32
    %scan3A_162 = arith.constant 1 : i32
    %scan3A_163 = scf.for %scan3A_175 = %scan3A_159 to %scan3A_161 step %scan3A_162 iter_args(%scan3A_176 = %scan3A_158) -> (i32)  : i32 {
      %mul3A_177 = arith.constant 3 : i32
      %mul3A_178 = arith.muli %scan3A_175, %mul3A_177 : i32
      %add3A_179 = arith.constant 0 : i32
      %add3A_180 = arith.addi %mul3A_178, %add3A_179 : i32
      %dma_wait3A_181 = arith.constant 0 : i32
      %dma_wait3A_182 = arith.constant 0 : i32
      %dma_wait3A_183 = tpu.memref_slice %arg7[%dma_wait3A_181, %dma_wait3A_182] : memref<2x80xi32, #tpu.memory_space<vmem>> -> memref<1x80xi32, #tpu.memory_space<vmem>>
      %dma_wait3A_184 = tpu.memref_squeeze %dma_wait3A_183 : memref<1x80xi32, #tpu.memory_space<vmem>> -> memref<80xi32, #tpu.memory_space<vmem>>
      %dma_wait3A_185 = arith.constant 0 : i32
      %dma_wait3A_186 = arith.constant 0 : i32
      %dma_wait3A_187 = tpu.memref_slice %arg4[%dma_wait3A_185, %dma_wait3A_186] : memref<10000x128xf32, #tpu.memory_space<hbm>> -> memref<10000x128xf32, #tpu.memory_space<hbm>>
      tpu.wait_indirect_dma semaphore(%arg17 : memref<!tpu.dma_semaphore, #tpu.memory_space<semaphore_mem>>) src(%dma_wait3A_187 : memref<10000x128xf32, #tpu.memory_space<hbm>>) dst(%arg10 : memref<80x128xf32, #tpu.memory_space<vmem>>)
      %scan3A_188 = arith.constant 0 : i32
      %scan3A_189 = arith.constant 0 : i32
      %scan3A_190 = arith.constant 40 : i32
      %scan3A_191 = arith.addi %scan3A_189, %scan3A_190 : i32
      %scan3A_192 = arith.constant 1 : i32
      %scan3A_193 = scf.for %scan3A_303 = %scan3A_189 to %scan3A_191 step %scan3A_192 iter_args(%scan3A_304 = %scan3A_188) -> (i32)  : i32 {
        %mul3A_305 = arith.constant 2 : i32
        %mul3A_306 = arith.muli %scan3A_303, %mul3A_305 : i32
        %broadcast_in_dim3A = arith.constant 1 : i32
        %broadcast_in_dim3A_307 = vector.broadcast %broadcast_in_dim3A : i32 to vector<16xi32>
        %broadcast_in_dim3A_308 = vector.broadcast %mul3A_306 : i32 to vector<16xi32>
        %gather3A = tpu.vector_load_idx %arg7[%broadcast_in_dim3A_307, %broadcast_in_dim3A_308] : memref<2x80xi32, #tpu.memory_space<vmem>>[vector<16xi32>, vector<16xi32>], vector<16xi32>,
        %add3A_309 = arith.constant 1 : i32
        %add3A_310 = arith.addi %mul3A_306, %add3A_309 : i32
        %broadcast_in_dim3A_311 = vector.broadcast %add3A_310 : i32 to vector<16xi32>
        %gather3A_312 = tpu.vector_load_idx %arg7[%broadcast_in_dim3A_307, %broadcast_in_dim3A_311] : memref<2x80xi32, #tpu.memory_space<vmem>>[vector<16xi32>, vector<16xi32>], vector<16xi32>,
        %bitcast3A = vector.bitcast %gather3A : vector<16xi32> to vector<16xf32>
        %bitcast3A_313 = vector.bitcast %gather3A_312 : vector<16xi32> to vector<16xf32>
        %get3A = arith.index_cast %mul3A_306 : i32 to index
        %get3A_314 = arith.constant 0 : index
        %get3A_315 = tpu.vector_load %arg10[%get3A, %get3A_314] {strides = array<i32>} : memref<80x128xf32, #tpu.memory_space<vmem>>, vector<16xf32>,
        %mul3A_316 = arith.mulf %get3A_315, %bitcast3A : vector<16xf32>
        %swap3A = arith.index_cast %mul3A_306 : i32 to index
        %swap3A_317 = arith.constant 0 : index
        %swap3A_318 = tpu.vector_load %arg10[%swap3A, %swap3A_317] {strides = array<i32>} : memref<80x128xf32, #tpu.memory_space<vmem>>, vector<16xf32>,
        tpu.vector_store %arg10[%swap3A, %swap3A_317], %mul3A_316 {strides = array<i32>} : memref<80x128xf32, #tpu.memory_space<vmem>>, vector<16xf32>,
        %get3A_319 = arith.index_cast %mul3A_306 : i32 to index
        %get3A_320 = arith.constant 16 : index
        %get3A_321 = tpu.vector_load %arg10[%get3A_319, %get3A_320] {strides = array<i32>} : memref<80x128xf32, #tpu.memory_space<vmem>>, vector<16xf32>,
        %mul3A_322 = arith.mulf %get3A_321, %bitcast3A : vector<16xf32>
        %swap3A_323 = arith.index_cast %mul3A_306 : i32 to index
        %swap3A_324 = arith.constant 16 : index
        %swap3A_325 = tpu.vector_load %arg10[%swap3A_323, %swap3A_324] {strides = array<i32>} : memref<80x128xf32, #tpu.memory_space<vmem>>, vector<16xf32>,
        tpu.vector_store %arg10[%swap3A_323, %swap3A_324], %mul3A_322 {strides = array<i32>} : memref<80x128xf32, #tpu.memory_space<vmem>>, vector<16xf32>,
        %get3A_326 = arith.index_cast %mul3A_306 : i32 to index
        %get3A_327 = arith.constant 32 : index
        %get3A_328 = tpu.vector_load %arg10[%get3A_326, %get3A_327] {strides = array<i32>} : memref<80x128xf32, #tpu.memory_space<vmem>>, vector<16xf32>,
        %mul3A_329 = arith.mulf %get3A_328, %bitcast3A : vector<16xf32>
        %swap3A_330 = arith.index_cast %mul3A_306 : i32 to index
        %swap3A_331 = arith.constant 32 : index
        %swap3A_332 = tpu.vector_load %arg10[%swap3A_330, %swap3A_331] {strides = array<i32>} : memref<80x128xf32, #tpu.memory_space<vmem>>, vector<16xf32>,
        tpu.vector_store %arg10[%swap3A_330, %swap3A_331], %mul3A_329 {strides = array<i32>} : memref<80x128xf32, #tpu.memory_space<vmem>>, vector<16xf32>,
        %get3A_333 = arith.index_cast %mul3A_306 : i32 to index
        %get3A_334 = arith.constant 48 : index
        %get3A_335 = tpu.vector_load %arg10[%get3A_333, %get3A_334] {strides = array<i32>} : memref<80x128xf32, #tpu.memory_space<vmem>>, vector<16xf32>,
        %mul3A_336 = arith.mulf %get3A_335, %bitcast3A : vector<16xf32>
        %swap3A_337 = arith.index_cast %mul3A_306 : i32 to index
        %swap3A_338 = arith.constant 48 : index
        %swap3A_339 = tpu.vector_load %arg10[%swap3A_337, %swap3A_338] {strides = array<i32>} : memref<80x128xf32, #tpu.memory_space<vmem>>, vector<16xf32>,
        tpu.vector_store %arg10[%swap3A_337, %swap3A_338], %mul3A_336 {strides = array<i32>} : memref<80x128xf32, #tpu.memory_space<vmem>>, vector<16xf32>,
        %get3A_340 = arith.index_cast %mul3A_306 : i32 to index
        %get3A_341 = arith.constant 64 : index
        %get3A_342 = tpu.vector_load %arg10[%get3A_340, %get3A_341] {strides = array<i32>} : memref<80x128xf32, #tpu.memory_space<vmem>>, vector<16xf32>,
        %mul3A_343 = arith.mulf %get3A_342, %bitcast3A : vector<16xf32>
        %swap3A_344 = arith.index_cast %mul3A_306 : i32 to index
        %swap3A_345 = arith.constant 64 : index
        %swap3A_346 = tpu.vector_load %arg10[%swap3A_344, %swap3A_345] {strides = array<i32>} : memref<80x128xf32, #tpu.memory_space<vmem>>, vector<16xf32>,
        tpu.vector_store %arg10[%swap3A_344, %swap3A_345], %mul3A_343 {strides = array<i32>} : memref<80x128xf32, #tpu.memory_space<vmem>>, vector<16xf32>,
        %get3A_347 = arith.index_cast %mul3A_306 : i32 to index
        %get3A_348 = arith.constant 80 : index
        %get3A_349 = tpu.vector_load %arg10[%get3A_347, %get3A_348] {strides = array<i32>} : memref<80x128xf32, #tpu.memory_space<vmem>>, vector<16xf32>,
        %mul3A_350 = arith.mulf %get3A_349, %bitcast3A : vector<16xf32>
        %swap3A_351 = arith.index_cast %mul3A_306 : i32 to index
        %swap3A_352 = arith.constant 80 : index
        %swap3A_353 = tpu.vector_load %arg10[%swap3A_351, %swap3A_352] {strides = array<i32>} : memref<80x128xf32, #tpu.memory_space<vmem>>, vector<16xf32>,
        tpu.vector_store %arg10[%swap3A_351, %swap3A_352], %mul3A_350 {strides = array<i32>} : memref<80x128xf32, #tpu.memory_space<vmem>>, vector<16xf32>,
        %get3A_354 = arith.index_cast %mul3A_306 : i32 to index
        %get3A_355 = arith.constant 96 : index
        %get3A_356 = tpu.vector_load %arg10[%get3A_354, %get3A_355] {strides = array<i32>} : memref<80x128xf32, #tpu.memory_space<vmem>>, vector<16xf32>,
        %mul3A_357 = arith.mulf %get3A_356, %bitcast3A : vector<16xf32>
        %swap3A_358 = arith.index_cast %mul3A_306 : i32 to index
        %swap3A_359 = arith.constant 96 : index
        %swap3A_360 = tpu.vector_load %arg10[%swap3A_358, %swap3A_359] {strides = array<i32>} : memref<80x128xf32, #tpu.memory_space<vmem>>, vector<16xf32>,
        tpu.vector_store %arg10[%swap3A_358, %swap3A_359], %mul3A_357 {strides = array<i32>} : memref<80x128xf32, #tpu.memory_space<vmem>>, vector<16xf32>,
        %get3A_361 = arith.index_cast %mul3A_306 : i32 to index
        %get3A_362 = arith.constant 112 : index
        %get3A_363 = tpu.vector_load %arg10[%get3A_361, %get3A_362] {strides = array<i32>} : memref<80x128xf32, #tpu.memory_space<vmem>>, vector<16xf32>,
        %mul3A_364 = arith.mulf %get3A_363, %bitcast3A : vector<16xf32>
        %swap3A_365 = arith.index_cast %mul3A_306 : i32 to index
        %swap3A_366 = arith.constant 112 : index
        %swap3A_367 = tpu.vector_load %arg10[%swap3A_365, %swap3A_366] {strides = array<i32>} : memref<80x128xf32, #tpu.memory_space<vmem>>, vector<16xf32>,
        tpu.vector_store %arg10[%swap3A_365, %swap3A_366], %mul3A_364 {strides = array<i32>} : memref<80x128xf32, #tpu.memory_space<vmem>>, vector<16xf32>,
        %add3A_368 = arith.constant 1 : i32
        %add3A_369 = arith.addi %mul3A_306, %add3A_368 : i32
        %get3A_370 = arith.index_cast %add3A_369 : i32 to index
        %get3A_371 = arith.constant 0 : index
        %get3A_372 = tpu.vector_load %arg10[%get3A_370, %get3A_371] {strides = array<i32>} : memref<80x128xf32, #tpu.memory_space<vmem>>, vector<16xf32>,
        %mul3A_373 = arith.mulf %get3A_372, %bitcast3A_313 : vector<16xf32>
        %add3A_374 = arith.constant 1 : i32
        %add3A_375 = arith.addi %mul3A_306, %add3A_374 : i32
        %swap3A_376 = arith.index_cast %add3A_375 : i32 to index
        %swap3A_377 = arith.constant 0 : index
        %swap3A_378 = tpu.vector_load %arg10[%swap3A_376, %swap3A_377] {strides = array<i32>} : memref<80x128xf32, #tpu.memory_space<vmem>>, vector<16xf32>,
        tpu.vector_store %arg10[%swap3A_376, %swap3A_377], %mul3A_373 {strides = array<i32>} : memref<80x128xf32, #tpu.memory_space<vmem>>, vector<16xf32>,
        %add3A_379 = arith.constant 1 : i32
        %add3A_380 = arith.addi %mul3A_306, %add3A_379 : i32
        %get3A_381 = arith.index_cast %add3A_380 : i32 to index
        %get3A_382 = arith.constant 16 : index
        %get3A_383 = tpu.vector_load %arg10[%get3A_381, %get3A_382] {strides = array<i32>} : memref<80x128xf32, #tpu.memory_space<vmem>>, vector<16xf32>,
        %mul3A_384 = arith.mulf %get3A_383, %bitcast3A_313 : vector<16xf32>
        %add3A_385 = arith.constant 1 : i32
        %add3A_386 = arith.addi %mul3A_306, %add3A_385 : i32
        %swap3A_387 = arith.index_cast %add3A_386 : i32 to index
        %swap3A_388 = arith.constant 16 : index
        %swap3A_389 = tpu.vector_load %arg10[%swap3A_387, %swap3A_388] {strides = array<i32>} : memref<80x128xf32, #tpu.memory_space<vmem>>, vector<16xf32>,
        tpu.vector_store %arg10[%swap3A_387, %swap3A_388], %mul3A_384 {strides = array<i32>} : memref<80x128xf32, #tpu.memory_space<vmem>>, vector<16xf32>,
        %add3A_390 = arith.constant 1 : i32
        %add3A_391 = arith.addi %mul3A_306, %add3A_390 : i32
        %get3A_392 = arith.index_cast %add3A_391 : i32 to index
        %get3A_393 = arith.constant 32 : index
        %get3A_394 = tpu.vector_load %arg10[%get3A_392, %get3A_393] {strides = array<i32>} : memref<80x128xf32, #tpu.memory_space<vmem>>, vector<16xf32>,
        %mul3A_395 = arith.mulf %get3A_394, %bitcast3A_313 : vector<16xf32>
        %add3A_396 = arith.constant 1 : i32
        %add3A_397 = arith.addi %mul3A_306, %add3A_396 : i32
        %swap3A_398 = arith.index_cast %add3A_397 : i32 to index
        %swap3A_399 = arith.constant 32 : index
        %swap3A_400 = tpu.vector_load %arg10[%swap3A_398, %swap3A_399] {strides = array<i32>} : memref<80x128xf32, #tpu.memory_space<vmem>>, vector<16xf32>,
        tpu.vector_store %arg10[%swap3A_398, %swap3A_399], %mul3A_395 {strides = array<i32>} : memref<80x128xf32, #tpu.memory_space<vmem>>, vector<16xf32>,
        %add3A_401 = arith.constant 1 : i32
        %add3A_402 = arith.addi %mul3A_306, %add3A_401 : i32
        %get3A_403 = arith.index_cast %add3A_402 : i32 to index
        %get3A_404 = arith.constant 48 : index
        %get3A_405 = tpu.vector_load %arg10[%get3A_403, %get3A_404] {strides = array<i32>} : memref<80x128xf32, #tpu.memory_space<vmem>>, vector<16xf32>,
        %mul3A_406 = arith.mulf %get3A_405, %bitcast3A_313 : vector<16xf32>
        %add3A_407 = arith.constant 1 : i32
        %add3A_408 = arith.addi %mul3A_306, %add3A_407 : i32
        %swap3A_409 = arith.index_cast %add3A_408 : i32 to index
        %swap3A_410 = arith.constant 48 : index
        %swap3A_411 = tpu.vector_load %arg10[%swap3A_409, %swap3A_410] {strides = array<i32>} : memref<80x128xf32, #tpu.memory_space<vmem>>, vector<16xf32>,
        tpu.vector_store %arg10[%swap3A_409, %swap3A_410], %mul3A_406 {strides = array<i32>} : memref<80x128xf32, #tpu.memory_space<vmem>>, vector<16xf32>,
        %add3A_412 = arith.constant 1 : i32
        %add3A_413 = arith.addi %mul3A_306, %add3A_412 : i32
        %get3A_414 = arith.index_cast %add3A_413 : i32 to index
        %get3A_415 = arith.constant 64 : index
        %get3A_416 = tpu.vector_load %arg10[%get3A_414, %get3A_415] {strides = array<i32>} : memref<80x128xf32, #tpu.memory_space<vmem>>, vector<16xf32>,
        %mul3A_417 = arith.mulf %get3A_416, %bitcast3A_313 : vector<16xf32>
        %add3A_418 = arith.constant 1 : i32
        %add3A_419 = arith.addi %mul3A_306, %add3A_418 : i32
        %swap3A_420 = arith.index_cast %add3A_419 : i32 to index
        %swap3A_421 = arith.constant 64 : index
        %swap3A_422 = tpu.vector_load %arg10[%swap3A_420, %swap3A_421] {strides = array<i32>} : memref<80x128xf32, #tpu.memory_space<vmem>>, vector<16xf32>,
        tpu.vector_store %arg10[%swap3A_420, %swap3A_421], %mul3A_417 {strides = array<i32>} : memref<80x128xf32, #tpu.memory_space<vmem>>, vector<16xf32>,
        %add3A_423 = arith.constant 1 : i32
        %add3A_424 = arith.addi %mul3A_306, %add3A_423 : i32
        %get3A_425 = arith.index_cast %add3A_424 : i32 to index
        %get3A_426 = arith.constant 80 : index
        %get3A_427 = tpu.vector_load %arg10[%get3A_425, %get3A_426] {strides = array<i32>} : memref<80x128xf32, #tpu.memory_space<vmem>>, vector<16xf32>,
        %mul3A_428 = arith.mulf %get3A_427, %bitcast3A_313 : vector<16xf32>
        %add3A_429 = arith.constant 1 : i32
        %add3A_430 = arith.addi %mul3A_306, %add3A_429 : i32
        %swap3A_431 = arith.index_cast %add3A_430 : i32 to index
        %swap3A_432 = arith.constant 80 : index
        %swap3A_433 = tpu.vector_load %arg10[%swap3A_431, %swap3A_432] {strides = array<i32>} : memref<80x128xf32, #tpu.memory_space<vmem>>, vector<16xf32>,
        tpu.vector_store %arg10[%swap3A_431, %swap3A_432], %mul3A_428 {strides = array<i32>} : memref<80x128xf32, #tpu.memory_space<vmem>>, vector<16xf32>,
        %add3A_434 = arith.constant 1 : i32
        %add3A_435 = arith.addi %mul3A_306, %add3A_434 : i32
        %get3A_436 = arith.index_cast %add3A_435 : i32 to index
        %get3A_437 = arith.constant 96 : index
        %get3A_438 = tpu.vector_load %arg10[%get3A_436, %get3A_437] {strides = array<i32>} : memref<80x128xf32, #tpu.memory_space<vmem>>, vector<16xf32>,
        %mul3A_439 = arith.mulf %get3A_438, %bitcast3A_313 : vector<16xf32>
        %add3A_440 = arith.constant 1 : i32
        %add3A_441 = arith.addi %mul3A_306, %add3A_440 : i32
        %swap3A_442 = arith.index_cast %add3A_441 : i32 to index
        %swap3A_443 = arith.constant 96 : index
        %swap3A_444 = tpu.vector_load %arg10[%swap3A_442, %swap3A_443] {strides = array<i32>} : memref<80x128xf32, #tpu.memory_space<vmem>>, vector<16xf32>,
        tpu.vector_store %arg10[%swap3A_442, %swap3A_443], %mul3A_439 {strides = array<i32>} : memref<80x128xf32, #tpu.memory_space<vmem>>, vector<16xf32>,
        %add3A_445 = arith.constant 1 : i32
        %add3A_446 = arith.addi %mul3A_306, %add3A_445 : i32
        %get3A_447 = arith.index_cast %add3A_446 : i32 to index
        %get3A_448 = arith.constant 112 : index
        %get3A_449 = tpu.vector_load %arg10[%get3A_447, %get3A_448] {strides = array<i32>} : memref<80x128xf32, #tpu.memory_space<vmem>>, vector<16xf32>,
        %mul3A_450 = arith.mulf %get3A_449, %bitcast3A_313 : vector<16xf32>
        %add3A_451 = arith.constant 1 : i32
        %add3A_452 = arith.addi %mul3A_306, %add3A_451 : i32
        %swap3A_453 = arith.index_cast %add3A_452 : i32 to index
        %swap3A_454 = arith.constant 112 : index
        %swap3A_455 = tpu.vector_load %arg10[%swap3A_453, %swap3A_454] {strides = array<i32>} : memref<80x128xf32, #tpu.memory_space<vmem>>, vector<16xf32>,
        tpu.vector_store %arg10[%swap3A_453, %swap3A_454], %mul3A_450 {strides = array<i32>} : memref<80x128xf32, #tpu.memory_space<vmem>>, vector<16xf32>,
        %scan3A_456 = arith.constant 0 : i32
        scf.yield %scan3A_456 : i32
      }
      %scan3A_194 = arith.constant 40 : i32
      %dma_start3A_195 = arith.constant 0 : i32
      %dma_start3A_196 = tpu.memref_slice %arg6[%add3A_180, %dma_start3A_195] : memref<129x80xi32, #tpu.memory_space<vmem>> -> memref<1x80xi32, #tpu.memory_space<vmem>>
      %dma_start3A_197 = tpu.memref_squeeze %dma_start3A_196 : memref<1x80xi32, #tpu.memory_space<vmem>> -> memref<80xi32, #tpu.memory_space<vmem>>
      %dma_start3A_198 = arith.constant 0 : i32
      %dma_start3A_199 = arith.constant 0 : i32
      %dma_start3A_200 = tpu.memref_slice %arg13[%dma_start3A_198, %dma_start3A_199] : memref<10112x128xf32, #tpu.memory_space<vmem_shared>> -> memref<10112x128xf32, #tpu.memory_space<vmem_shared>>
      tpu.enqueue_indirect_dma source(%arg10 : memref<80x128xf32, #tpu.memory_space<vmem>>) target(%dma_start3A_200 : memref<10112x128xf32, #tpu.memory_space<vmem_shared>>) offsets(%dma_start3A_197 : memref<80xi32, #tpu.memory_space<vmem>>) semaphore(%arg20 : memref<!tpu.dma_semaphore, #tpu.memory_space<semaphore_mem>>) {add = true}
      %add3A_201 = arith.constant 3 : i32
      %add3A_202 = arith.addi %add3A_180, %add3A_201 : i32
      %lt3A = arith.constant 129 : i32
      %lt3A_203 = arith.cmpi slt, %add3A_202, %lt3A : i32
      %convert_element_type3A = arith.extui %lt3A_203 : i1 to i32
      %cond3A = arith.constant 0 : i32
      %cond3A_204 = arith.cmpi ne, %convert_element_type3A, %cond3A : i32
      scf.if %cond3A_204 {
        %add3A_303 = arith.constant 3 : i32
        %add3A_304 = arith.addi %add3A_180, %add3A_303 : i32
        %dma_start3A_305 = arith.constant 0 : i32
        %dma_start3A_306 = arith.constant 0 : i32
        %dma_start3A_307 = tpu.memref_slice %arg2[%add3A, %add3A_304, %dma_start3A_305, %dma_start3A_306] : memref<32x129x2x80xi32, #tpu.memory_space<hbm>> -> memref<1x1x2x80xi32, #tpu.memory_space<hbm>>
        %dma_start3A_308 = tpu.memref_squeeze %dma_start3A_307 : memref<1x1x2x80xi32, #tpu.memory_space<hbm>> -> memref<2x80xi32, #tpu.memory_space<hbm>>
        %dma_start3A_309 = arith.constant 0 : i32
        %dma_start3A_310 = arith.constant 0 : i32
        %dma_start3A_311 = tpu.memref_slice %arg2[%add3A, %add3A_304, %dma_start3A_309, %dma_start3A_310] : memref<32x129x2x80xi32, #tpu.memory_space<hbm>> -> memref<1x1x2x80xi32, #tpu.memory_space<hbm>>
        %dma_start3A_312 = tpu.memref_squeeze %dma_start3A_311 : memref<1x1x2x80xi32, #tpu.memory_space<hbm>> -> memref<2x80xi32, #tpu.memory_space<hbm>>
        tpu.enqueue_dma source(%dma_start3A_312 : memref<2x80xi32, #tpu.memory_space<hbm>>) target(%arg7 : memref<2x80xi32, #tpu.memory_space<vmem>>) target_semaphore(%arg14 : memref<!tpu.dma_semaphore, #tpu.memory_space<semaphore_mem>>)
      } else {
      }
      %gt3A = arith.constant 0 : i32
      %gt3A_205 = arith.cmpi sgt, %add3A_180, %gt3A : i32
      %convert_element_type3A_206 = arith.extui %gt3A_205 : i1 to i32
      %cond3A_207 = arith.constant 0 : i32
      %cond3A_208 = arith.cmpi ne, %convert_element_type3A_206, %cond3A_207 : i32
      scf.if %cond3A_208 {
        %sub3A = arith.constant 1 : i32
        %sub3A_303 = arith.subi %add3A_180, %sub3A : i32
        %dma_wait3A_304 = arith.constant 0 : i32
        %dma_wait3A_305 = tpu.memref_slice %arg6[%sub3A_303, %dma_wait3A_304] : memref<129x80xi32, #tpu.memory_space<vmem>> -> memref<1x80xi32, #tpu.memory_space<vmem>>
        %dma_wait3A_306 = tpu.memref_squeeze %dma_wait3A_305 : memref<1x80xi32, #tpu.memory_space<vmem>> -> memref<80xi32, #tpu.memory_space<vmem>>
        %dma_wait3A_307 = arith.constant 0 : i32
        %dma_wait3A_308 = arith.constant 0 : i32
        %dma_wait3A_309 = tpu.memref_slice %arg13[%dma_wait3A_307, %dma_wait3A_308] : memref<10112x128xf32, #tpu.memory_space<vmem_shared>> -> memref<10112x128xf32, #tpu.memory_space<vmem_shared>>
        tpu.wait_indirect_dma semaphore(%arg22 : memref<!tpu.dma_semaphore, #tpu.memory_space<semaphore_mem>>) src(%arg12 : memref<80x128xf32, #tpu.memory_space<vmem>>) dst(%dma_wait3A_309 : memref<10112x128xf32, #tpu.memory_space<vmem_shared>>)
      } else {
      }
      %add3A_209 = arith.constant 2 : i32
      %add3A_210 = arith.addi %add3A_180, %add3A_209 : i32
      %lt3A_211 = arith.constant 129 : i32
      %lt3A_212 = arith.cmpi slt, %add3A_210, %lt3A_211 : i32
      %convert_element_type3A_213 = arith.extui %lt3A_212 : i1 to i32
      %cond3A_214 = arith.constant 0 : i32
      %cond3A_215 = arith.cmpi ne, %convert_element_type3A_213, %cond3A_214 : i32
      scf.if %cond3A_215 {
        %add3A_303 = arith.constant 2 : i32
        %add3A_304 = arith.addi %add3A_180, %add3A_303 : i32
        %dma_wait3A_305 = arith.constant 0 : i32
        %dma_wait3A_306 = arith.constant 0 : i32
        %dma_wait3A_307 = tpu.memref_slice %arg2[%add3A, %add3A_304, %dma_wait3A_305, %dma_wait3A_306] : memref<32x129x2x80xi32, #tpu.memory_space<hbm>> -> memref<1x1x2x80xi32, #tpu.memory_space<hbm>>
        %dma_wait3A_308 = tpu.memref_squeeze %dma_wait3A_307 : memref<1x1x2x80xi32, #tpu.memory_space<hbm>> -> memref<2x80xi32, #tpu.memory_space<hbm>>
        %dma_wait3A_309 = arith.constant 0 : i32
        %dma_wait3A_310 = arith.constant 0 : i32
        %dma_wait3A_311 = tpu.memref_slice %arg2[%add3A, %add3A_304, %dma_wait3A_309, %dma_wait3A_310] : memref<32x129x2x80xi32, #tpu.memory_space<hbm>> -> memref<1x1x2x80xi32, #tpu.memory_space<hbm>>
        %dma_wait3A_312 = tpu.memref_squeeze %dma_wait3A_311 : memref<1x1x2x80xi32, #tpu.memory_space<hbm>> -> memref<2x80xi32, #tpu.memory_space<hbm>>
        tpu.wait_dma2 semaphore(%arg16 : memref<!tpu.dma_semaphore, #tpu.memory_space<semaphore_mem>>) src(%dma_wait3A_312 : memref<2x80xi32, #tpu.memory_space<hbm>>) dst(%arg9 : memref<2x80xi32, #tpu.memory_space<vmem>>)
        %add3A_313 = arith.constant 2 : i32
        %add3A_314 = arith.addi %add3A_180, %add3A_313 : i32
        %dma_start3A_315 = arith.constant 0 : i32
        %dma_start3A_316 = arith.constant 0 : i32
        %dma_start3A_317 = tpu.memref_slice %arg9[%dma_start3A_315, %dma_start3A_316] : memref<2x80xi32, #tpu.memory_space<vmem>> -> memref<1x80xi32, #tpu.memory_space<vmem>>
        %dma_start3A_318 = tpu.memref_squeeze %dma_start3A_317 : memref<1x80xi32, #tpu.memory_space<vmem>> -> memref<80xi32, #tpu.memory_space<vmem>>
        %dma_start3A_319 = arith.constant 0 : i32
        %dma_start3A_320 = arith.constant 0 : i32
        %dma_start3A_321 = tpu.memref_slice %arg4[%dma_start3A_319, %dma_start3A_320] : memref<10000x128xf32, #tpu.memory_space<hbm>> -> memref<10000x128xf32, #tpu.memory_space<hbm>>
        tpu.enqueue_indirect_dma source(%dma_start3A_321 : memref<10000x128xf32, #tpu.memory_space<hbm>>) target(%arg12 : memref<80x128xf32, #tpu.memory_space<vmem>>) offsets(%dma_start3A_318 : memref<80xi32, #tpu.memory_space<vmem>>) semaphore(%arg19 : memref<!tpu.dma_semaphore, #tpu.memory_space<semaphore_mem>>)
      } else {
      }
      %mul3A_216 = arith.constant 3 : i32
      %mul3A_217 = arith.muli %scan3A_175, %mul3A_216 : i32
      %add3A_218 = arith.constant 1 : i32
      %add3A_219 = arith.addi %mul3A_217, %add3A_218 : i32
      %dma_wait3A_220 = arith.constant 0 : i32
      %dma_wait3A_221 = arith.constant 0 : i32
      %dma_wait3A_222 = tpu.memref_slice %arg8[%dma_wait3A_220, %dma_wait3A_221] : memref<2x80xi32, #tpu.memory_space<vmem>> -> memref<1x80xi32, #tpu.memory_space<vmem>>
      %dma_wait3A_223 = tpu.memref_squeeze %dma_wait3A_222 : memref<1x80xi32, #tpu.memory_space<vmem>> -> memref<80xi32, #tpu.memory_space<vmem>>
      %dma_wait3A_224 = arith.constant 0 : i32
      %dma_wait3A_225 = arith.constant 0 : i32
      %dma_wait3A_226 = tpu.memref_slice %arg4[%dma_wait3A_224, %dma_wait3A_225] : memref<10000x128xf32, #tpu.memory_space<hbm>> -> memref<10000x128xf32, #tpu.memory_space<hbm>>
      tpu.wait_indirect_dma semaphore(%arg18 : memref<!tpu.dma_semaphore, #tpu.memory_space<semaphore_mem>>) src(%dma_wait3A_226 : memref<10000x128xf32, #tpu.memory_space<hbm>>) dst(%arg11 : memref<80x128xf32, #tpu.memory_space<vmem>>)
      %scan3A_227 = arith.constant 0 : i32
      %scan3A_228 = arith.constant 0 : i32
      %scan3A_229 = arith.constant 40 : i32
      %scan3A_230 = arith.addi %scan3A_228, %scan3A_229 : i32
      %scan3A_231 = arith.constant 1 : i32
      %scan3A_232 = scf.for %scan3A_303 = %scan3A_228 to %scan3A_230 step %scan3A_231 iter_args(%scan3A_304 = %scan3A_227) -> (i32)  : i32 {
        %mul3A_305 = arith.constant 2 : i32
        %mul3A_306 = arith.muli %scan3A_303, %mul3A_305 : i32
        %broadcast_in_dim3A = arith.constant 1 : i32
        %broadcast_in_dim3A_307 = vector.broadcast %broadcast_in_dim3A : i32 to vector<16xi32>
        %broadcast_in_dim3A_308 = vector.broadcast %mul3A_306 : i32 to vector<16xi32>
        %gather3A = tpu.vector_load_idx %arg8[%broadcast_in_dim3A_307, %broadcast_in_dim3A_308] : memref<2x80xi32, #tpu.memory_space<vmem>>[vector<16xi32>, vector<16xi32>], vector<16xi32>,
        %add3A_309 = arith.constant 1 : i32
        %add3A_310 = arith.addi %mul3A_306, %add3A_309 : i32
        %broadcast_in_dim3A_311 = vector.broadcast %add3A_310 : i32 to vector<16xi32>
        %gather3A_312 = tpu.vector_load_idx %arg8[%broadcast_in_dim3A_307, %broadcast_in_dim3A_311] : memref<2x80xi32, #tpu.memory_space<vmem>>[vector<16xi32>, vector<16xi32>], vector<16xi32>,
        %bitcast3A = vector.bitcast %gather3A : vector<16xi32> to vector<16xf32>
        %bitcast3A_313 = vector.bitcast %gather3A_312 : vector<16xi32> to vector<16xf32>
        %get3A = arith.index_cast %mul3A_306 : i32 to index
        %get3A_314 = arith.constant 0 : index
        %get3A_315 = tpu.vector_load %arg11[%get3A, %get3A_314] {strides = array<i32>} : memref<80x128xf32, #tpu.memory_space<vmem>>, vector<16xf32>,
        %mul3A_316 = arith.mulf %get3A_315, %bitcast3A : vector<16xf32>
        %swap3A = arith.index_cast %mul3A_306 : i32 to index
        %swap3A_317 = arith.constant 0 : index
        %swap3A_318 = tpu.vector_load %arg11[%swap3A, %swap3A_317] {strides = array<i32>} : memref<80x128xf32, #tpu.memory_space<vmem>>, vector<16xf32>,
        tpu.vector_store %arg11[%swap3A, %swap3A_317], %mul3A_316 {strides = array<i32>} : memref<80x128xf32, #tpu.memory_space<vmem>>, vector<16xf32>,
        %get3A_319 = arith.index_cast %mul3A_306 : i32 to index
        %get3A_320 = arith.constant 16 : index
        %get3A_321 = tpu.vector_load %arg11[%get3A_319, %get3A_320] {strides = array<i32>} : memref<80x128xf32, #tpu.memory_space<vmem>>, vector<16xf32>,
        %mul3A_322 = arith.mulf %get3A_321, %bitcast3A : vector<16xf32>
        %swap3A_323 = arith.index_cast %mul3A_306 : i32 to index
        %swap3A_324 = arith.constant 16 : index
        %swap3A_325 = tpu.vector_load %arg11[%swap3A_323, %swap3A_324] {strides = array<i32>} : memref<80x128xf32, #tpu.memory_space<vmem>>, vector<16xf32>,
        tpu.vector_store %arg11[%swap3A_323, %swap3A_324], %mul3A_322 {strides = array<i32>} : memref<80x128xf32, #tpu.memory_space<vmem>>, vector<16xf32>,
        %get3A_326 = arith.index_cast %mul3A_306 : i32 to index
        %get3A_327 = arith.constant 32 : index
        %get3A_328 = tpu.vector_load %arg11[%get3A_326, %get3A_327] {strides = array<i32>} : memref<80x128xf32, #tpu.memory_space<vmem>>, vector<16xf32>,
        %mul3A_329 = arith.mulf %get3A_328, %bitcast3A : vector<16xf32>
        %swap3A_330 = arith.index_cast %mul3A_306 : i32 to index
        %swap3A_331 = arith.constant 32 : index
        %swap3A_332 = tpu.vector_load %arg11[%swap3A_330, %swap3A_331] {strides = array<i32>} : memref<80x128xf32, #tpu.memory_space<vmem>>, vector<16xf32>,
        tpu.vector_store %arg11[%swap3A_330, %swap3A_331], %mul3A_329 {strides = array<i32>} : memref<80x128xf32, #tpu.memory_space<vmem>>, vector<16xf32>,
        %get3A_333 = arith.index_cast %mul3A_306 : i32 to index
        %get3A_334 = arith.constant 48 : index
        %get3A_335 = tpu.vector_load %arg11[%get3A_333, %get3A_334] {strides = array<i32>} : memref<80x128xf32, #tpu.memory_space<vmem>>, vector<16xf32>,
        %mul3A_336 = arith.mulf %get3A_335, %bitcast3A : vector<16xf32>
        %swap3A_337 = arith.index_cast %mul3A_306 : i32 to index
        %swap3A_338 = arith.constant 48 : index
        %swap3A_339 = tpu.vector_load %arg11[%swap3A_337, %swap3A_338] {strides = array<i32>} : memref<80x128xf32, #tpu.memory_space<vmem>>, vector<16xf32>,
        tpu.vector_store %arg11[%swap3A_337, %swap3A_338], %mul3A_336 {strides = array<i32>} : memref<80x128xf32, #tpu.memory_space<vmem>>, vector<16xf32>,
        %get3A_340 = arith.index_cast %mul3A_306 : i32 to index
        %get3A_341 = arith.constant 64 : index
        %get3A_342 = tpu.vector_load %arg11[%get3A_340, %get3A_341] {strides = array<i32>} : memref<80x128xf32, #tpu.memory_space<vmem>>, vector<16xf32>,
        %mul3A_343 = arith.mulf %get3A_342, %bitcast3A : vector<16xf32>
        %swap3A_344 = arith.index_cast %mul3A_306 : i32 to index
        %swap3A_345 = arith.constant 64 : index
        %swap3A_346 = tpu.vector_load %arg11[%swap3A_344, %swap3A_345] {strides = array<i32>} : memref<80x128xf32, #tpu.memory_space<vmem>>, vector<16xf32>,
        tpu.vector_store %arg11[%swap3A_344, %swap3A_345], %mul3A_343 {strides = array<i32>} : memref<80x128xf32, #tpu.memory_space<vmem>>, vector<16xf32>,
        %get3A_347 = arith.index_cast %mul3A_306 : i32 to index
        %get3A_348 = arith.constant 80 : index
        %get3A_349 = tpu.vector_load %arg11[%get3A_347, %get3A_348] {strides = array<i32>} : memref<80x128xf32, #tpu.memory_space<vmem>>, vector<16xf32>,
        %mul3A_350 = arith.mulf %get3A_349, %bitcast3A : vector<16xf32>
        %swap3A_351 = arith.index_cast %mul3A_306 : i32 to index
        %swap3A_352 = arith.constant 80 : index
        %swap3A_353 = tpu.vector_load %arg11[%swap3A_351, %swap3A_352] {strides = array<i32>} : memref<80x128xf32, #tpu.memory_space<vmem>>, vector<16xf32>,
        tpu.vector_store %arg11[%swap3A_351, %swap3A_352], %mul3A_350 {strides = array<i32>} : memref<80x128xf32, #tpu.memory_space<vmem>>, vector<16xf32>,
        %get3A_354 = arith.index_cast %mul3A_306 : i32 to index
        %get3A_355 = arith.constant 96 : index
        %get3A_356 = tpu.vector_load %arg11[%get3A_354, %get3A_355] {strides = array<i32>} : memref<80x128xf32, #tpu.memory_space<vmem>>, vector<16xf32>,
        %mul3A_357 = arith.mulf %get3A_356, %bitcast3A : vector<16xf32>
        %swap3A_358 = arith.index_cast %mul3A_306 : i32 to index
        %swap3A_359 = arith.constant 96 : index
        %swap3A_360 = tpu.vector_load %arg11[%swap3A_358, %swap3A_359] {strides = array<i32>} : memref<80x128xf32, #tpu.memory_space<vmem>>, vector<16xf32>,
        tpu.vector_store %arg11[%swap3A_358, %swap3A_359], %mul3A_357 {strides = array<i32>} : memref<80x128xf32, #tpu.memory_space<vmem>>, vector<16xf32>,
        %get3A_361 = arith.index_cast %mul3A_306 : i32 to index
        %get3A_362 = arith.constant 112 : index
        %get3A_363 = tpu.vector_load %arg11[%get3A_361, %get3A_362] {strides = array<i32>} : memref<80x128xf32, #tpu.memory_space<vmem>>, vector<16xf32>,
        %mul3A_364 = arith.mulf %get3A_363, %bitcast3A : vector<16xf32>
        %swap3A_365 = arith.index_cast %mul3A_306 : i32 to index
        %swap3A_366 = arith.constant 112 : index
        %swap3A_367 = tpu.vector_load %arg11[%swap3A_365, %swap3A_366] {strides = array<i32>} : memref<80x128xf32, #tpu.memory_space<vmem>>, vector<16xf32>,
        tpu.vector_store %arg11[%swap3A_365, %swap3A_366], %mul3A_364 {strides = array<i32>} : memref<80x128xf32, #tpu.memory_space<vmem>>, vector<16xf32>,
        %add3A_368 = arith.constant 1 : i32
        %add3A_369 = arith.addi %mul3A_306, %add3A_368 : i32
        %get3A_370 = arith.index_cast %add3A_369 : i32 to index
        %get3A_371 = arith.constant 0 : index
        %get3A_372 = tpu.vector_load %arg11[%get3A_370, %get3A_371] {strides = array<i32>} : memref<80x128xf32, #tpu.memory_space<vmem>>, vector<16xf32>,
        %mul3A_373 = arith.mulf %get3A_372, %bitcast3A_313 : vector<16xf32>
        %add3A_374 = arith.constant 1 : i32
        %add3A_375 = arith.addi %mul3A_306, %add3A_374 : i32
        %swap3A_376 = arith.index_cast %add3A_375 : i32 to index
        %swap3A_377 = arith.constant 0 : index
        %swap3A_378 = tpu.vector_load %arg11[%swap3A_376, %swap3A_377] {strides = array<i32>} : memref<80x128xf32, #tpu.memory_space<vmem>>, vector<16xf32>,
        tpu.vector_store %arg11[%swap3A_376, %swap3A_377], %mul3A_373 {strides = array<i32>} : memref<80x128xf32, #tpu.memory_space<vmem>>, vector<16xf32>,
        %add3A_379 = arith.constant 1 : i32
        %add3A_380 = arith.addi %mul3A_306, %add3A_379 : i32
        %get3A_381 = arith.index_cast %add3A_380 : i32 to index
        %get3A_382 = arith.constant 16 : index
        %get3A_383 = tpu.vector_load %arg11[%get3A_381, %get3A_382] {strides = array<i32>} : memref<80x128xf32, #tpu.memory_space<vmem>>, vector<16xf32>,
        %mul3A_384 = arith.mulf %get3A_383, %bitcast3A_313 : vector<16xf32>
        %add3A_385 = arith.constant 1 : i32
        %add3A_386 = arith.addi %mul3A_306, %add3A_385 : i32
        %swap3A_387 = arith.index_cast %add3A_386 : i32 to index
        %swap3A_388 = arith.constant 16 : index
        %swap3A_389 = tpu.vector_load %arg11[%swap3A_387, %swap3A_388] {strides = array<i32>} : memref<80x128xf32, #tpu.memory_space<vmem>>, vector<16xf32>,
        tpu.vector_store %arg11[%swap3A_387, %swap3A_388], %mul3A_384 {strides = array<i32>} : memref<80x128xf32, #tpu.memory_space<vmem>>, vector<16xf32>,
        %add3A_390 = arith.constant 1 : i32
        %add3A_391 = arith.addi %mul3A_306, %add3A_390 : i32
        %get3A_392 = arith.index_cast %add3A_391 : i32 to index
        %get3A_393 = arith.constant 32 : index
        %get3A_394 = tpu.vector_load %arg11[%get3A_392, %get3A_393] {strides = array<i32>} : memref<80x128xf32, #tpu.memory_space<vmem>>, vector<16xf32>,
        %mul3A_395 = arith.mulf %get3A_394, %bitcast3A_313 : vector<16xf32>
        %add3A_396 = arith.constant 1 : i32
        %add3A_397 = arith.addi %mul3A_306, %add3A_396 : i32
        %swap3A_398 = arith.index_cast %add3A_397 : i32 to index
        %swap3A_399 = arith.constant 32 : index
        %swap3A_400 = tpu.vector_load %arg11[%swap3A_398, %swap3A_399] {strides = array<i32>} : memref<80x128xf32, #tpu.memory_space<vmem>>, vector<16xf32>,
        tpu.vector_store %arg11[%swap3A_398, %swap3A_399], %mul3A_395 {strides = array<i32>} : memref<80x128xf32, #tpu.memory_space<vmem>>, vector<16xf32>,
        %add3A_401 = arith.constant 1 : i32
        %add3A_402 = arith.addi %mul3A_306, %add3A_401 : i32
        %get3A_403 = arith.index_cast %add3A_402 : i32 to index
        %get3A_404 = arith.constant 48 : index
        %get3A_405 = tpu.vector_load %arg11[%get3A_403, %get3A_404] {strides = array<i32>} : memref<80x128xf32, #tpu.memory_space<vmem>>, vector<16xf32>,
        %mul3A_406 = arith.mulf %get3A_405, %bitcast3A_313 : vector<16xf32>
        %add3A_407 = arith.constant 1 : i32
        %add3A_408 = arith.addi %mul3A_306, %add3A_407 : i32
        %swap3A_409 = arith.index_cast %add3A_408 : i32 to index
        %swap3A_410 = arith.constant 48 : index
        %swap3A_411 = tpu.vector_load %arg11[%swap3A_409, %swap3A_410] {strides = array<i32>} : memref<80x128xf32, #tpu.memory_space<vmem>>, vector<16xf32>,
        tpu.vector_store %arg11[%swap3A_409, %swap3A_410], %mul3A_406 {strides = array<i32>} : memref<80x128xf32, #tpu.memory_space<vmem>>, vector<16xf32>,
        %add3A_412 = arith.constant 1 : i32
        %add3A_413 = arith.addi %mul3A_306, %add3A_412 : i32
        %get3A_414 = arith.index_cast %add3A_413 : i32 to index
        %get3A_415 = arith.constant 64 : index
        %get3A_416 = tpu.vector_load %arg11[%get3A_414, %get3A_415] {strides = array<i32>} : memref<80x128xf32, #tpu.memory_space<vmem>>, vector<16xf32>,
        %mul3A_417 = arith.mulf %get3A_416, %bitcast3A_313 : vector<16xf32>
        %add3A_418 = arith.constant 1 : i32
        %add3A_419 = arith.addi %mul3A_306, %add3A_418 : i32
        %swap3A_420 = arith.index_cast %add3A_419 : i32 to index
        %swap3A_421 = arith.constant 64 : index
        %swap3A_422 = tpu.vector_load %arg11[%swap3A_420, %swap3A_421] {strides = array<i32>} : memref<80x128xf32, #tpu.memory_space<vmem>>, vector<16xf32>,
        tpu.vector_store %arg11[%swap3A_420, %swap3A_421], %mul3A_417 {strides = array<i32>} : memref<80x128xf32, #tpu.memory_space<vmem>>, vector<16xf32>,
        %add3A_423 = arith.constant 1 : i32
        %add3A_424 = arith.addi %mul3A_306, %add3A_423 : i32
        %get3A_425 = arith.index_cast %add3A_424 : i32 to index
        %get3A_426 = arith.constant 80 : index
        %get3A_427 = tpu.vector_load %arg11[%get3A_425, %get3A_426] {strides = array<i32>} : memref<80x128xf32, #tpu.memory_space<vmem>>, vector<16xf32>,
        %mul3A_428 = arith.mulf %get3A_427, %bitcast3A_313 : vector<16xf32>
        %add3A_429 = arith.constant 1 : i32
        %add3A_430 = arith.addi %mul3A_306, %add3A_429 : i32
        %swap3A_431 = arith.index_cast %add3A_430 : i32 to index
        %swap3A_432 = arith.constant 80 : index
        %swap3A_433 = tpu.vector_load %arg11[%swap3A_431, %swap3A_432] {strides = array<i32>} : memref<80x128xf32, #tpu.memory_space<vmem>>, vector<16xf32>,
        tpu.vector_store %arg11[%swap3A_431, %swap3A_432], %mul3A_428 {strides = array<i32>} : memref<80x128xf32, #tpu.memory_space<vmem>>, vector<16xf32>,
        %add3A_434 = arith.constant 1 : i32
        %add3A_435 = arith.addi %mul3A_306, %add3A_434 : i32
        %get3A_436 = arith.index_cast %add3A_435 : i32 to index
        %get3A_437 = arith.constant 96 : index
        %get3A_438 = tpu.vector_load %arg11[%get3A_436, %get3A_437] {strides = array<i32>} : memref<80x128xf32, #tpu.memory_space<vmem>>, vector<16xf32>,
        %mul3A_439 = arith.mulf %get3A_438, %bitcast3A_313 : vector<16xf32>
        %add3A_440 = arith.constant 1 : i32
        %add3A_441 = arith.addi %mul3A_306, %add3A_440 : i32
        %swap3A_442 = arith.index_cast %add3A_441 : i32 to index
        %swap3A_443 = arith.constant 96 : index
        %swap3A_444 = tpu.vector_load %arg11[%swap3A_442, %swap3A_443] {strides = array<i32>} : memref<80x128xf32, #tpu.memory_space<vmem>>, vector<16xf32>,
        tpu.vector_store %arg11[%swap3A_442, %swap3A_443], %mul3A_439 {strides = array<i32>} : memref<80x128xf32, #tpu.memory_space<vmem>>, vector<16xf32>,
        %add3A_445 = arith.constant 1 : i32
        %add3A_446 = arith.addi %mul3A_306, %add3A_445 : i32
        %get3A_447 = arith.index_cast %add3A_446 : i32 to index
        %get3A_448 = arith.constant 112 : index
        %get3A_449 = tpu.vector_load %arg11[%get3A_447, %get3A_448] {strides = array<i32>} : memref<80x128xf32, #tpu.memory_space<vmem>>, vector<16xf32>,
        %mul3A_450 = arith.mulf %get3A_449, %bitcast3A_313 : vector<16xf32>
        %add3A_451 = arith.constant 1 : i32
        %add3A_452 = arith.addi %mul3A_306, %add3A_451 : i32
        %swap3A_453 = arith.index_cast %add3A_452 : i32 to index
        %swap3A_454 = arith.constant 112 : index
        %swap3A_455 = tpu.vector_load %arg11[%swap3A_453, %swap3A_454] {strides = array<i32>} : memref<80x128xf32, #tpu.memory_space<vmem>>, vector<16xf32>,
        tpu.vector_store %arg11[%swap3A_453, %swap3A_454], %mul3A_450 {strides = array<i32>} : memref<80x128xf32, #tpu.memory_space<vmem>>, vector<16xf32>,
        %scan3A_456 = arith.constant 0 : i32
        scf.yield %scan3A_456 : i32
      }
      %scan3A_233 = arith.constant 40 : i32
      %dma_start3A_234 = arith.constant 0 : i32
      %dma_start3A_235 = tpu.memref_slice %arg6[%add3A_219, %dma_start3A_234] : memref<129x80xi32, #tpu.memory_space<vmem>> -> memref<1x80xi32, #tpu.memory_space<vmem>>
      %dma_start3A_236 = tpu.memref_squeeze %dma_start3A_235 : memref<1x80xi32, #tpu.memory_space<vmem>> -> memref<80xi32, #tpu.memory_space<vmem>>
      %dma_start3A_237 = arith.constant 0 : i32
      %dma_start3A_238 = arith.constant 0 : i32
      %dma_start3A_239 = tpu.memref_slice %arg13[%dma_start3A_237, %dma_start3A_238] : memref<10112x128xf32, #tpu.memory_space<vmem_shared>> -> memref<10112x128xf32, #tpu.memory_space<vmem_shared>>
      tpu.enqueue_indirect_dma source(%arg11 : memref<80x128xf32, #tpu.memory_space<vmem>>) target(%dma_start3A_239 : memref<10112x128xf32, #tpu.memory_space<vmem_shared>>) offsets(%dma_start3A_236 : memref<80xi32, #tpu.memory_space<vmem>>) semaphore(%arg21 : memref<!tpu.dma_semaphore, #tpu.memory_space<semaphore_mem>>) {add = true}
      %add3A_240 = arith.constant 3 : i32
      %add3A_241 = arith.addi %add3A_219, %add3A_240 : i32
      %lt3A_242 = arith.constant 129 : i32
      %lt3A_243 = arith.cmpi slt, %add3A_241, %lt3A_242 : i32
      %convert_element_type3A_244 = arith.extui %lt3A_243 : i1 to i32
      %cond3A_245 = arith.constant 0 : i32
      %cond3A_246 = arith.cmpi ne, %convert_element_type3A_244, %cond3A_245 : i32
      scf.if %cond3A_246 {
        %add3A_303 = arith.constant 3 : i32
        %add3A_304 = arith.addi %add3A_219, %add3A_303 : i32
        %dma_start3A_305 = arith.constant 0 : i32
        %dma_start3A_306 = arith.constant 0 : i32
        %dma_start3A_307 = tpu.memref_slice %arg2[%add3A, %add3A_304, %dma_start3A_305, %dma_start3A_306] : memref<32x129x2x80xi32, #tpu.memory_space<hbm>> -> memref<1x1x2x80xi32, #tpu.memory_space<hbm>>
        %dma_start3A_308 = tpu.memref_squeeze %dma_start3A_307 : memref<1x1x2x80xi32, #tpu.memory_space<hbm>> -> memref<2x80xi32, #tpu.memory_space<hbm>>
        %dma_start3A_309 = arith.constant 0 : i32
        %dma_start3A_310 = arith.constant 0 : i32
        %dma_start3A_311 = tpu.memref_slice %arg2[%add3A, %add3A_304, %dma_start3A_309, %dma_start3A_310] : memref<32x129x2x80xi32, #tpu.memory_space<hbm>> -> memref<1x1x2x80xi32, #tpu.memory_space<hbm>>
        %dma_start3A_312 = tpu.memref_squeeze %dma_start3A_311 : memref<1x1x2x80xi32, #tpu.memory_space<hbm>> -> memref<2x80xi32, #tpu.memory_space<hbm>>
        tpu.enqueue_dma source(%dma_start3A_312 : memref<2x80xi32, #tpu.memory_space<hbm>>) target(%arg8 : memref<2x80xi32, #tpu.memory_space<vmem>>) target_semaphore(%arg15 : memref<!tpu.dma_semaphore, #tpu.memory_space<semaphore_mem>>)
      } else {
      }
      %gt3A_247 = arith.constant 0 : i32
      %gt3A_248 = arith.cmpi sgt, %add3A_219, %gt3A_247 : i32
      %convert_element_type3A_249 = arith.extui %gt3A_248 : i1 to i32
      %cond3A_250 = arith.constant 0 : i32
      %cond3A_251 = arith.cmpi ne, %convert_element_type3A_249, %cond3A_250 : i32
      scf.if %cond3A_251 {
        %sub3A = arith.constant 1 : i32
        %sub3A_303 = arith.subi %add3A_219, %sub3A : i32
        %dma_wait3A_304 = arith.constant 0 : i32
        %dma_wait3A_305 = tpu.memref_slice %arg6[%sub3A_303, %dma_wait3A_304] : memref<129x80xi32, #tpu.memory_space<vmem>> -> memref<1x80xi32, #tpu.memory_space<vmem>>
        %dma_wait3A_306 = tpu.memref_squeeze %dma_wait3A_305 : memref<1x80xi32, #tpu.memory_space<vmem>> -> memref<80xi32, #tpu.memory_space<vmem>>
        %dma_wait3A_307 = arith.constant 0 : i32
        %dma_wait3A_308 = arith.constant 0 : i32
        %dma_wait3A_309 = tpu.memref_slice %arg13[%dma_wait3A_307, %dma_wait3A_308] : memref<10112x128xf32, #tpu.memory_space<vmem_shared>> -> memref<10112x128xf32, #tpu.memory_space<vmem_shared>>
        tpu.wait_indirect_dma semaphore(%arg20 : memref<!tpu.dma_semaphore, #tpu.memory_space<semaphore_mem>>) src(%arg10 : memref<80x128xf32, #tpu.memory_space<vmem>>) dst(%dma_wait3A_309 : memref<10112x128xf32, #tpu.memory_space<vmem_shared>>)
      } else {
      }
      %add3A_252 = arith.constant 2 : i32
      %add3A_253 = arith.addi %add3A_219, %add3A_252 : i32
      %lt3A_254 = arith.constant 129 : i32
      %lt3A_255 = arith.cmpi slt, %add3A_253, %lt3A_254 : i32
      %convert_element_type3A_256 = arith.extui %lt3A_255 : i1 to i32
      %cond3A_257 = arith.constant 0 : i32
      %cond3A_258 = arith.cmpi ne, %convert_element_type3A_256, %cond3A_257 : i32
      scf.if %cond3A_258 {
        %add3A_303 = arith.constant 2 : i32
        %add3A_304 = arith.addi %add3A_219, %add3A_303 : i32
        %dma_wait3A_305 = arith.constant 0 : i32
        %dma_wait3A_306 = arith.constant 0 : i32
        %dma_wait3A_307 = tpu.memref_slice %arg2[%add3A, %add3A_304, %dma_wait3A_305, %dma_wait3A_306] : memref<32x129x2x80xi32, #tpu.memory_space<hbm>> -> memref<1x1x2x80xi32, #tpu.memory_space<hbm>>
        %dma_wait3A_308 = tpu.memref_squeeze %dma_wait3A_307 : memref<1x1x2x80xi32, #tpu.memory_space<hbm>> -> memref<2x80xi32, #tpu.memory_space<hbm>>
        %dma_wait3A_309 = arith.constant 0 : i32
        %dma_wait3A_310 = arith.constant 0 : i32
        %dma_wait3A_311 = tpu.memref_slice %arg2[%add3A, %add3A_304, %dma_wait3A_309, %dma_wait3A_310] : memref<32x129x2x80xi32, #tpu.memory_space<hbm>> -> memref<1x1x2x80xi32, #tpu.memory_space<hbm>>
        %dma_wait3A_312 = tpu.memref_squeeze %dma_wait3A_311 : memref<1x1x2x80xi32, #tpu.memory_space<hbm>> -> memref<2x80xi32, #tpu.memory_space<hbm>>
        tpu.wait_dma2 semaphore(%arg14 : memref<!tpu.dma_semaphore, #tpu.memory_space<semaphore_mem>>) src(%dma_wait3A_312 : memref<2x80xi32, #tpu.memory_space<hbm>>) dst(%arg7 : memref<2x80xi32, #tpu.memory_space<vmem>>)
        %add3A_313 = arith.constant 2 : i32
        %add3A_314 = arith.addi %add3A_219, %add3A_313 : i32
        %dma_start3A_315 = arith.constant 0 : i32
        %dma_start3A_316 = arith.constant 0 : i32
        %dma_start3A_317 = tpu.memref_slice %arg7[%dma_start3A_315, %dma_start3A_316] : memref<2x80xi32, #tpu.memory_space<vmem>> -> memref<1x80xi32, #tpu.memory_space<vmem>>
        %dma_start3A_318 = tpu.memref_squeeze %dma_start3A_317 : memref<1x80xi32, #tpu.memory_space<vmem>> -> memref<80xi32, #tpu.memory_space<vmem>>
        %dma_start3A_319 = arith.constant 0 : i32
        %dma_start3A_320 = arith.constant 0 : i32
        %dma_start3A_321 = tpu.memref_slice %arg4[%dma_start3A_319, %dma_start3A_320] : memref<10000x128xf32, #tpu.memory_space<hbm>> -> memref<10000x128xf32, #tpu.memory_space<hbm>>
        tpu.enqueue_indirect_dma source(%dma_start3A_321 : memref<10000x128xf32, #tpu.memory_space<hbm>>) target(%arg10 : memref<80x128xf32, #tpu.memory_space<vmem>>) offsets(%dma_start3A_318 : memref<80xi32, #tpu.memory_space<vmem>>) semaphore(%arg17 : memref<!tpu.dma_semaphore, #tpu.memory_space<semaphore_mem>>)
      } else {
      }
      %mul3A_259 = arith.constant 3 : i32
      %mul3A_260 = arith.muli %scan3A_175, %mul3A_259 : i32
      %add3A_261 = arith.constant 2 : i32
      %add3A_262 = arith.addi %mul3A_260, %add3A_261 : i32
      %dma_wait3A_263 = arith.constant 0 : i32
      %dma_wait3A_264 = arith.constant 0 : i32
      %dma_wait3A_265 = tpu.memref_slice %arg9[%dma_wait3A_263, %dma_wait3A_264] : memref<2x80xi32, #tpu.memory_space<vmem>> -> memref<1x80xi32, #tpu.memory_space<vmem>>
      %dma_wait3A_266 = tpu.memref_squeeze %dma_wait3A_265 : memref<1x80xi32, #tpu.memory_space<vmem>> -> memref<80xi32, #tpu.memory_space<vmem>>
      %dma_wait3A_267 = arith.constant 0 : i32
      %dma_wait3A_268 = arith.constant 0 : i32
      %dma_wait3A_269 = tpu.memref_slice %arg4[%dma_wait3A_267, %dma_wait3A_268] : memref<10000x128xf32, #tpu.memory_space<hbm>> -> memref<10000x128xf32, #tpu.memory_space<hbm>>
      tpu.wait_indirect_dma semaphore(%arg19 : memref<!tpu.dma_semaphore, #tpu.memory_space<semaphore_mem>>) src(%dma_wait3A_269 : memref<10000x128xf32, #tpu.memory_space<hbm>>) dst(%arg12 : memref<80x128xf32, #tpu.memory_space<vmem>>)
      %scan3A_270 = arith.constant 0 : i32
      %scan3A_271 = arith.constant 0 : i32
      %scan3A_272 = arith.constant 40 : i32
      %scan3A_273 = arith.addi %scan3A_271, %scan3A_272 : i32
      %scan3A_274 = arith.constant 1 : i32
      %scan3A_275 = scf.for %scan3A_303 = %scan3A_271 to %scan3A_273 step %scan3A_274 iter_args(%scan3A_304 = %scan3A_270) -> (i32)  : i32 {
        %mul3A_305 = arith.constant 2 : i32
        %mul3A_306 = arith.muli %scan3A_303, %mul3A_305 : i32
        %broadcast_in_dim3A = arith.constant 1 : i32
        %broadcast_in_dim3A_307 = vector.broadcast %broadcast_in_dim3A : i32 to vector<16xi32>
        %broadcast_in_dim3A_308 = vector.broadcast %mul3A_306 : i32 to vector<16xi32>
        %gather3A = tpu.vector_load_idx %arg9[%broadcast_in_dim3A_307, %broadcast_in_dim3A_308] : memref<2x80xi32, #tpu.memory_space<vmem>>[vector<16xi32>, vector<16xi32>], vector<16xi32>,
        %add3A_309 = arith.constant 1 : i32
        %add3A_310 = arith.addi %mul3A_306, %add3A_309 : i32
        %broadcast_in_dim3A_311 = vector.broadcast %add3A_310 : i32 to vector<16xi32>
        %gather3A_312 = tpu.vector_load_idx %arg9[%broadcast_in_dim3A_307, %broadcast_in_dim3A_311] : memref<2x80xi32, #tpu.memory_space<vmem>>[vector<16xi32>, vector<16xi32>], vector<16xi32>,
        %bitcast3A = vector.bitcast %gather3A : vector<16xi32> to vector<16xf32>
        %bitcast3A_313 = vector.bitcast %gather3A_312 : vector<16xi32> to vector<16xf32>
        %get3A = arith.index_cast %mul3A_306 : i32 to index
        %get3A_314 = arith.constant 0 : index
        %get3A_315 = tpu.vector_load %arg12[%get3A, %get3A_314] {strides = array<i32>} : memref<80x128xf32, #tpu.memory_space<vmem>>, vector<16xf32>,
        %mul3A_316 = arith.mulf %get3A_315, %bitcast3A : vector<16xf32>
        %swap3A = arith.index_cast %mul3A_306 : i32 to index
        %swap3A_317 = arith.constant 0 : index
        %swap3A_318 = tpu.vector_load %arg12[%swap3A, %swap3A_317] {strides = array<i32>} : memref<80x128xf32, #tpu.memory_space<vmem>>, vector<16xf32>,
        tpu.vector_store %arg12[%swap3A, %swap3A_317], %mul3A_316 {strides = array<i32>} : memref<80x128xf32, #tpu.memory_space<vmem>>, vector<16xf32>,
        %get3A_319 = arith.index_cast %mul3A_306 : i32 to index
        %get3A_320 = arith.constant 16 : index
        %get3A_321 = tpu.vector_load %arg12[%get3A_319, %get3A_320] {strides = array<i32>} : memref<80x128xf32, #tpu.memory_space<vmem>>, vector<16xf32>,
        %mul3A_322 = arith.mulf %get3A_321, %bitcast3A : vector<16xf32>
        %swap3A_323 = arith.index_cast %mul3A_306 : i32 to index
        %swap3A_324 = arith.constant 16 : index
        %swap3A_325 = tpu.vector_load %arg12[%swap3A_323, %swap3A_324] {strides = array<i32>} : memref<80x128xf32, #tpu.memory_space<vmem>>, vector<16xf32>,
        tpu.vector_store %arg12[%swap3A_323, %swap3A_324], %mul3A_322 {strides = array<i32>} : memref<80x128xf32, #tpu.memory_space<vmem>>, vector<16xf32>,
        %get3A_326 = arith.index_cast %mul3A_306 : i32 to index
        %get3A_327 = arith.constant 32 : index
        %get3A_328 = tpu.vector_load %arg12[%get3A_326, %get3A_327] {strides = array<i32>} : memref<80x128xf32, #tpu.memory_space<vmem>>, vector<16xf32>,
        %mul3A_329 = arith.mulf %get3A_328, %bitcast3A : vector<16xf32>
        %swap3A_330 = arith.index_cast %mul3A_306 : i32 to index
        %swap3A_331 = arith.constant 32 : index
        %swap3A_332 = tpu.vector_load %arg12[%swap3A_330, %swap3A_331] {strides = array<i32>} : memref<80x128xf32, #tpu.memory_space<vmem>>, vector<16xf32>,
        tpu.vector_store %arg12[%swap3A_330, %swap3A_331], %mul3A_329 {strides = array<i32>} : memref<80x128xf32, #tpu.memory_space<vmem>>, vector<16xf32>,
        %get3A_333 = arith.index_cast %mul3A_306 : i32 to index
        %get3A_334 = arith.constant 48 : index
        %get3A_335 = tpu.vector_load %arg12[%get3A_333, %get3A_334] {strides = array<i32>} : memref<80x128xf32, #tpu.memory_space<vmem>>, vector<16xf32>,
        %mul3A_336 = arith.mulf %get3A_335, %bitcast3A : vector<16xf32>
        %swap3A_337 = arith.index_cast %mul3A_306 : i32 to index
        %swap3A_338 = arith.constant 48 : index
        %swap3A_339 = tpu.vector_load %arg12[%swap3A_337, %swap3A_338] {strides = array<i32>} : memref<80x128xf32, #tpu.memory_space<vmem>>, vector<16xf32>,
        tpu.vector_store %arg12[%swap3A_337, %swap3A_338], %mul3A_336 {strides = array<i32>} : memref<80x128xf32, #tpu.memory_space<vmem>>, vector<16xf32>,
        %get3A_340 = arith.index_cast %mul3A_306 : i32 to index
        %get3A_341 = arith.constant 64 : index
        %get3A_342 = tpu.vector_load %arg12[%get3A_340, %get3A_341] {strides = array<i32>} : memref<80x128xf32, #tpu.memory_space<vmem>>, vector<16xf32>,
        %mul3A_343 = arith.mulf %get3A_342, %bitcast3A : vector<16xf32>
        %swap3A_344 = arith.index_cast %mul3A_306 : i32 to index
        %swap3A_345 = arith.constant 64 : index
        %swap3A_346 = tpu.vector_load %arg12[%swap3A_344, %swap3A_345] {strides = array<i32>} : memref<80x128xf32, #tpu.memory_space<vmem>>, vector<16xf32>,
        tpu.vector_store %arg12[%swap3A_344, %swap3A_345], %mul3A_343 {strides = array<i32>} : memref<80x128xf32, #tpu.memory_space<vmem>>, vector<16xf32>,
        %get3A_347 = arith.index_cast %mul3A_306 : i32 to index
        %get3A_348 = arith.constant 80 : index
        %get3A_349 = tpu.vector_load %arg12[%get3A_347, %get3A_348] {strides = array<i32>} : memref<80x128xf32, #tpu.memory_space<vmem>>, vector<16xf32>,
        %mul3A_350 = arith.mulf %get3A_349, %bitcast3A : vector<16xf32>
        %swap3A_351 = arith.index_cast %mul3A_306 : i32 to index
        %swap3A_352 = arith.constant 80 : index
        %swap3A_353 = tpu.vector_load %arg12[%swap3A_351, %swap3A_352] {strides = array<i32>} : memref<80x128xf32, #tpu.memory_space<vmem>>, vector<16xf32>,
        tpu.vector_store %arg12[%swap3A_351, %swap3A_352], %mul3A_350 {strides = array<i32>} : memref<80x128xf32, #tpu.memory_space<vmem>>, vector<16xf32>,
        %get3A_354 = arith.index_cast %mul3A_306 : i32 to index
        %get3A_355 = arith.constant 96 : index
        %get3A_356 = tpu.vector_load %arg12[%get3A_354, %get3A_355] {strides = array<i32>} : memref<80x128xf32, #tpu.memory_space<vmem>>, vector<16xf32>,
        %mul3A_357 = arith.mulf %get3A_356, %bitcast3A : vector<16xf32>
        %swap3A_358 = arith.index_cast %mul3A_306 : i32 to index
        %swap3A_359 = arith.constant 96 : index
        %swap3A_360 = tpu.vector_load %arg12[%swap3A_358, %swap3A_359] {strides = array<i32>} : memref<80x128xf32, #tpu.memory_space<vmem>>, vector<16xf32>,
        tpu.vector_store %arg12[%swap3A_358, %swap3A_359], %mul3A_357 {strides = array<i32>} : memref<80x128xf32, #tpu.memory_space<vmem>>, vector<16xf32>,
        %get3A_361 = arith.index_cast %mul3A_306 : i32 to index
        %get3A_362 = arith.constant 112 : index
        %get3A_363 = tpu.vector_load %arg12[%get3A_361, %get3A_362] {strides = array<i32>} : memref<80x128xf32, #tpu.memory_space<vmem>>, vector<16xf32>,
        %mul3A_364 = arith.mulf %get3A_363, %bitcast3A : vector<16xf32>
        %swap3A_365 = arith.index_cast %mul3A_306 : i32 to index
        %swap3A_366 = arith.constant 112 : index
        %swap3A_367 = tpu.vector_load %arg12[%swap3A_365, %swap3A_366] {strides = array<i32>} : memref<80x128xf32, #tpu.memory_space<vmem>>, vector<16xf32>,
        tpu.vector_store %arg12[%swap3A_365, %swap3A_366], %mul3A_364 {strides = array<i32>} : memref<80x128xf32, #tpu.memory_space<vmem>>, vector<16xf32>,
        %add3A_368 = arith.constant 1 : i32
        %add3A_369 = arith.addi %mul3A_306, %add3A_368 : i32
        %get3A_370 = arith.index_cast %add3A_369 : i32 to index
        %get3A_371 = arith.constant 0 : index
        %get3A_372 = tpu.vector_load %arg12[%get3A_370, %get3A_371] {strides = array<i32>} : memref<80x128xf32, #tpu.memory_space<vmem>>, vector<16xf32>,
        %mul3A_373 = arith.mulf %get3A_372, %bitcast3A_313 : vector<16xf32>
        %add3A_374 = arith.constant 1 : i32
        %add3A_375 = arith.addi %mul3A_306, %add3A_374 : i32
        %swap3A_376 = arith.index_cast %add3A_375 : i32 to index
        %swap3A_377 = arith.constant 0 : index
        %swap3A_378 = tpu.vector_load %arg12[%swap3A_376, %swap3A_377] {strides = array<i32>} : memref<80x128xf32, #tpu.memory_space<vmem>>, vector<16xf32>,
        tpu.vector_store %arg12[%swap3A_376, %swap3A_377], %mul3A_373 {strides = array<i32>} : memref<80x128xf32, #tpu.memory_space<vmem>>, vector<16xf32>,
        %add3A_379 = arith.constant 1 : i32
        %add3A_380 = arith.addi %mul3A_306, %add3A_379 : i32
        %get3A_381 = arith.index_cast %add3A_380 : i32 to index
        %get3A_382 = arith.constant 16 : index
        %get3A_383 = tpu.vector_load %arg12[%get3A_381, %get3A_382] {strides = array<i32>} : memref<80x128xf32, #tpu.memory_space<vmem>>, vector<16xf32>,
        %mul3A_384 = arith.mulf %get3A_383, %bitcast3A_313 : vector<16xf32>
        %add3A_385 = arith.constant 1 : i32
        %add3A_386 = arith.addi %mul3A_306, %add3A_385 : i32
        %swap3A_387 = arith.index_cast %add3A_386 : i32 to index
        %swap3A_388 = arith.constant 16 : index
        %swap3A_389 = tpu.vector_load %arg12[%swap3A_387, %swap3A_388] {strides = array<i32>} : memref<80x128xf32, #tpu.memory_space<vmem>>, vector<16xf32>,
        tpu.vector_store %arg12[%swap3A_387, %swap3A_388], %mul3A_384 {strides = array<i32>} : memref<80x128xf32, #tpu.memory_space<vmem>>, vector<16xf32>,
        %add3A_390 = arith.constant 1 : i32
        %add3A_391 = arith.addi %mul3A_306, %add3A_390 : i32
        %get3A_392 = arith.index_cast %add3A_391 : i32 to index
        %get3A_393 = arith.constant 32 : index
        %get3A_394 = tpu.vector_load %arg12[%get3A_392, %get3A_393] {strides = array<i32>} : memref<80x128xf32, #tpu.memory_space<vmem>>, vector<16xf32>,
        %mul3A_395 = arith.mulf %get3A_394, %bitcast3A_313 : vector<16xf32>
        %add3A_396 = arith.constant 1 : i32
        %add3A_397 = arith.addi %mul3A_306, %add3A_396 : i32
        %swap3A_398 = arith.index_cast %add3A_397 : i32 to index
        %swap3A_399 = arith.constant 32 : index
        %swap3A_400 = tpu.vector_load %arg12[%swap3A_398, %swap3A_399] {strides = array<i32>} : memref<80x128xf32, #tpu.memory_space<vmem>>, vector<16xf32>,
        tpu.vector_store %arg12[%swap3A_398, %swap3A_399], %mul3A_395 {strides = array<i32>} : memref<80x128xf32, #tpu.memory_space<vmem>>, vector<16xf32>,
        %add3A_401 = arith.constant 1 : i32
        %add3A_402 = arith.addi %mul3A_306, %add3A_401 : i32
        %get3A_403 = arith.index_cast %add3A_402 : i32 to index
        %get3A_404 = arith.constant 48 : index
        %get3A_405 = tpu.vector_load %arg12[%get3A_403, %get3A_404] {strides = array<i32>} : memref<80x128xf32, #tpu.memory_space<vmem>>, vector<16xf32>,
        %mul3A_406 = arith.mulf %get3A_405, %bitcast3A_313 : vector<16xf32>
        %add3A_407 = arith.constant 1 : i32
        %add3A_408 = arith.addi %mul3A_306, %add3A_407 : i32
        %swap3A_409 = arith.index_cast %add3A_408 : i32 to index
        %swap3A_410 = arith.constant 48 : index
        %swap3A_411 = tpu.vector_load %arg12[%swap3A_409, %swap3A_410] {strides = array<i32>} : memref<80x128xf32, #tpu.memory_space<vmem>>, vector<16xf32>,
        tpu.vector_store %arg12[%swap3A_409, %swap3A_410], %mul3A_406 {strides = array<i32>} : memref<80x128xf32, #tpu.memory_space<vmem>>, vector<16xf32>,
        %add3A_412 = arith.constant 1 : i32
        %add3A_413 = arith.addi %mul3A_306, %add3A_412 : i32
        %get3A_414 = arith.index_cast %add3A_413 : i32 to index
        %get3A_415 = arith.constant 64 : index
        %get3A_416 = tpu.vector_load %arg12[%get3A_414, %get3A_415] {strides = array<i32>} : memref<80x128xf32, #tpu.memory_space<vmem>>, vector<16xf32>,
        %mul3A_417 = arith.mulf %get3A_416, %bitcast3A_313 : vector<16xf32>
        %add3A_418 = arith.constant 1 : i32
        %add3A_419 = arith.addi %mul3A_306, %add3A_418 : i32
        %swap3A_420 = arith.index_cast %add3A_419 : i32 to index
        %swap3A_421 = arith.constant 64 : index
        %swap3A_422 = tpu.vector_load %arg12[%swap3A_420, %swap3A_421] {strides = array<i32>} : memref<80x128xf32, #tpu.memory_space<vmem>>, vector<16xf32>,
        tpu.vector_store %arg12[%swap3A_420, %swap3A_421], %mul3A_417 {strides = array<i32>} : memref<80x128xf32, #tpu.memory_space<vmem>>, vector<16xf32>,
        %add3A_423 = arith.constant 1 : i32
        %add3A_424 = arith.addi %mul3A_306, %add3A_423 : i32
        %get3A_425 = arith.index_cast %add3A_424 : i32 to index
        %get3A_426 = arith.constant 80 : index
        %get3A_427 = tpu.vector_load %arg12[%get3A_425, %get3A_426] {strides = array<i32>} : memref<80x128xf32, #tpu.memory_space<vmem>>, vector<16xf32>,
        %mul3A_428 = arith.mulf %get3A_427, %bitcast3A_313 : vector<16xf32>
        %add3A_429 = arith.constant 1 : i32
        %add3A_430 = arith.addi %mul3A_306, %add3A_429 : i32
        %swap3A_431 = arith.index_cast %add3A_430 : i32 to index
        %swap3A_432 = arith.constant 80 : index
        %swap3A_433 = tpu.vector_load %arg12[%swap3A_431, %swap3A_432] {strides = array<i32>} : memref<80x128xf32, #tpu.memory_space<vmem>>, vector<16xf32>,
        tpu.vector_store %arg12[%swap3A_431, %swap3A_432], %mul3A_428 {strides = array<i32>} : memref<80x128xf32, #tpu.memory_space<vmem>>, vector<16xf32>,
        %add3A_434 = arith.constant 1 : i32
        %add3A_435 = arith.addi %mul3A_306, %add3A_434 : i32
        %get3A_436 = arith.index_cast %add3A_435 : i32 to index
        %get3A_437 = arith.constant 96 : index
        %get3A_438 = tpu.vector_load %arg12[%get3A_436, %get3A_437] {strides = array<i32>} : memref<80x128xf32, #tpu.memory_space<vmem>>, vector<16xf32>,
        %mul3A_439 = arith.mulf %get3A_438, %bitcast3A_313 : vector<16xf32>
        %add3A_440 = arith.constant 1 : i32
        %add3A_441 = arith.addi %mul3A_306, %add3A_440 : i32
        %swap3A_442 = arith.index_cast %add3A_441 : i32 to index
        %swap3A_443 = arith.constant 96 : index
        %swap3A_444 = tpu.vector_load %arg12[%swap3A_442, %swap3A_443] {strides = array<i32>} : memref<80x128xf32, #tpu.memory_space<vmem>>, vector<16xf32>,
        tpu.vector_store %arg12[%swap3A_442, %swap3A_443], %mul3A_439 {strides = array<i32>} : memref<80x128xf32, #tpu.memory_space<vmem>>, vector<16xf32>,
        %add3A_445 = arith.constant 1 : i32
        %add3A_446 = arith.addi %mul3A_306, %add3A_445 : i32
        %get3A_447 = arith.index_cast %add3A_446 : i32 to index
        %get3A_448 = arith.constant 112 : index
        %get3A_449 = tpu.vector_load %arg12[%get3A_447, %get3A_448] {strides = array<i32>} : memref<80x128xf32, #tpu.memory_space<vmem>>, vector<16xf32>,
        %mul3A_450 = arith.mulf %get3A_449, %bitcast3A_313 : vector<16xf32>
        %add3A_451 = arith.constant 1 : i32
        %add3A_452 = arith.addi %mul3A_306, %add3A_451 : i32
        %swap3A_453 = arith.index_cast %add3A_452 : i32 to index
        %swap3A_454 = arith.constant 112 : index
        %swap3A_455 = tpu.vector_load %arg12[%swap3A_453, %swap3A_454] {strides = array<i32>} : memref<80x128xf32, #tpu.memory_space<vmem>>, vector<16xf32>,
        tpu.vector_store %arg12[%swap3A_453, %swap3A_454], %mul3A_450 {strides = array<i32>} : memref<80x128xf32, #tpu.memory_space<vmem>>, vector<16xf32>,
        %scan3A_456 = arith.constant 0 : i32
        scf.yield %scan3A_456 : i32
      }
      %scan3A_276 = arith.constant 40 : i32
      %dma_start3A_277 = arith.constant 0 : i32
      %dma_start3A_278 = tpu.memref_slice %arg6[%add3A_262, %dma_start3A_277] : memref<129x80xi32, #tpu.memory_space<vmem>> -> memref<1x80xi32, #tpu.memory_space<vmem>>
      %dma_start3A_279 = tpu.memref_squeeze %dma_start3A_278 : memref<1x80xi32, #tpu.memory_space<vmem>> -> memref<80xi32, #tpu.memory_space<vmem>>
      %dma_start3A_280 = arith.constant 0 : i32
      %dma_start3A_281 = arith.constant 0 : i32
      %dma_start3A_282 = tpu.memref_slice %arg13[%dma_start3A_280, %dma_start3A_281] : memref<10112x128xf32, #tpu.memory_space<vmem_shared>> -> memref<10112x128xf32, #tpu.memory_space<vmem_shared>>
      tpu.enqueue_indirect_dma source(%arg12 : memref<80x128xf32, #tpu.memory_space<vmem>>) target(%dma_start3A_282 : memref<10112x128xf32, #tpu.memory_space<vmem_shared>>) offsets(%dma_start3A_279 : memref<80xi32, #tpu.memory_space<vmem>>) semaphore(%arg22 : memref<!tpu.dma_semaphore, #tpu.memory_space<semaphore_mem>>) {add = true}
      %add3A_283 = arith.constant 3 : i32
      %add3A_284 = arith.addi %add3A_262, %add3A_283 : i32
      %lt3A_285 = arith.constant 129 : i32
      %lt3A_286 = arith.cmpi slt, %add3A_284, %lt3A_285 : i32
      %convert_element_type3A_287 = arith.extui %lt3A_286 : i1 to i32
      %cond3A_288 = arith.constant 0 : i32
      %cond3A_289 = arith.cmpi ne, %convert_element_type3A_287, %cond3A_288 : i32
      scf.if %cond3A_289 {
        %add3A_303 = arith.constant 3 : i32
        %add3A_304 = arith.addi %add3A_262, %add3A_303 : i32
        %dma_start3A_305 = arith.constant 0 : i32
        %dma_start3A_306 = arith.constant 0 : i32
        %dma_start3A_307 = tpu.memref_slice %arg2[%add3A, %add3A_304, %dma_start3A_305, %dma_start3A_306] : memref<32x129x2x80xi32, #tpu.memory_space<hbm>> -> memref<1x1x2x80xi32, #tpu.memory_space<hbm>>
        %dma_start3A_308 = tpu.memref_squeeze %dma_start3A_307 : memref<1x1x2x80xi32, #tpu.memory_space<hbm>> -> memref<2x80xi32, #tpu.memory_space<hbm>>
        %dma_start3A_309 = arith.constant 0 : i32
        %dma_start3A_310 = arith.constant 0 : i32
        %dma_start3A_311 = tpu.memref_slice %arg2[%add3A, %add3A_304, %dma_start3A_309, %dma_start3A_310] : memref<32x129x2x80xi32, #tpu.memory_space<hbm>> -> memref<1x1x2x80xi32, #tpu.memory_space<hbm>>
        %dma_start3A_312 = tpu.memref_squeeze %dma_start3A_311 : memref<1x1x2x80xi32, #tpu.memory_space<hbm>> -> memref<2x80xi32, #tpu.memory_space<hbm>>
        tpu.enqueue_dma source(%dma_start3A_312 : memref<2x80xi32, #tpu.memory_space<hbm>>) target(%arg9 : memref<2x80xi32, #tpu.memory_space<vmem>>) target_semaphore(%arg16 : memref<!tpu.dma_semaphore, #tpu.memory_space<semaphore_mem>>)
      } else {
      }
      %gt3A_290 = arith.constant 0 : i32
      %gt3A_291 = arith.cmpi sgt, %add3A_262, %gt3A_290 : i32
      %convert_element_type3A_292 = arith.extui %gt3A_291 : i1 to i32
      %cond3A_293 = arith.constant 0 : i32
      %cond3A_294 = arith.cmpi ne, %convert_element_type3A_292, %cond3A_293 : i32
      scf.if %cond3A_294 {
        %sub3A = arith.constant 1 : i32
        %sub3A_303 = arith.subi %add3A_262, %sub3A : i32
        %dma_wait3A_304 = arith.constant 0 : i32
        %dma_wait3A_305 = tpu.memref_slice %arg6[%sub3A_303, %dma_wait3A_304] : memref<129x80xi32, #tpu.memory_space<vmem>> -> memref<1x80xi32, #tpu.memory_space<vmem>>
        %dma_wait3A_306 = tpu.memref_squeeze %dma_wait3A_305 : memref<1x80xi32, #tpu.memory_space<vmem>> -> memref<80xi32, #tpu.memory_space<vmem>>
        %dma_wait3A_307 = arith.constant 0 : i32
        %dma_wait3A_308 = arith.constant 0 : i32
        %dma_wait3A_309 = tpu.memref_slice %arg13[%dma_wait3A_307, %dma_wait3A_308] : memref<10112x128xf32, #tpu.memory_space<vmem_shared>> -> memref<10112x128xf32, #tpu.memory_space<vmem_shared>>
        tpu.wait_indirect_dma semaphore(%arg21 : memref<!tpu.dma_semaphore, #tpu.memory_space<semaphore_mem>>) src(%arg11 : memref<80x128xf32, #tpu.memory_space<vmem>>) dst(%dma_wait3A_309 : memref<10112x128xf32, #tpu.memory_space<vmem_shared>>)
      } else {
      }
      %add3A_295 = arith.constant 2 : i32
      %add3A_296 = arith.addi %add3A_262, %add3A_295 : i32
      %lt3A_297 = arith.constant 129 : i32
      %lt3A_298 = arith.cmpi slt, %add3A_296, %lt3A_297 : i32
      %convert_element_type3A_299 = arith.extui %lt3A_298 : i1 to i32
      %cond3A_300 = arith.constant 0 : i32
      %cond3A_301 = arith.cmpi ne, %convert_element_type3A_299, %cond3A_300 : i32
      scf.if %cond3A_301 {
        %add3A_303 = arith.constant 2 : i32
        %add3A_304 = arith.addi %add3A_262, %add3A_303 : i32
        %dma_wait3A_305 = arith.constant 0 : i32
        %dma_wait3A_306 = arith.constant 0 : i32
        %dma_wait3A_307 = tpu.memref_slice %arg2[%add3A, %add3A_304, %dma_wait3A_305, %dma_wait3A_306] : memref<32x129x2x80xi32, #tpu.memory_space<hbm>> -> memref<1x1x2x80xi32, #tpu.memory_space<hbm>>
        %dma_wait3A_308 = tpu.memref_squeeze %dma_wait3A_307 : memref<1x1x2x80xi32, #tpu.memory_space<hbm>> -> memref<2x80xi32, #tpu.memory_space<hbm>>
        %dma_wait3A_309 = arith.constant 0 : i32
        %dma_wait3A_310 = arith.constant 0 : i32
        %dma_wait3A_311 = tpu.memref_slice %arg2[%add3A, %add3A_304, %dma_wait3A_309, %dma_wait3A_310] : memref<32x129x2x80xi32, #tpu.memory_space<hbm>> -> memref<1x1x2x80xi32, #tpu.memory_space<hbm>>
        %dma_wait3A_312 = tpu.memref_squeeze %dma_wait3A_311 : memref<1x1x2x80xi32, #tpu.memory_space<hbm>> -> memref<2x80xi32, #tpu.memory_space<hbm>>
        tpu.wait_dma2 semaphore(%arg15 : memref<!tpu.dma_semaphore, #tpu.memory_space<semaphore_mem>>) src(%dma_wait3A_312 : memref<2x80xi32, #tpu.memory_space<hbm>>) dst(%arg8 : memref<2x80xi32, #tpu.memory_space<vmem>>)
        %add3A_313 = arith.constant 2 : i32
        %add3A_314 = arith.addi %add3A_262, %add3A_313 : i32
        %dma_start3A_315 = arith.constant 0 : i32
        %dma_start3A_316 = arith.constant 0 : i32
        %dma_start3A_317 = tpu.memref_slice %arg8[%dma_start3A_315, %dma_start3A_316] : memref<2x80xi32, #tpu.memory_space<vmem>> -> memref<1x80xi32, #tpu.memory_space<vmem>>
        %dma_start3A_318 = tpu.memref_squeeze %dma_start3A_317 : memref<1x80xi32, #tpu.memory_space<vmem>> -> memref<80xi32, #tpu.memory_space<vmem>>
        %dma_start3A_319 = arith.constant 0 : i32
        %dma_start3A_320 = arith.constant 0 : i32
        %dma_start3A_321 = tpu.memref_slice %arg4[%dma_start3A_319, %dma_start3A_320] : memref<10000x128xf32, #tpu.memory_space<hbm>> -> memref<10000x128xf32, #tpu.memory_space<hbm>>
        tpu.enqueue_indirect_dma source(%dma_start3A_321 : memref<10000x128xf32, #tpu.memory_space<hbm>>) target(%arg11 : memref<80x128xf32, #tpu.memory_space<vmem>>) offsets(%dma_start3A_318 : memref<80xi32, #tpu.memory_space<vmem>>) semaphore(%arg18 : memref<!tpu.dma_semaphore, #tpu.memory_space<semaphore_mem>>)
      } else {
      }
      %scan3A_302 = arith.constant 0 : i32
      scf.yield %scan3A_302 : i32
    }
    %scan3A_164 = arith.constant 43 : i32
    %dma_wait3A_165 = arith.constant 128 : i32
    %dma_wait3A_166 = arith.constant 0 : i32
    %dma_wait3A_167 = tpu.memref_slice %arg6[%dma_wait3A_165, %dma_wait3A_166] : memref<129x80xi32, #tpu.memory_space<vmem>> -> memref<1x80xi32, #tpu.memory_space<vmem>>
    %dma_wait3A_168 = tpu.memref_squeeze %dma_wait3A_167 : memref<1x80xi32, #tpu.memory_space<vmem>> -> memref<80xi32, #tpu.memory_space<vmem>>
    %dma_wait3A_169 = arith.constant 0 : i32
    %dma_wait3A_170 = arith.constant 0 : i32
    %dma_wait3A_171 = tpu.memref_slice %arg13[%dma_wait3A_169, %dma_wait3A_170] : memref<10112x128xf32, #tpu.memory_space<vmem_shared>> -> memref<10112x128xf32, #tpu.memory_space<vmem_shared>>
    tpu.wait_indirect_dma semaphore(%arg22 : memref<!tpu.dma_semaphore, #tpu.memory_space<semaphore_mem>>) src(%arg12 : memref<80x128xf32, #tpu.memory_space<vmem>>) dst(%dma_wait3A_171 : memref<10112x128xf32, #tpu.memory_space<vmem_shared>>)
    %barrier3A_172 = arith.constant 0 : index
    tpu.barrier barrier_id(%barrier3A_172)
    %mul3A_173 = arith.constant 632 : i32
    %mul3A_174 = arith.muli %arg1, %mul3A_173 : i32
    "tpu.region"() ({
      %run_scoped3A = tpu.sem_alloc : memref<!tpu.dma_semaphore, #tpu.memory_space<semaphore_mem>>
      %dma_start3A_175 = arith.constant 0 : i32
      %dma_start3A_176 = tpu.memref_slice %arg5[%arg0, %mul3A_174, %dma_start3A_175] : memref<2x10112x128xf32, #tpu.memory_space<hbm>> -> memref<1x632x128xf32, #tpu.memory_space<hbm>>
      %dma_start3A_177 = tpu.memref_squeeze %dma_start3A_176 : memref<1x632x128xf32, #tpu.memory_space<hbm>> -> memref<632x128xf32, #tpu.memory_space<hbm>>
      %dma_start3A_178 = arith.constant 0 : i32
      %dma_start3A_179 = tpu.memref_slice %arg13[%mul3A_174, %dma_start3A_178] : memref<10112x128xf32, #tpu.memory_space<vmem_shared>> -> memref<632x128xf32, #tpu.memory_space<vmem_shared>>
      tpu.enqueue_dma source(%dma_start3A_179 : memref<632x128xf32, #tpu.memory_space<vmem_shared>>) target(%dma_start3A_177 : memref<632x128xf32, #tpu.memory_space<hbm>>) target_semaphore(%run_scoped3A : memref<!tpu.dma_semaphore, #tpu.memory_space<semaphore_mem>>)
      %dma_wait3A_180 = arith.constant 0 : i32
      %dma_wait3A_181 = tpu.memref_slice %arg5[%arg0, %mul3A_174, %dma_wait3A_180] : memref<2x10112x128xf32, #tpu.memory_space<hbm>> -> memref<1x632x128xf32, #tpu.memory_space<hbm>>
      %dma_wait3A_182 = tpu.memref_squeeze %dma_wait3A_181 : memref<1x632x128xf32, #tpu.memory_space<hbm>> -> memref<632x128xf32, #tpu.memory_space<hbm>>
      %dma_wait3A_183 = arith.constant 0 : i32
      %dma_wait3A_184 = tpu.memref_slice %arg13[%mul3A_174, %dma_wait3A_183] : memref<10112x128xf32, #tpu.memory_space<vmem_shared>> -> memref<632x128xf32, #tpu.memory_space<vmem_shared>>
      tpu.wait_dma2 semaphore(%run_scoped3A : memref<!tpu.dma_semaphore, #tpu.memory_space<semaphore_mem>>) src(%dma_wait3A_184 : memref<632x128xf32, #tpu.memory_space<vmem_shared>>) dst(%dma_wait3A_182 : memref<632x128xf32, #tpu.memory_space<hbm>>)
      tpu.yield
    }) : () -> ()
    return
  }
}

#map = affine_map<(d0, d1) -> (0, 0)>
#map1 = affine_map<(d0, d1) -> (0)>
module attributes {stable_mosaic.version = 14 : i64} {
  func.func @_sc_weights_kernel(%arg0: i32, %arg1: i32, %arg2: memref<32x10320xi32, #tpu.memory_space<hbm>>, %arg3: memref<32x10320xi32, #tpu.memory_space<hbm>>, %arg4: memref<10112xf32, #tpu.memory_space<hbm>>, %arg5: memref<10112xf32, #tpu.memory_space<hbm>>, %arg6: memref<16xf32, #tpu.memory_space<hbm>>, %arg7: memref<32x20640xi32, #tpu.memory_space<hbm>>, %arg8: memref<32x10112xf32, #tpu.memory_space<hbm>>, %arg9: memref<10320xi32, #tpu.memory_space<vmem>>, %arg10: memref<10320xi32, #tpu.memory_space<vmem>>, %arg11: memref<10112xf32, #tpu.memory_space<vmem>>, %arg12: memref<10112xf32, #tpu.memory_space<vmem>>, %arg13: memref<10112xf32, #tpu.memory_space<vmem>>, %arg14: memref<20640xi32, #tpu.memory_space<vmem>>, %arg15: memref<16xf32, #tpu.memory_space<vmem>>) attributes {dimension_semantics = [#tpu.dimension_semantics<core_parallel>, #tpu.dimension_semantics<subcore_parallel>], iteration_bounds = array<i64: 2, 16>, scalar_prefetch = 0 : i64, scratch_operands = 7 : i64, tpu.core_type = #tpu.core_type<sc_vector_subcore>, window_params = [{transform_indices = #map}, {transform_indices = #map}, {transform_indices = #map1}, {transform_indices = #map1}, {transform_indices = #map1}, {transform_indices = #map}, {transform_indices = #map}]} {
    %mul3A = arith.constant 16 : i32
    %mul3A_0 = arith.muli %arg0, %mul3A : i32
    %add3A = arith.addi %mul3A_0, %arg1 : i32
    "tpu.region"() ({
      %run_scoped3A = tpu.sem_alloc : memref<!tpu.dma_semaphore, #tpu.memory_space<semaphore_mem>>
      %dma_start3A = arith.constant 0 : i32
      %dma_start3A_15 = tpu.memref_slice %arg2[%add3A, %dma_start3A] : memref<32x10320xi32, #tpu.memory_space<hbm>> -> memref<1x10320xi32, #tpu.memory_space<hbm>>
      %dma_start3A_16 = tpu.memref_squeeze %dma_start3A_15 : memref<1x10320xi32, #tpu.memory_space<hbm>> -> memref<10320xi32, #tpu.memory_space<hbm>>
      %dma_start3A_17 = arith.constant 0 : i32
      %dma_start3A_18 = tpu.memref_slice %arg2[%add3A, %dma_start3A_17] : memref<32x10320xi32, #tpu.memory_space<hbm>> -> memref<1x10320xi32, #tpu.memory_space<hbm>>
      %dma_start3A_19 = tpu.memref_squeeze %dma_start3A_18 : memref<1x10320xi32, #tpu.memory_space<hbm>> -> memref<10320xi32, #tpu.memory_space<hbm>>
      tpu.enqueue_dma source(%dma_start3A_19 : memref<10320xi32, #tpu.memory_space<hbm>>) target(%arg9 : memref<10320xi32, #tpu.memory_space<vmem>>) target_semaphore(%run_scoped3A : memref<!tpu.dma_semaphore, #tpu.memory_space<semaphore_mem>>)
      %dma_wait3A = arith.constant 0 : i32
      %dma_wait3A_20 = tpu.memref_slice %arg2[%add3A, %dma_wait3A] : memref<32x10320xi32, #tpu.memory_space<hbm>> -> memref<1x10320xi32, #tpu.memory_space<hbm>>
      %dma_wait3A_21 = tpu.memref_squeeze %dma_wait3A_20 : memref<1x10320xi32, #tpu.memory_space<hbm>> -> memref<10320xi32, #tpu.memory_space<hbm>>
      %dma_wait3A_22 = arith.constant 0 : i32
      %dma_wait3A_23 = tpu.memref_slice %arg2[%add3A, %dma_wait3A_22] : memref<32x10320xi32, #tpu.memory_space<hbm>> -> memref<1x10320xi32, #tpu.memory_space<hbm>>
      %dma_wait3A_24 = tpu.memref_squeeze %dma_wait3A_23 : memref<1x10320xi32, #tpu.memory_space<hbm>> -> memref<10320xi32, #tpu.memory_space<hbm>>
      tpu.wait_dma2 semaphore(%run_scoped3A : memref<!tpu.dma_semaphore, #tpu.memory_space<semaphore_mem>>) src(%dma_wait3A_24 : memref<10320xi32, #tpu.memory_space<hbm>>) dst(%arg9 : memref<10320xi32, #tpu.memory_space<vmem>>)
      tpu.yield
    }) : () -> ()
    "tpu.region"() ({
      %run_scoped3A = tpu.sem_alloc : memref<!tpu.dma_semaphore, #tpu.memory_space<semaphore_mem>>
      %dma_start3A = arith.constant 0 : i32
      %dma_start3A_15 = tpu.memref_slice %arg3[%add3A, %dma_start3A] : memref<32x10320xi32, #tpu.memory_space<hbm>> -> memref<1x10320xi32, #tpu.memory_space<hbm>>
      %dma_start3A_16 = tpu.memref_squeeze %dma_start3A_15 : memref<1x10320xi32, #tpu.memory_space<hbm>> -> memref<10320xi32, #tpu.memory_space<hbm>>
      %dma_start3A_17 = arith.constant 0 : i32
      %dma_start3A_18 = tpu.memref_slice %arg3[%add3A, %dma_start3A_17] : memref<32x10320xi32, #tpu.memory_space<hbm>> -> memref<1x10320xi32, #tpu.memory_space<hbm>>
      %dma_start3A_19 = tpu.memref_squeeze %dma_start3A_18 : memref<1x10320xi32, #tpu.memory_space<hbm>> -> memref<10320xi32, #tpu.memory_space<hbm>>
      tpu.enqueue_dma source(%dma_start3A_19 : memref<10320xi32, #tpu.memory_space<hbm>>) target(%arg10 : memref<10320xi32, #tpu.memory_space<vmem>>) target_semaphore(%run_scoped3A : memref<!tpu.dma_semaphore, #tpu.memory_space<semaphore_mem>>)
      %dma_wait3A = arith.constant 0 : i32
      %dma_wait3A_20 = tpu.memref_slice %arg3[%add3A, %dma_wait3A] : memref<32x10320xi32, #tpu.memory_space<hbm>> -> memref<1x10320xi32, #tpu.memory_space<hbm>>
      %dma_wait3A_21 = tpu.memref_squeeze %dma_wait3A_20 : memref<1x10320xi32, #tpu.memory_space<hbm>> -> memref<10320xi32, #tpu.memory_space<hbm>>
      %dma_wait3A_22 = arith.constant 0 : i32
      %dma_wait3A_23 = tpu.memref_slice %arg3[%add3A, %dma_wait3A_22] : memref<32x10320xi32, #tpu.memory_space<hbm>> -> memref<1x10320xi32, #tpu.memory_space<hbm>>
      %dma_wait3A_24 = tpu.memref_squeeze %dma_wait3A_23 : memref<1x10320xi32, #tpu.memory_space<hbm>> -> memref<10320xi32, #tpu.memory_space<hbm>>
      tpu.wait_dma2 semaphore(%run_scoped3A : memref<!tpu.dma_semaphore, #tpu.memory_space<semaphore_mem>>) src(%dma_wait3A_24 : memref<10320xi32, #tpu.memory_space<hbm>>) dst(%arg10 : memref<10320xi32, #tpu.memory_space<vmem>>)
      tpu.yield
    }) : () -> ()
    "tpu.region"() ({
      %run_scoped3A = tpu.sem_alloc : memref<!tpu.dma_semaphore, #tpu.memory_space<semaphore_mem>>
      tpu.enqueue_dma source(%arg4 : memref<10112xf32, #tpu.memory_space<hbm>>) target(%arg11 : memref<10112xf32, #tpu.memory_space<vmem>>) target_semaphore(%run_scoped3A : memref<!tpu.dma_semaphore, #tpu.memory_space<semaphore_mem>>)
      tpu.wait_dma2 semaphore(%run_scoped3A : memref<!tpu.dma_semaphore, #tpu.memory_space<semaphore_mem>>) src(%arg4 : memref<10112xf32, #tpu.memory_space<hbm>>) dst(%arg11 : memref<10112xf32, #tpu.memory_space<vmem>>)
      tpu.yield
    }) : () -> ()
    "tpu.region"() ({
      %run_scoped3A = tpu.sem_alloc : memref<!tpu.dma_semaphore, #tpu.memory_space<semaphore_mem>>
      tpu.enqueue_dma source(%arg5 : memref<10112xf32, #tpu.memory_space<hbm>>) target(%arg12 : memref<10112xf32, #tpu.memory_space<vmem>>) target_semaphore(%run_scoped3A : memref<!tpu.dma_semaphore, #tpu.memory_space<semaphore_mem>>)
      tpu.wait_dma2 semaphore(%run_scoped3A : memref<!tpu.dma_semaphore, #tpu.memory_space<semaphore_mem>>) src(%arg5 : memref<10112xf32, #tpu.memory_space<hbm>>) dst(%arg12 : memref<10112xf32, #tpu.memory_space<vmem>>)
      tpu.yield
    }) : () -> ()
    "tpu.region"() ({
      %run_scoped3A = tpu.sem_alloc : memref<!tpu.dma_semaphore, #tpu.memory_space<semaphore_mem>>
      tpu.enqueue_dma source(%arg6 : memref<16xf32, #tpu.memory_space<hbm>>) target(%arg15 : memref<16xf32, #tpu.memory_space<vmem>>) target_semaphore(%run_scoped3A : memref<!tpu.dma_semaphore, #tpu.memory_space<semaphore_mem>>)
      tpu.wait_dma2 semaphore(%run_scoped3A : memref<!tpu.dma_semaphore, #tpu.memory_space<semaphore_mem>>) src(%arg6 : memref<16xf32, #tpu.memory_space<hbm>>) dst(%arg15 : memref<16xf32, #tpu.memory_space<vmem>>)
      tpu.yield
    }) : () -> ()
    %get3A = arith.constant 0 : index
    %get3A_1 = tpu.vector_load %arg15[%get3A] {strides = array<i32>} : memref<16xf32, #tpu.memory_space<vmem>>, vector<16xf32>,
    %scan3A = arith.constant 0 : i32
    %scan3A_2 = arith.constant 0 : i32
    %scan3A_3 = arith.constant 632 : i32
    %scan3A_4 = arith.addi %scan3A_2, %scan3A_3 : i32
    %scan3A_5 = arith.constant 1 : i32
    %scan3A_6 = scf.for %scan3A_15 = %scan3A_2 to %scan3A_4 step %scan3A_5 iter_args(%scan3A_16 = %scan3A) -> (i32)  : i32 {
      %broadcast_in_dim3A = arith.constant 0.000000e+00 : f32
      %broadcast_in_dim3A_17 = vector.broadcast %broadcast_in_dim3A : f32 to vector<16xf32>
      %mul3A_18 = arith.constant 16 : i32
      %mul3A_19 = arith.muli %scan3A_15, %mul3A_18 : i32
      %swap3A = arith.index_cast %mul3A_19 : i32 to index
      %swap3A_20 = tpu.vector_load %arg13[%swap3A] {strides = array<i32>} : memref<10112xf32, #tpu.memory_space<vmem>>, vector<16xf32>,
      tpu.vector_store %arg13[%swap3A], %broadcast_in_dim3A_17 {strides = array<i32>} : memref<10112xf32, #tpu.memory_space<vmem>>, vector<16xf32>,
      %scan3A_21 = arith.constant 0 : i32
      scf.yield %scan3A_21 : i32
    }
    %scan3A_7 = arith.constant 632 : i32
    %scan3A_8 = arith.constant 0 : i32
    %scan3A_9 = arith.constant 0 : i32
    %scan3A_10 = arith.constant 129 : i32
    %scan3A_11 = arith.addi %scan3A_9, %scan3A_10 : i32
    %scan3A_12 = arith.constant 1 : i32
    %scan3A_13 = scf.for %scan3A_15 = %scan3A_9 to %scan3A_11 step %scan3A_12 iter_args(%scan3A_16 = %scan3A_8) -> (i32)  : i32 {
      %mul3A_17 = arith.constant 80 : i32
      %mul3A_18 = arith.muli %scan3A_15, %mul3A_17 : i32
      %mul3A_19 = arith.constant 160 : i32
      %mul3A_20 = arith.muli %scan3A_15, %mul3A_19 : i32
      %add3A_21 = arith.constant 0 : i32
      %add3A_22 = arith.addi %mul3A_18, %add3A_21 : i32
      %get3A_23 = arith.index_cast %add3A_22 : i32 to index
      %get3A_24 = tpu.vector_load %arg9[%get3A_23] {strides = array<i32>} : memref<10320xi32, #tpu.memory_space<vmem>>, vector<16xi32>,
      %get3A_25 = arith.index_cast %add3A_22 : i32 to index
      %get3A_26 = tpu.vector_load %arg10[%get3A_25] {strides = array<i32>} : memref<10320xi32, #tpu.memory_space<vmem>>, vector<16xi32>,
      %gather3A = tpu.vector_load_idx %arg11[%get3A_24] : memref<10112xf32, #tpu.memory_space<vmem>>[vector<16xi32>], vector<16xf32>,
      %gather3A_27 = tpu.vector_load_idx %arg12[%get3A_26] : memref<10112xf32, #tpu.memory_space<vmem>>[vector<16xi32>], vector<16xf32>,
      %add3A_28 = arith.addf %gather3A, %gather3A_27 : vector<16xf32>
      %gt3A = arith.constant 0.000000e+00 : f32
      %gt3A_29 = vector.broadcast %gt3A : f32 to vector<16xf32>
      %gt3A_30 = arith.cmpf ogt, %add3A_28, %gt3A_29 : vector<16xf32>
      %mul3A_31 = arith.constant 2.000000e-01 : f32
      %mul3A_32 = vector.broadcast %mul3A_31 : f32 to vector<16xf32>
      %mul3A_33 = arith.mulf %mul3A_32, %add3A_28 : vector<16xf32>
      %select_n3A = arith.select %gt3A_30, %add3A_28, %mul3A_33 : vector<16xi1>, vector<16xf32>
      %sub3A = arith.subf %select_n3A, %get3A_1 : vector<16xf32>
      %exp3A = math.exp %sub3A : vector<16xf32>
      tpu.vector_store_idx %arg13[%get3A_26], %exp3A {add = true} : memref<10112xf32, #tpu.memory_space<vmem>>[vector<16xi32>], vector<16xf32>,
      %add3A_34 = arith.constant 0 : i32
      %add3A_35 = arith.addi %mul3A_20, %add3A_34 : i32
      %swap3A = arith.index_cast %add3A_35 : i32 to index
      %swap3A_36 = tpu.vector_load %arg14[%swap3A] {strides = array<i32>} : memref<20640xi32, #tpu.memory_space<vmem>>, vector<16xi32>,
      tpu.vector_store %arg14[%swap3A], %get3A_24 {strides = array<i32>} : memref<20640xi32, #tpu.memory_space<vmem>>, vector<16xi32>,
      %bitcast3A = vector.bitcast %exp3A : vector<16xf32> to vector<16xi32>
      %add3A_37 = arith.constant 80 : i32
      %add3A_38 = arith.addi %mul3A_20, %add3A_37 : i32
      %add3A_39 = arith.constant 0 : i32
      %add3A_40 = arith.addi %add3A_38, %add3A_39 : i32
      %swap3A_41 = arith.index_cast %add3A_40 : i32 to index
      %swap3A_42 = tpu.vector_load %arg14[%swap3A_41] {strides = array<i32>} : memref<20640xi32, #tpu.memory_space<vmem>>, vector<16xi32>,
      tpu.vector_store %arg14[%swap3A_41], %bitcast3A {strides = array<i32>} : memref<20640xi32, #tpu.memory_space<vmem>>, vector<16xi32>,
      %add3A_43 = arith.constant 16 : i32
      %add3A_44 = arith.addi %mul3A_18, %add3A_43 : i32
      %get3A_45 = arith.index_cast %add3A_44 : i32 to index
      %get3A_46 = tpu.vector_load %arg9[%get3A_45] {strides = array<i32>} : memref<10320xi32, #tpu.memory_space<vmem>>, vector<16xi32>,
      %get3A_47 = arith.index_cast %add3A_44 : i32 to index
      %get3A_48 = tpu.vector_load %arg10[%get3A_47] {strides = array<i32>} : memref<10320xi32, #tpu.memory_space<vmem>>, vector<16xi32>,
      %gather3A_49 = tpu.vector_load_idx %arg11[%get3A_46] : memref<10112xf32, #tpu.memory_space<vmem>>[vector<16xi32>], vector<16xf32>,
      %gather3A_50 = tpu.vector_load_idx %arg12[%get3A_48] : memref<10112xf32, #tpu.memory_space<vmem>>[vector<16xi32>], vector<16xf32>,
      %add3A_51 = arith.addf %gather3A_49, %gather3A_50 : vector<16xf32>
      %gt3A_52 = arith.constant 0.000000e+00 : f32
      %gt3A_53 = vector.broadcast %gt3A_52 : f32 to vector<16xf32>
      %gt3A_54 = arith.cmpf ogt, %add3A_51, %gt3A_53 : vector<16xf32>
      %mul3A_55 = arith.constant 2.000000e-01 : f32
      %mul3A_56 = vector.broadcast %mul3A_55 : f32 to vector<16xf32>
      %mul3A_57 = arith.mulf %mul3A_56, %add3A_51 : vector<16xf32>
      %select_n3A_58 = arith.select %gt3A_54, %add3A_51, %mul3A_57 : vector<16xi1>, vector<16xf32>
      %sub3A_59 = arith.subf %select_n3A_58, %get3A_1 : vector<16xf32>
      %exp3A_60 = math.exp %sub3A_59 : vector<16xf32>
      tpu.vector_store_idx %arg13[%get3A_48], %exp3A_60 {add = true} : memref<10112xf32, #tpu.memory_space<vmem>>[vector<16xi32>], vector<16xf32>,
      %add3A_61 = arith.constant 16 : i32
      %add3A_62 = arith.addi %mul3A_20, %add3A_61 : i32
      %swap3A_63 = arith.index_cast %add3A_62 : i32 to index
      %swap3A_64 = tpu.vector_load %arg14[%swap3A_63] {strides = array<i32>} : memref<20640xi32, #tpu.memory_space<vmem>>, vector<16xi32>,
      tpu.vector_store %arg14[%swap3A_63], %get3A_46 {strides = array<i32>} : memref<20640xi32, #tpu.memory_space<vmem>>, vector<16xi32>,
      %bitcast3A_65 = vector.bitcast %exp3A_60 : vector<16xf32> to vector<16xi32>
      %add3A_66 = arith.constant 80 : i32
      %add3A_67 = arith.addi %mul3A_20, %add3A_66 : i32
      %add3A_68 = arith.constant 16 : i32
      %add3A_69 = arith.addi %add3A_67, %add3A_68 : i32
      %swap3A_70 = arith.index_cast %add3A_69 : i32 to index
      %swap3A_71 = tpu.vector_load %arg14[%swap3A_70] {strides = array<i32>} : memref<20640xi32, #tpu.memory_space<vmem>>, vector<16xi32>,
      tpu.vector_store %arg14[%swap3A_70], %bitcast3A_65 {strides = array<i32>} : memref<20640xi32, #tpu.memory_space<vmem>>, vector<16xi32>,
      %add3A_72 = arith.constant 32 : i32
      %add3A_73 = arith.addi %mul3A_18, %add3A_72 : i32
      %get3A_74 = arith.index_cast %add3A_73 : i32 to index
      %get3A_75 = tpu.vector_load %arg9[%get3A_74] {strides = array<i32>} : memref<10320xi32, #tpu.memory_space<vmem>>, vector<16xi32>,
      %get3A_76 = arith.index_cast %add3A_73 : i32 to index
      %get3A_77 = tpu.vector_load %arg10[%get3A_76] {strides = array<i32>} : memref<10320xi32, #tpu.memory_space<vmem>>, vector<16xi32>,
      %gather3A_78 = tpu.vector_load_idx %arg11[%get3A_75] : memref<10112xf32, #tpu.memory_space<vmem>>[vector<16xi32>], vector<16xf32>,
      %gather3A_79 = tpu.vector_load_idx %arg12[%get3A_77] : memref<10112xf32, #tpu.memory_space<vmem>>[vector<16xi32>], vector<16xf32>,
      %add3A_80 = arith.addf %gather3A_78, %gather3A_79 : vector<16xf32>
      %gt3A_81 = arith.constant 0.000000e+00 : f32
      %gt3A_82 = vector.broadcast %gt3A_81 : f32 to vector<16xf32>
      %gt3A_83 = arith.cmpf ogt, %add3A_80, %gt3A_82 : vector<16xf32>
      %mul3A_84 = arith.constant 2.000000e-01 : f32
      %mul3A_85 = vector.broadcast %mul3A_84 : f32 to vector<16xf32>
      %mul3A_86 = arith.mulf %mul3A_85, %add3A_80 : vector<16xf32>
      %select_n3A_87 = arith.select %gt3A_83, %add3A_80, %mul3A_86 : vector<16xi1>, vector<16xf32>
      %sub3A_88 = arith.subf %select_n3A_87, %get3A_1 : vector<16xf32>
      %exp3A_89 = math.exp %sub3A_88 : vector<16xf32>
      tpu.vector_store_idx %arg13[%get3A_77], %exp3A_89 {add = true} : memref<10112xf32, #tpu.memory_space<vmem>>[vector<16xi32>], vector<16xf32>,
      %add3A_90 = arith.constant 32 : i32
      %add3A_91 = arith.addi %mul3A_20, %add3A_90 : i32
      %swap3A_92 = arith.index_cast %add3A_91 : i32 to index
      %swap3A_93 = tpu.vector_load %arg14[%swap3A_92] {strides = array<i32>} : memref<20640xi32, #tpu.memory_space<vmem>>, vector<16xi32>,
      tpu.vector_store %arg14[%swap3A_92], %get3A_75 {strides = array<i32>} : memref<20640xi32, #tpu.memory_space<vmem>>, vector<16xi32>,
      %bitcast3A_94 = vector.bitcast %exp3A_89 : vector<16xf32> to vector<16xi32>
      %add3A_95 = arith.constant 80 : i32
      %add3A_96 = arith.addi %mul3A_20, %add3A_95 : i32
      %add3A_97 = arith.constant 32 : i32
      %add3A_98 = arith.addi %add3A_96, %add3A_97 : i32
      %swap3A_99 = arith.index_cast %add3A_98 : i32 to index
      %swap3A_100 = tpu.vector_load %arg14[%swap3A_99] {strides = array<i32>} : memref<20640xi32, #tpu.memory_space<vmem>>, vector<16xi32>,
      tpu.vector_store %arg14[%swap3A_99], %bitcast3A_94 {strides = array<i32>} : memref<20640xi32, #tpu.memory_space<vmem>>, vector<16xi32>,
      %add3A_101 = arith.constant 48 : i32
      %add3A_102 = arith.addi %mul3A_18, %add3A_101 : i32
      %get3A_103 = arith.index_cast %add3A_102 : i32 to index
      %get3A_104 = tpu.vector_load %arg9[%get3A_103] {strides = array<i32>} : memref<10320xi32, #tpu.memory_space<vmem>>, vector<16xi32>,
      %get3A_105 = arith.index_cast %add3A_102 : i32 to index
      %get3A_106 = tpu.vector_load %arg10[%get3A_105] {strides = array<i32>} : memref<10320xi32, #tpu.memory_space<vmem>>, vector<16xi32>,
      %gather3A_107 = tpu.vector_load_idx %arg11[%get3A_104] : memref<10112xf32, #tpu.memory_space<vmem>>[vector<16xi32>], vector<16xf32>,
      %gather3A_108 = tpu.vector_load_idx %arg12[%get3A_106] : memref<10112xf32, #tpu.memory_space<vmem>>[vector<16xi32>], vector<16xf32>,
      %add3A_109 = arith.addf %gather3A_107, %gather3A_108 : vector<16xf32>
      %gt3A_110 = arith.constant 0.000000e+00 : f32
      %gt3A_111 = vector.broadcast %gt3A_110 : f32 to vector<16xf32>
      %gt3A_112 = arith.cmpf ogt, %add3A_109, %gt3A_111 : vector<16xf32>
      %mul3A_113 = arith.constant 2.000000e-01 : f32
      %mul3A_114 = vector.broadcast %mul3A_113 : f32 to vector<16xf32>
      %mul3A_115 = arith.mulf %mul3A_114, %add3A_109 : vector<16xf32>
      %select_n3A_116 = arith.select %gt3A_112, %add3A_109, %mul3A_115 : vector<16xi1>, vector<16xf32>
      %sub3A_117 = arith.subf %select_n3A_116, %get3A_1 : vector<16xf32>
      %exp3A_118 = math.exp %sub3A_117 : vector<16xf32>
      tpu.vector_store_idx %arg13[%get3A_106], %exp3A_118 {add = true} : memref<10112xf32, #tpu.memory_space<vmem>>[vector<16xi32>], vector<16xf32>,
      %add3A_119 = arith.constant 48 : i32
      %add3A_120 = arith.addi %mul3A_20, %add3A_119 : i32
      %swap3A_121 = arith.index_cast %add3A_120 : i32 to index
      %swap3A_122 = tpu.vector_load %arg14[%swap3A_121] {strides = array<i32>} : memref<20640xi32, #tpu.memory_space<vmem>>, vector<16xi32>,
      tpu.vector_store %arg14[%swap3A_121], %get3A_104 {strides = array<i32>} : memref<20640xi32, #tpu.memory_space<vmem>>, vector<16xi32>,
      %bitcast3A_123 = vector.bitcast %exp3A_118 : vector<16xf32> to vector<16xi32>
      %add3A_124 = arith.constant 80 : i32
      %add3A_125 = arith.addi %mul3A_20, %add3A_124 : i32
      %add3A_126 = arith.constant 48 : i32
      %add3A_127 = arith.addi %add3A_125, %add3A_126 : i32
      %swap3A_128 = arith.index_cast %add3A_127 : i32 to index
      %swap3A_129 = tpu.vector_load %arg14[%swap3A_128] {strides = array<i32>} : memref<20640xi32, #tpu.memory_space<vmem>>, vector<16xi32>,
      tpu.vector_store %arg14[%swap3A_128], %bitcast3A_123 {strides = array<i32>} : memref<20640xi32, #tpu.memory_space<vmem>>, vector<16xi32>,
      %add3A_130 = arith.constant 64 : i32
      %add3A_131 = arith.addi %mul3A_18, %add3A_130 : i32
      %get3A_132 = arith.index_cast %add3A_131 : i32 to index
      %get3A_133 = tpu.vector_load %arg9[%get3A_132] {strides = array<i32>} : memref<10320xi32, #tpu.memory_space<vmem>>, vector<16xi32>,
      %get3A_134 = arith.index_cast %add3A_131 : i32 to index
      %get3A_135 = tpu.vector_load %arg10[%get3A_134] {strides = array<i32>} : memref<10320xi32, #tpu.memory_space<vmem>>, vector<16xi32>,
      %gather3A_136 = tpu.vector_load_idx %arg11[%get3A_133] : memref<10112xf32, #tpu.memory_space<vmem>>[vector<16xi32>], vector<16xf32>,
      %gather3A_137 = tpu.vector_load_idx %arg12[%get3A_135] : memref<10112xf32, #tpu.memory_space<vmem>>[vector<16xi32>], vector<16xf32>,
      %add3A_138 = arith.addf %gather3A_136, %gather3A_137 : vector<16xf32>
      %gt3A_139 = arith.constant 0.000000e+00 : f32
      %gt3A_140 = vector.broadcast %gt3A_139 : f32 to vector<16xf32>
      %gt3A_141 = arith.cmpf ogt, %add3A_138, %gt3A_140 : vector<16xf32>
      %mul3A_142 = arith.constant 2.000000e-01 : f32
      %mul3A_143 = vector.broadcast %mul3A_142 : f32 to vector<16xf32>
      %mul3A_144 = arith.mulf %mul3A_143, %add3A_138 : vector<16xf32>
      %select_n3A_145 = arith.select %gt3A_141, %add3A_138, %mul3A_144 : vector<16xi1>, vector<16xf32>
      %sub3A_146 = arith.subf %select_n3A_145, %get3A_1 : vector<16xf32>
      %exp3A_147 = math.exp %sub3A_146 : vector<16xf32>
      tpu.vector_store_idx %arg13[%get3A_135], %exp3A_147 {add = true} : memref<10112xf32, #tpu.memory_space<vmem>>[vector<16xi32>], vector<16xf32>,
      %add3A_148 = arith.constant 64 : i32
      %add3A_149 = arith.addi %mul3A_20, %add3A_148 : i32
      %swap3A_150 = arith.index_cast %add3A_149 : i32 to index
      %swap3A_151 = tpu.vector_load %arg14[%swap3A_150] {strides = array<i32>} : memref<20640xi32, #tpu.memory_space<vmem>>, vector<16xi32>,
      tpu.vector_store %arg14[%swap3A_150], %get3A_133 {strides = array<i32>} : memref<20640xi32, #tpu.memory_space<vmem>>, vector<16xi32>,
      %bitcast3A_152 = vector.bitcast %exp3A_147 : vector<16xf32> to vector<16xi32>
      %add3A_153 = arith.constant 80 : i32
      %add3A_154 = arith.addi %mul3A_20, %add3A_153 : i32
      %add3A_155 = arith.constant 64 : i32
      %add3A_156 = arith.addi %add3A_154, %add3A_155 : i32
      %swap3A_157 = arith.index_cast %add3A_156 : i32 to index
      %swap3A_158 = tpu.vector_load %arg14[%swap3A_157] {strides = array<i32>} : memref<20640xi32, #tpu.memory_space<vmem>>, vector<16xi32>,
      tpu.vector_store %arg14[%swap3A_157], %bitcast3A_152 {strides = array<i32>} : memref<20640xi32, #tpu.memory_space<vmem>>, vector<16xi32>,
      %scan3A_159 = arith.constant 0 : i32
      scf.yield %scan3A_159 : i32
    }
    %scan3A_14 = arith.constant 129 : i32
    "tpu.region"() ({
      %run_scoped3A = tpu.sem_alloc : memref<!tpu.dma_semaphore, #tpu.memory_space<semaphore_mem>>
      %dma_start3A = arith.constant 0 : i32
      %dma_start3A_15 = tpu.memref_slice %arg7[%add3A, %dma_start3A] : memref<32x20640xi32, #tpu.memory_space<hbm>> -> memref<1x20640xi32, #tpu.memory_space<hbm>>
      %dma_start3A_16 = tpu.memref_squeeze %dma_start3A_15 : memref<1x20640xi32, #tpu.memory_space<hbm>> -> memref<20640xi32, #tpu.memory_space<hbm>>
      %dma_start3A_17 = arith.constant 0 : i32
      %dma_start3A_18 = tpu.memref_slice %arg7[%add3A, %dma_start3A_17] : memref<32x20640xi32, #tpu.memory_space<hbm>> -> memref<1x20640xi32, #tpu.memory_space<hbm>>
      %dma_start3A_19 = tpu.memref_squeeze %dma_start3A_18 : memref<1x20640xi32, #tpu.memory_space<hbm>> -> memref<20640xi32, #tpu.memory_space<hbm>>
      tpu.enqueue_dma source(%arg14 : memref<20640xi32, #tpu.memory_space<vmem>>) target(%dma_start3A_19 : memref<20640xi32, #tpu.memory_space<hbm>>) target_semaphore(%run_scoped3A : memref<!tpu.dma_semaphore, #tpu.memory_space<semaphore_mem>>)
      %dma_wait3A = arith.constant 0 : i32
      %dma_wait3A_20 = tpu.memref_slice %arg7[%add3A, %dma_wait3A] : memref<32x20640xi32, #tpu.memory_space<hbm>> -> memref<1x20640xi32, #tpu.memory_space<hbm>>
      %dma_wait3A_21 = tpu.memref_squeeze %dma_wait3A_20 : memref<1x20640xi32, #tpu.memory_space<hbm>> -> memref<20640xi32, #tpu.memory_space<hbm>>
      %dma_wait3A_22 = arith.constant 0 : i32
      %dma_wait3A_23 = tpu.memref_slice %arg7[%add3A, %dma_wait3A_22] : memref<32x20640xi32, #tpu.memory_space<hbm>> -> memref<1x20640xi32, #tpu.memory_space<hbm>>
      %dma_wait3A_24 = tpu.memref_squeeze %dma_wait3A_23 : memref<1x20640xi32, #tpu.memory_space<hbm>> -> memref<20640xi32, #tpu.memory_space<hbm>>
      tpu.wait_dma2 semaphore(%run_scoped3A : memref<!tpu.dma_semaphore, #tpu.memory_space<semaphore_mem>>) src(%arg14 : memref<20640xi32, #tpu.memory_space<vmem>>) dst(%dma_wait3A_24 : memref<20640xi32, #tpu.memory_space<hbm>>)
      tpu.yield
    }) : () -> ()
    "tpu.region"() ({
      %run_scoped3A = tpu.sem_alloc : memref<!tpu.dma_semaphore, #tpu.memory_space<semaphore_mem>>
      %dma_start3A = arith.constant 0 : i32
      %dma_start3A_15 = tpu.memref_slice %arg8[%add3A, %dma_start3A] : memref<32x10112xf32, #tpu.memory_space<hbm>> -> memref<1x10112xf32, #tpu.memory_space<hbm>>
      %dma_start3A_16 = tpu.memref_squeeze %dma_start3A_15 : memref<1x10112xf32, #tpu.memory_space<hbm>> -> memref<10112xf32, #tpu.memory_space<hbm>>
      %dma_start3A_17 = arith.constant 0 : i32
      %dma_start3A_18 = tpu.memref_slice %arg8[%add3A, %dma_start3A_17] : memref<32x10112xf32, #tpu.memory_space<hbm>> -> memref<1x10112xf32, #tpu.memory_space<hbm>>
      %dma_start3A_19 = tpu.memref_squeeze %dma_start3A_18 : memref<1x10112xf32, #tpu.memory_space<hbm>> -> memref<10112xf32, #tpu.memory_space<hbm>>
      tpu.enqueue_dma source(%arg13 : memref<10112xf32, #tpu.memory_space<vmem>>) target(%dma_start3A_19 : memref<10112xf32, #tpu.memory_space<hbm>>) target_semaphore(%run_scoped3A : memref<!tpu.dma_semaphore, #tpu.memory_space<semaphore_mem>>)
      %dma_wait3A = arith.constant 0 : i32
      %dma_wait3A_20 = tpu.memref_slice %arg8[%add3A, %dma_wait3A] : memref<32x10112xf32, #tpu.memory_space<hbm>> -> memref<1x10112xf32, #tpu.memory_space<hbm>>
      %dma_wait3A_21 = tpu.memref_squeeze %dma_wait3A_20 : memref<1x10112xf32, #tpu.memory_space<hbm>> -> memref<10112xf32, #tpu.memory_space<hbm>>
      %dma_wait3A_22 = arith.constant 0 : i32
      %dma_wait3A_23 = tpu.memref_slice %arg8[%add3A, %dma_wait3A_22] : memref<32x10112xf32, #tpu.memory_space<hbm>> -> memref<1x10112xf32, #tpu.memory_space<hbm>>
      %dma_wait3A_24 = tpu.memref_squeeze %dma_wait3A_23 : memref<1x10112xf32, #tpu.memory_space<hbm>> -> memref<10112xf32, #tpu.memory_space<hbm>>
      tpu.wait_dma2 semaphore(%run_scoped3A : memref<!tpu.dma_semaphore, #tpu.memory_space<semaphore_mem>>) src(%arg13 : memref<10112xf32, #tpu.memory_space<vmem>>) dst(%dma_wait3A_24 : memref<10112xf32, #tpu.memory_space<hbm>>)
      tpu.yield
    }) : () -> ()
    return
  }
}

module attributes {stable_mosaic.version = 14 : i64} {
  func.func @_dense_proj_kernel(%arg0: i32, %arg1: memref<2000x128xf32, #tpu.memory_space<vmem>>, %arg2: memref<128x128xf32, #tpu.memory_space<vmem>>, %arg3: memref<128x128xf32, #tpu.memory_space<vmem>>, %arg4: memref<128x2xf32, #tpu.memory_space<vmem>>, %arg5: memref<2000x128xf32, #tpu.memory_space<vmem>>, %arg6: memref<2000x2xf32, #tpu.memory_space<vmem>>, %arg7: memref<1x2xf32, #tpu.memory_space<vmem>>) attributes {dimension_semantics = [#tpu.dimension_semantics<arbitrary>], iteration_bounds = array<i64: 5>, scalar_prefetch = 0 : i64, scratch_operands = 0 : i64, tpu.core_type = #tpu.core_type<tc>, window_params = [{transform_indices = @transform_0, window_bounds = array<i64: 2000, 128>}, {pipeline_mode = #tpu.pipeline_mode<synchronous>, transform_indices = @transform_1, window_bounds = array<i64: 128, 128>}, {pipeline_mode = #tpu.pipeline_mode<synchronous>, transform_indices = @transform_2, window_bounds = array<i64: 128, 128>}, {pipeline_mode = #tpu.pipeline_mode<synchronous>, transform_indices = @transform_3, window_bounds = array<i64: 128, 2>}, {transform_indices = @transform_4, window_bounds = array<i64: 2000, 128>}, {transform_indices = @transform_5, window_bounds = array<i64: 2000, 2>}, {pipeline_mode = #tpu.pipeline_mode<synchronous>, transform_indices = @transform_6, window_bounds = array<i64: 1, 2>}]} {
    %get3A = arith.constant 0 : index
    %get3A_0 = arith.constant 0 : index
    %get3A_1 = vector.load %arg2[%get3A, %get3A_0] : memref<128x128xf32, #tpu.memory_space<vmem>>, vector<128x128xf32>
    %get3A_2 = arith.constant 0 : index
    %get3A_3 = arith.constant 0 : index
    %get3A_4 = vector.load %arg3[%get3A_2, %get3A_3] : memref<128x128xf32, #tpu.memory_space<vmem>>, vector<128x128xf32>
    %dot_general3A = arith.constant dense<0.000000e+00> : vector<128x128xf32>
    %dot_general3A_5 = tpu.matmul %get3A_1, %get3A_4, %dot_general3A {dimension_numbers = #tpu.dot_dimension_numbers<[1], [0], [0], [1], [0, 0, 1, 1], [], []>, transpose_lhs_hint = false} : vector<128x128xf32>, vector<128x128xf32>, vector<128x128xf32> -> vector<128x128xf32>
    %get3A_6 = arith.constant 0 : index
    %get3A_7 = arith.constant 0 : index
    %get3A_8 = vector.load %arg1[%get3A_6, %get3A_7] : memref<2000x128xf32, #tpu.memory_space<vmem>>, vector<2000x128xf32>
    %dot_general3A_9 = arith.constant dense<0.000000e+00> : vector<2000x128xf32>
    %dot_general3A_10 = tpu.matmul %get3A_8, %dot_general3A_5, %dot_general3A_9 {dimension_numbers = #tpu.dot_dimension_numbers<[1], [0], [0], [1], [0, 0, 1, 1], [], []>, transpose_lhs_hint = false} : vector<2000x128xf32>, vector<128x128xf32>, vector<2000x128xf32> -> vector<2000x128xf32>
    %get3A_11 = arith.constant 0 : index
    %get3A_12 = arith.constant 0 : index
    %get3A_13 = vector.load %arg4[%get3A_11, %get3A_12] : memref<128x2xf32, #tpu.memory_space<vmem>>, vector<128x2xf32>
    %dot_general3A_14 = arith.constant dense<0.000000e+00> : vector<2000x2xf32>
    %dot_general3A_15 = tpu.matmul %dot_general3A_10, %get3A_13, %dot_general3A_14 {dimension_numbers = #tpu.dot_dimension_numbers<[1], [0], [0], [1], [0, 0, 1, 1], [], []>, transpose_lhs_hint = false} : vector<2000x128xf32>, vector<128x2xf32>, vector<2000x2xf32> -> vector<2000x2xf32>
    %swap3A = arith.constant 0 : index
    %swap3A_16 = arith.constant 0 : index
    %swap3A_17 = vector.load %arg5[%swap3A, %swap3A_16] : memref<2000x128xf32, #tpu.memory_space<vmem>>, vector<2000x128xf32>
    tpu.vector_store %arg5[%swap3A, %swap3A_16], %dot_general3A_10 {strides = array<i32>} : memref<2000x128xf32, #tpu.memory_space<vmem>>, vector<2000x128xf32>,
    %swap3A_18 = arith.constant 0 : index
    %swap3A_19 = arith.constant 0 : index
    %swap3A_20 = vector.load %arg6[%swap3A_18, %swap3A_19] : memref<2000x2xf32, #tpu.memory_space<vmem>>, vector<2000x2xf32>
    tpu.vector_store %arg6[%swap3A_18, %swap3A_19], %dot_general3A_15 {strides = array<i32>} : memref<2000x2xf32, #tpu.memory_space<vmem>>, vector<2000x2xf32>,
    %reduce_max3A = arith.constant dense<0xFF800000> : vector<2xf32>
    %reduce_max3A_21 = vector.multi_reduction <maximumf>, %dot_general3A_15, %reduce_max3A [0] : vector<2000x2xf32> to vector<2xf32>
    %broadcast_in_dim3A = vector.shape_cast %reduce_max3A_21 : vector<2xf32> to vector<1x2xf32>
    %eq3A = arith.constant 0 : i32
    %eq3A_22 = arith.cmpi eq, %arg0, %eq3A : i32
    %convert_element_type3A = arith.extui %eq3A_22 : i1 to i32
    %cond3A = arith.constant 0 : i32
    %cond3A_23 = arith.cmpi ne, %convert_element_type3A, %cond3A : i32
    scf.if %cond3A_23 {
      %swap3A_28 = arith.constant 0 : index
      %swap3A_29 = arith.constant 0 : index
      %swap3A_30 = vector.load %arg7[%swap3A_28, %swap3A_29] : memref<1x2xf32, #tpu.memory_space<vmem>>, vector<1x2xf32>
      tpu.vector_store %arg7[%swap3A_28, %swap3A_29], %broadcast_in_dim3A {strides = array<i32>} : memref<1x2xf32, #tpu.memory_space<vmem>>, vector<1x2xf32>,
    } else {
    }
    %gt3A = arith.constant 0 : i32
    %gt3A_24 = arith.cmpi sgt, %arg0, %gt3A : i32
    %convert_element_type3A_25 = arith.extui %gt3A_24 : i1 to i32
    %cond3A_26 = arith.constant 0 : i32
    %cond3A_27 = arith.cmpi ne, %convert_element_type3A_25, %cond3A_26 : i32
    scf.if %cond3A_27 {
      %get3A_28 = arith.constant 0 : index
      %get3A_29 = arith.constant 0 : index
      %get3A_30 = vector.load %arg7[%get3A_28, %get3A_29] : memref<1x2xf32, #tpu.memory_space<vmem>>, vector<1x2xf32>
      %max3A = arith.maximumf %get3A_30, %broadcast_in_dim3A : vector<1x2xf32>
      %swap3A_31 = arith.constant 0 : index
      %swap3A_32 = arith.constant 0 : index
      %swap3A_33 = vector.load %arg7[%swap3A_31, %swap3A_32] : memref<1x2xf32, #tpu.memory_space<vmem>>, vector<1x2xf32>
      tpu.vector_store %arg7[%swap3A_31, %swap3A_32], %max3A {strides = array<i32>} : memref<1x2xf32, #tpu.memory_space<vmem>>, vector<1x2xf32>,
    } else {
    }
    return
  }
  func.func @transform_0(%arg0: i32) -> (i32, i32) {
    %c0_i32 = arith.constant 0 : i32
    %c0_i32_0 = arith.constant 0 : i32
    return %arg0, %c0_i32 : i32, i32
  }
  func.func @transform_1(%arg0: i32) -> (i32, i32) {
    %c0_i32 = arith.constant 0 : i32
    %c0_i32_0 = arith.constant 0 : i32
    %c0_i32_1 = arith.constant 0 : i32
    return %c0_i32, %c0_i32_0 : i32, i32
  }
  func.func @transform_2(%arg0: i32) -> (i32, i32) {
    %c0_i32 = arith.constant 0 : i32
    %c0_i32_0 = arith.constant 0 : i32
    %c0_i32_1 = arith.constant 0 : i32
    return %c0_i32, %c0_i32_0 : i32, i32
  }
  func.func @transform_3(%arg0: i32) -> (i32, i32) {
    %c0_i32 = arith.constant 0 : i32
    %c0_i32_0 = arith.constant 0 : i32
    %c0_i32_1 = arith.constant 0 : i32
    return %c0_i32, %c0_i32_0 : i32, i32
  }
  func.func @transform_4(%arg0: i32) -> (i32, i32) {
    %c0_i32 = arith.constant 0 : i32
    %c0_i32_0 = arith.constant 0 : i32
    return %arg0, %c0_i32 : i32, i32
  }
  func.func @transform_5(%arg0: i32) -> (i32, i32) {
    %c0_i32 = arith.constant 0 : i32
    %c0_i32_0 = arith.constant 0 : i32
    return %arg0, %c0_i32 : i32, i32
  }
  func.func @transform_6(%arg0: i32) -> (i32, i32) {
    %c0_i32 = arith.constant 0 : i32
    %c0_i32_0 = arith.constant 0 : i32
    %c0_i32_1 = arith.constant 0 : i32
    return %c0_i32, %c0_i32_0 : i32, i32
  }
}

module attributes {stable_mosaic.version = 14 : i64} {
  func.func @_finish_kernel(%arg0: i32, %arg1: memref<2x128x128xf32, #tpu.memory_space<vmem>>, %arg2: memref<32x128xf32, #tpu.memory_space<vmem>>, %arg3: memref<1x128xf32, #tpu.memory_space<vmem>>, %arg4: memref<1x1xf32, #tpu.memory_space<vmem>>, %arg5: memref<128x128xf32, #tpu.memory_space<vmem>>) attributes {dimension_semantics = [#tpu.dimension_semantics<arbitrary>], iteration_bounds = array<i64: 79>, scalar_prefetch = 0 : i64, scratch_operands = 0 : i64, tpu.core_type = #tpu.core_type<tc>, window_params = [{transform_indices = @transform_0, window_bounds = array<i64: 2, 128, 128>}, {transform_indices = @transform_1, window_bounds = array<i64: 32, 128>}, {pipeline_mode = #tpu.pipeline_mode<synchronous>, transform_indices = @transform_2, window_bounds = array<i64: 1, 128>}, {pipeline_mode = #tpu.pipeline_mode<synchronous>, transform_indices = @transform_3, window_bounds = array<i64: 1, 1>}, {transform_indices = @transform_4, window_bounds = array<i64: 128, 128>}]} {
    %get3A = arith.constant 0 : index
    %get3A_0 = arith.constant 0 : index
    %get3A_1 = arith.constant 0 : index
    %get3A_2 = vector.load %arg1[%get3A, %get3A_0, %get3A_1] : memref<2x128x128xf32, #tpu.memory_space<vmem>>, vector<1x128x128xf32>
    %get3A_3 = vector.shape_cast %get3A_2 : vector<1x128x128xf32> to vector<128x128xf32>
    %get3A_4 = arith.constant 1 : index
    %get3A_5 = arith.constant 0 : index
    %get3A_6 = arith.constant 0 : index
    %get3A_7 = vector.load %arg1[%get3A_4, %get3A_5, %get3A_6] : memref<2x128x128xf32, #tpu.memory_space<vmem>>, vector<1x128x128xf32>
    %get3A_8 = vector.shape_cast %get3A_7 : vector<1x128x128xf32> to vector<128x128xf32>
    %add3A = arith.addf %get3A_3, %get3A_8 : vector<128x128xf32>
    %get3A_9 = arith.constant 0 : index
    %get3A_10 = arith.constant 0 : index
    %get3A_11 = vector.load %arg2[%get3A_9, %get3A_10] : memref<32x128xf32, #tpu.memory_space<vmem>>, vector<32x128xf32>
    %reduce_sum3A = arith.constant dense<0.000000e+00> : vector<128xf32>
    %reduce_sum3A_12 = vector.multi_reduction <add>, %get3A_11, %reduce_sum3A [0] : vector<32x128xf32> to vector<128xf32>
    %broadcast_in_dim3A = vector.shape_cast %reduce_sum3A_12 : vector<128xf32> to vector<128x1xf32>
    %div3A = vector.broadcast %broadcast_in_dim3A : vector<128x1xf32> to vector<128x128xf32>
    %div3A_13 = arith.divf %add3A, %div3A : vector<128x128xf32>
    %get3A_14 = arith.constant 0 : index
    %get3A_15 = arith.constant 0 : index
    %get3A_16 = vector.load %arg3[%get3A_14, %get3A_15] : memref<1x128xf32, #tpu.memory_space<vmem>>, vector<1x128xf32>
    %add3A_17 = vector.broadcast %get3A_16 : vector<1x128xf32> to vector<128x128xf32>
    %add3A_18 = arith.addf %div3A_13, %add3A_17 : vector<128x128xf32>
    %get3A_19 = arith.constant 0 : index
    %get3A_20 = arith.constant 0 : index
    %get3A_21 = vector.load %arg4[%get3A_19, %get3A_20] : memref<1x1xf32, #tpu.memory_space<vmem>>, vector<1x1xf32>
    %get3A_22 = vector.extract %get3A_21[0, 0] : f32 from vector<1x1xf32>
    %ge3A = arith.constant 0.000000e+00 : f32
    %ge3A_23 = vector.broadcast %ge3A : f32 to vector<128x128xf32>
    %ge3A_24 = arith.cmpf oge, %add3A_18, %ge3A_23 : vector<128x128xf32>
    %mul3A = vector.broadcast %get3A_22 : f32 to vector<128x128xf32>
    %mul3A_25 = arith.mulf %mul3A, %add3A_18 : vector<128x128xf32>
    %select_n3A = arith.select %ge3A_24, %add3A_18, %mul3A_25 : vector<128x128xi1>, vector<128x128xf32>
    %swap3A = arith.constant 0 : index
    %swap3A_26 = arith.constant 0 : index
    %swap3A_27 = vector.load %arg5[%swap3A, %swap3A_26] : memref<128x128xf32, #tpu.memory_space<vmem>>, vector<128x128xf32>
    tpu.vector_store %arg5[%swap3A, %swap3A_26], %select_n3A {strides = array<i32>} : memref<128x128xf32, #tpu.memory_space<vmem>>, vector<128x128xf32>,
    return
  }
  func.func @transform_0(%arg0: i32) -> (i32, i32, i32) {
    %c0_i32 = arith.constant 0 : i32
    %c0_i32_0 = arith.constant 0 : i32
    %c0_i32_1 = arith.constant 0 : i32
    return %c0_i32, %arg0, %c0_i32_0 : i32, i32, i32
  }
  func.func @transform_1(%arg0: i32) -> (i32, i32) {
    %c0_i32 = arith.constant 0 : i32
    %c0_i32_0 = arith.constant 0 : i32
    return %c0_i32, %arg0 : i32, i32
  }
  func.func @transform_2(%arg0: i32) -> (i32, i32) {
    %c0_i32 = arith.constant 0 : i32
    %c0_i32_0 = arith.constant 0 : i32
    %c0_i32_1 = arith.constant 0 : i32
    return %c0_i32, %c0_i32_0 : i32, i32
  }
  func.func @transform_3(%arg0: i32) -> (i32, i32) {
    %c0_i32 = arith.constant 0 : i32
    %c0_i32_0 = arith.constant 0 : i32
    %c0_i32_1 = arith.constant 0 : i32
    return %c0_i32, %c0_i32_0 : i32, i32
  }
  func.func @transform_4(%arg0: i32) -> (i32, i32) {
    %c0_i32 = arith.constant 0 : i32
    %c0_i32_0 = arith.constant 0 : i32
    return %arg0, %c0_i32 : i32, i32
  }
}

</mosaic_0001>

<sc_bundles>
// kernel: kernel.6.cloned.1.call-start
scs
__scs_entry_jumppad:
0x0: {  	(pc) =	sbr.rel $0x88, $3  }
0x1: {  	(tag) =	ssettag $0x0;
	lr =	simm.s32 $0x1  }
0x2: {  	[smem:$0x3F98] =	sst lr;
	_ =	strace $0xD0000000  }
0x3: {  	_ = 	snop  }
0x4: {  	_ = 	snop  }
0x5: {  	_ = 	snop  }
0x6: {  	_ = 	snop  }
0x7: {  	_ = 	snop  }
__scs_overlays_trampoline_lowered:
0x8: {  	[smem:$0x3FA7] =	sst s0  }
0x9: {  	[smem:$0x3FA8] =	sst s1  }
0xa: {  	[smem:$0x3FA9] =	sst s2  }
0xb: {  	[smem:$0x3FAA] =	sst s3  }
0xc: {  	[smem:$0x3FAB] =	sst s4  }
0xd: {  	[smem:$0x3FAC] =	sst s5  }
0xe: {  	[smem:$0x3FAD] =	sst s6  }
0xf: {  	[smem:$0x3FAE] =	sst s7  }
0x10: {  	[smem:$0x3FAF] =	sst s8  }
0x11: {  	[smem:$0x3FB0] =	sst s9;
	s0 =	simm.s32 @!p0 $0x0  }
0x12: {  	s1 =	sld [smem:$0x3F96];
	s0 =	simm.s32 @p0 $0x1  }
0x13: {  	[smem:$0x3FB1] =	sst s0;
	s0 =	simm.s32 @!p1 $0x0  }
0x14: {  	s2 =	sld [smem:$0x3F95];
	s0 =	simm.s32 @p1 $0x1  }
0x15: {  	[smem:$0x3FB2] =	sst s0;
	s0 =	simm.s32 @!p2 $0x0  }
0x16: {  	s3 =	sld [smem:$0x3FDB];
	s0 =	simm.s32 @p2 $0x1  }
0x17: {  	s4 =	simm.s32 $0x1BF5;
	[smem:$0x3FB4] =	sst s0  }
0x18: {  	s0 =	sld [smem:$0x3F97];
	_ =	swait.ge [sflag:s4], $0x0  }
0x19: {  	s7 =	sld [smem:$0x3F98]  }
0x1a: {  	s8 =	sadd.s32 $0xFFFFE003, lr  }
0x1b: {  	s9 =	sadd.s32 $0xFFFFFEF7, lr;
	s5 =	simm.s32 $0xFFFFFFFF;
	p2 =	slt.u32 s8, $0xFFFFF086  }
0x1c: {  	p1 =	slt.u32 s9, $0xF7A;
	s5 =	simm.s32 @!p2 $0x0  }
0x1d: {  	s5 =	simm.s32 @p1 $0x1;
	p0 =	seq.s32 s7, s2  }
0x1e: {  	s7 =	smul.u32 @!p0 $0xF7A, s2;
	p2 =	seq.s32 @!p0 s5, $0x0  }
0x1f: {  	s9 =	smul.u32 $0xF7A, s1;
	s8 =	simm.s32 @!p0 $0x1BF5;
	p2 =	por !p2, p0  }
0x20: {  	[sflag:s8] =	ssyncset.s32 @!p0 $0xFFFFF086;
	s6 =	sadd.s32 @!p0 s3, s7;
	s7 =	simm.s32 @!p0 $0x108  }
0x21: {  	s3 =	sadd.s32 s3, s9;
	s6 =	sadd.s32 @!p0 $0x88, s6;
	s7 =	simm.s32 @p2 $0x1082  }
0x22: {  	[simem:s7], [sflag:s8] =	dma.local @!p0 [hbm:s6], $0xF7A  }
0x23: {  	s9 =	sor.u32 $0xD0000000, s2;
	s6 =	simm.s32 $0x108;
	_ =	swait.ge @!p0 [sflag:s8], $0x0  }
0x24: {  	s3 =	sadd.s32 $0x88, s3;
	s6 =	simm.s32 @!p1 $0x1082;
	[sflag:s4] =	ssyncset.s32 $0xFFFFF086  }
0x25: {  	[simem:s6], [sflag:s4] =	dma.local [hbm:s3], $0xF7A  }
0x26: {  	[smem:$0x3F98] =	sst s1;
	(tag) =	ssettag s2;
	_ =	strace s9  }
0x27: {  	s1 =	sld [smem:$0x3FA8]  }
0x28: {  	s2 =	sld [smem:$0x3FA9]  }
0x29: {  	s4 =	sld [smem:$0x3FAB]  }
0x2a: {  	p0 =	seq.s32 s5, $0x0;
	s5 =	sld [smem:$0x3FAC]  }
0x2b: {  	s6 =	sld [smem:$0x3FAD]  }
0x2c: {  	s7 =	sld [smem:$0x3FAE]  }
0x2d: {  	s3 =	simm.s32 $0x108;
	s8 =	sld [smem:$0x3FAF]  }
0x2e: {  	s3 =	simm.s32 @!p0 $0x1082;
	s9 =	sld [smem:$0x3FB0]  }
0x2f: {  	lr =	sadd.s32 s0, s3;
	s0 =	sld [smem:$0x3FA7]  }
0x30: {  	s3 =	sld [smem:$0x3FAA]  }
0x31: {  	[smem:$0x3FB3] =	sst s10  }
0x32: {  	s10 =	sld [smem:$0x3FB1];
	_ =	sdelay $0x3  }
0x33: {  	p0 =	seq.s32 s10, $0x1;
	s10 =	sld [smem:$0x3FB3];
	_ =	sdelay $0x3  }
0x34: {  	[smem:$0x3FB3] =	sst s10  }
0x35: {  	s10 =	sld [smem:$0x3FB2];
	_ =	sdelay $0x3  }
0x36: {  	p1 =	seq.s32 s10, $0x1;
	s10 =	sld [smem:$0x3FB3];
	_ =	sdelay $0x3  }
0x37: {  	[smem:$0x3FB3] =	sst s10  }
0x38: {  	s10 =	sld [smem:$0x3FB4]  }
0x39: {  	_ = 	snop;
	(pc) =	sbr.ind lr, $3  }
0x3a: {  	_ = 	snop  }
0x3b: {  	_ = 	snop  }
0x3c: {  	p2 =	seq.s32 s10, $0x1;
	s10 =	sld [smem:$0x3FB3]  }
0x3d: {  	_ =	shalt  }
0x3e: {  	_ =	shalt  }
0x3f: {  	_ =	shalt  }
0x40: {  	_ =	shalt  }
0x41: {  	_ =	shalt  }
0x42: {  	_ =	shalt  }
0x43: {  	_ =	shalt  }
0x44: {  	_ =	shalt  }
0x45: {  	_ =	shalt  }
0x46: {  	_ =	shalt  }
0x47: {  	_ =	shalt  }
0x48: {  	_ =	shalt  }
0x49: {  	_ =	shalt  }
0x4a: {  	_ =	shalt  }
0x4b: {  	_ =	shalt  }
0x4c: {  	_ =	shalt  }
0x4d: {  	_ =	shalt  }
0x4e: {  	_ =	shalt  }
0x4f: {  	_ =	shalt  }
0x50: {  	_ =	shalt  }
0x51: {  	_ =	shalt  }
0x52: {  	_ =	shalt  }
0x53: {  	_ =	shalt  }
0x54: {  	_ =	shalt  }
0x55: {  	_ =	shalt  }
0x56: {  	_ =	shalt  }
0x57: {  	_ =	shalt  }
0x58: {  	_ =	shalt  }
0x59: {  	_ =	shalt  }
0x5a: {  	_ =	shalt  }
0x5b: {  	_ =	shalt  }
0x5c: {  	_ =	shalt  }
0x5d: {  	_ =	shalt  }
0x5e: {  	_ =	shalt  }
0x5f: {  	_ =	shalt  }
0x60: {  	_ =	shalt  }
0x61: {  	_ =	shalt  }
0x62: {  	_ =	shalt  }
0x63: {  	_ =	shalt  }
0x64: {  	_ =	shalt  }
0x65: {  	_ =	shalt  }
0x66: {  	_ =	shalt  }
0x67: {  	_ =	shalt  }
0x68: {  	_ =	shalt  }
0x69: {  	_ =	shalt  }
0x6a: {  	_ =	shalt  }
0x6b: {  	_ =	shalt  }
0x6c: {  	_ =	shalt  }
0x6d: {  	_ =	shalt  }
0x6e: {  	_ =	shalt  }
0x6f: {  	_ =	shalt  }
0x70: {  	_ =	shalt  }
0x71: {  	_ =	shalt  }
0x72: {  	_ =	shalt  }
0x73: {  	_ =	shalt  }
0x74: {  	_ =	shalt  }
0x75: {  	_ =	shalt  }
0x76: {  	_ =	shalt  }
0x77: {  	_ =	shalt  }
0x78: {  	_ =	shalt  }
0x79: {  	_ =	shalt  }
0x7a: {  	_ =	shalt  }
0x7b: {  	_ =	shalt  }
0x7c: {  	_ =	shalt  }
0x7d: {  	_ =	shalt  }
0x7e: {  	_ =	shalt  }
0x7f: {  	_ =	shalt  }
0x80: {  	_ =	shalt  }
0x81: {  	_ =	shalt  }
0x82: {  	_ =	shalt  }
0x83: {  	_ =	shalt  }
0x84: {  	_ =	shalt  }
0x85: {  	_ =	shalt  }
0x86: {  	_ =	shalt  }
0x87: {  	_ =	shalt  }
.Lfunc_end0:
.L_simem_size_0:
called_computation_lowered:
.L_overlay_start_0:
0x88: {  	s2 =	sld [smem:$0x3FD9]  }
0x89: {  	s3 =	sld [smem:$0x3FFE];
	_ =	sdelay $0x1  }
0x8a: {  	s1 =	srdreg.scid  }
0x8b: {  	s0 =	sand.u32 $0x1, s1  }
0x8c: {  	s16 =	sshll.u32 s0, $0xA;
	s2 =	sadd.s32 s3, s2  }
0x8d: {  	s2 =	sadd.s32 s2, s16  }
0x8e: {  	[smem:$0x3FBF] =	sst s2  }
0x8f: {  	_ = 	snop  }
0x90: {  	(tm) =	ssettm $0x1  }
0x91: {  	s17 =	sld [smem:$0x3FFB];
	_ =	sdelay $0x3  }
0x92: {  	_ =	strace s17  }
0x93: {  	s2 =	sld [smem:$0x3FFC];
	_ =	sdelay $0x3  }
0x94: {  	_ =	strace s2  }
0x95: {  	s2 =	sld [smem:$0x3FFD];
	_ =	sdelay $0x3  }
0x96: {  	_ =	strace s2  }
0x97: {  	_ =	strace $0x8FFFFFFF  }
0x98: {  	s18 =	sld [smem:$0x3FDB];
	_ =	sdelay $0x1  }
0x99: {  	s19 =	simm.s32 $_scs_section_size  }
0x9a: {  	s4 =	simm.s32 $_size__tile_overlayer_lowered;
	s5 =	simm.s32 $_tile_overlayer_lowered  }
0x9b: {  	s22 =	simm.s32 $0x1BFF;
	s21 =	sshll.u32 s5, $0x1;
	s2 =	sadd.s32 s19, s18  }
0x9c: {  	s6 =	simm.s32 $0x0;
	s20 =	sshll.u32 s4, $0x1;
	s4 =	sadd.s32 s21, s2  }
0x9d: {  	[timem:s6], [sflag:s22] =	dma.local [hbm:s4], s20  }
0x9e: {  	_ =	swait.ge [sflag:s22], s20  }
0x9f: {  	s3 =	ssub.s32 $0x0, s20;
	[sflag:s22] =	ssyncset.done $0x0  }
0xa0: {  	[sflag:s22] =	ssyncadd.s32 s3;
	_ =	sdelay $0x1  }
0xa1: {  	s23 =	simm.s32 $0x1B8B  }
0xa2: {  	_ =	swait.ge [sflag:s23], $0x1  }
0xa3: {  	[sflag:s23] =	ssyncset.done $0x0  }
0xa4: {  	s25 =	simm.s32 $0x1B8E;
	s24 =	sld [smem:$0x3FFE];
	[sflag:s23] =	ssyncadd.s32 $0xFFFFFFFF  }
0xa5: {  	s26 =	simm.s32 $execute0_lowered;
	[smem:$0x3FD2] =	sst s25  }
0xa6: {  	s4 =	sshll.u32 s26, $0x1;
	_ =	strace $0x80000046;
	[dreg:$0x1] =	wrdreg $0xFFFFFFFF  }
0xa7: {  	s28 =	simm.s32 $_size_execute0_lowered;
	s2 =	sadd.s32 s2, s4;
	[dreg:$0x0] =	wrdreg $0x0  }
0xa8: {  	s4 =	sshll.u32 s28, $0x1;
	[dreg:$0x2] =	wrdreg s2  }
0xa9: {  	[dreg:$0x3] =	wrdreg s4  }
0xaa: {  	[dreg:$0x4] =	wrdreg $0xC0  }
0xab: {  	_ =	task [dreg:s6], $0x5FFFF  }
0xac: {  	[dreg:$0x1] =	wrdreg $0xFFFFFFFF  }
0xad: {  	[dreg:$0x0] =	wrdreg $0x60  }
0xae: {  	[dreg:$0x2] =	wrdreg s24  }
0xaf: {  	[dreg:$0x3] =	wrdreg $0x9  }
0xb0: {  	_ =	task.clear_ibuf [dreg:s6], $0x4FFFF;
	_ =	strace $0x90000046  }
0xb1: {  	s29 =	simm.s32 $0x9;
	_ =	strace $0x80000048  }
0xb2: {  	_ =	swait.ge [sflag:s29], $0x1  }
0xb3: {  	[sflag:s29] =	ssyncadd.s32 $0xFFFFFFFF  }
0xb4: {  	_ =	strace $0x90000048  }
0xb5: {  	_ =	sfence  }
0xb6: {  	s30 =	sld [smem:$0x0];
	_ =	sdelay $0x2  }
0xb7: {  	s31 =	sshll.u32 s1, $0xD;
	s1 =	sshrl.u32 s1, $0x2  }
0xb8: {  	s3 =	sand.u32 $0x4000, s31;
	s1 =	sadd.s32 s1, s30  }
0xb9: {  	s0 =	sor.u32 s3, s0;
	s1 =	sshll.u32 s1, $0x11  }
0xba: {  	s0 =	sor.u32 s1, s0  }
0xbb: {  	s0 =	sadd.s32 $0x8F2B, s0  }
0xbc: {  	[sflag:s0] =	ssyncadd.remote.s32 $0x1  }
0xbd: {  	_ =	sfence.sel $0xFFFF  }
0xbe: {  	[dreg:$0x0] =	wrdreg $0xFFFFFFFF;
	(pc) =	sbr.abs _section_cstart, $3  }
0xbf: {  	[dreg:$0x1] =	wrdreg $0xFFFFFFFF  }
0xc0: {  	_ =	task.clear_ibuf [dreg:s6], $0x2FFFF;
	_ =	strace $0x9FFFFFFF  }
0xc1: {  	(tm) =	ssettm $0x7FFFFFFF  }
tec
execute0_lowered:
.L_overlay_start_1:
0x0: {  	(tag) =	ssettag $0x1  }
0x1: {  	s0 =	srdreg.scid  }
0x2: {  	s7 =	rddreg [dreg:$0x0];
	s2 =	simm.s32 $0x0;
	s13 =	simm.s32 $0x1  }
0x3: {  	s14 =	simm.s32 $0x2880;
	s15 =	simm.s32 $0x5100;
	s6 =	sand.u32 $0x1, s0  }
0x4: {  	s16 =	simm.s32 $0x7880;
	s0 =	stileid.u32;
	s1 =	sshll.u32 s6, $0x4  }
0x5: {  	s17 =	simm.s32 $0x11880;
	s18 =	simm.s32 $0xA000;
	s1 =	sor.u32 s0, s1  }
0x6: {  	s19 =	simm.s32 $0xC780;
	s20 =	simm.s32 $0x0;
	s3 =	sshrl.u32 s1, $0x3  }
0x7: {  	[smem:$0x7FF] =	sst s2;
	s5 =	sadd.s32 $0x1200, s7;
	s4 =	smul.u32 $0x14400, s3  }
0x8: {  	s30 =	sshll.u32 s0, $0x7;
	s6 =	ssub.s32 $0x2, s6;
	s9 =	smul.u32 $0x28800, s3  }
0x9: {  	s8 =	sand.u32 $0x380, s30;
	s31 =	sshrl.u32 s6, $0x1;
	s11 =	smul.u32 $0x13C00, s3  }
0xa: {  	s1 =	rddreg [dreg:$0x1];
	_ =	strace $0x80000047;
	s3 =	sadd.s32 $0xBA00, s7  }
0xb: {  	s4 =	sor.u32 s8, s4;
	s9 =	sor.u32 s8, s9;
	s8 =	sor.u32 s8, s11  }
0xc: {  	s11 =	ssub.s32 s6, s31;
	s4 =	sshrl.u32 s4, $0x3;
	s9 =	sshrl.u32 s9, $0x3  }
0xd: {  	s8 =	sshrl.u32 s8, $0x3;
	s10 =	sadd.s32 s4, s7;
	s4 =	sadd.s32 $0xC000, s7  }
0xe: {  	s9 =	sadd.s32 s9, s7;
	s12 =	sadd.s32 s8, s7;
	s6 =	sadd.s32 $0xC600, s10  }
0xf: {  	s7 =	sadd.s32 $0x1800, s10;
	s8 =	sadd.s32 $0x16800, s9;
	s9 =	sadd.s32 $0x2AC00, s12  }
0x10: {  	v0 =	vimm.f32 $0.0e+00;
	s10 =	smax.u32 s11, $0x1;
	s11 =	simm.s32 $0x80;
	s12 =	simm.s32 $0x400  }
.LBB2_1:
0x11: {  	[tilespmem:s2], [sflag:$0x1] =	stream.strided.gather [hbm4b:s6+s11], $0x2880, s12, s11, $0x38;
	[tilespmem:$0x11900] =	vst v63  }
0x12: {  	_ =	swait.ge [sflag:s13], $0x2880  }
0x13: {  	[sflag:s13] =	ssyncset.done $0x0  }
0x14: {  	[sflag:s13] =	ssyncadd.s32 $0xFFFFD780  }
0x15: {  	[tilespmem:s14], [sflag:$0x1] =	stream.strided.gather [hbm4b:s7+s11], $0x2880, s12, s11, $0x38;
	[tilespmem:$0x11900] =	vst v63  }
0x16: {  	_ =	swait.ge [sflag:s13], $0x2880  }
0x17: {  	[sflag:s13] =	ssyncset.done $0x0  }
0x18: {  	[sflag:s13] =	ssyncadd.s32 $0xFFFFD780  }
0x19: {  	[tilespmem:s15], [sflag:$0x1] =	stream.linear.gather [hbm4b:s3+s2], $0x2780, $0x38;
	[tilespmem:$0x11900] =	vst v63  }
0x1a: {  	_ =	swait.ge [sflag:s13], $0x2780  }
0x1b: {  	[sflag:s13] =	ssyncset.done $0x0  }
0x1c: {  	[sflag:s13] =	ssyncadd.s32 $0xFFFFD880  }
0x1d: {  	[tilespmem:s16], [sflag:$0x1] =	stream.linear.gather [hbm4b:s4+s2], $0x2780, $0x38;
	[tilespmem:$0x11900] =	vst v63  }
0x1e: {  	_ =	swait.ge [sflag:s13], $0x2780  }
0x1f: {  	[sflag:s13] =	ssyncset.done $0x0  }
0x20: {  	[sflag:s13] =	ssyncadd.s32 $0xFFFFD880  }
0x21: {  	[tilespmem:s17], [sflag:$0x1] =	stream.linear.gather [hbm4b:s5+s2], $0x80, $0x38;
	[tilespmem:$0x11900] =	vst v63  }
0x22: {  	_ =	swait.ge [sflag:s13], $0x80  }
0x23: {  	[sflag:s13] =	ssyncset.done $0x0  }
0x24: {  	[sflag:s13] =	ssyncadd.s32 $0xFFFFFF80  }
0x25: {  	s21 =	simm.s32 $0x0;
	v1 =	vld [tilespmem:$0x11880]  }
.LBB2_2:
0x26: {  	p0 =	sne.s32 s21, $0x9DC0  }
.Ltmp0:
0x27: {  	_ = 	snop;
	(pc) =	sbr.rel @p0 .LBB2_2-.Ltmp0, $3  }
0x28: {  	_ =	sdelay $0x1  }
0x29: {  	s22 =	sshra.s32 s21, $0x2  }
0x2a: {  	s21 =	sadd.s32 $0x40, s21;
	[tilespmem:s22+$0xA000] =	vst v0  }
0x2b: {  	s21 =	simm.s32 $0x0  }
0x2c: {  	s22 =	simm.s32 $0x28A0;
	s23 =	simm.s32 $0x20;
	s24 =	simm.s32 $0xC7D0  }
.LBB2_4:
0x2d: {  	v2 =	vld [tilespmem:s23+$0xFFFFFFE0]  }
0x2e: {  	v3 =	vld [tilespmem:s22+$0xFFFFFFE0];
	_ =	sdelay $0x6  }
0x2f: {  	v4 =	vld.idx.msk [tilespmem:v2+s15+$0x0], $0xffff  }
0x30: {  	v5 =	vld.idx.msk [tilespmem:v3+s16+$0x0], $0xffff;
	_ =	sdelay $0x4  }
0x31: {  	v4 =	vadd.f32 v5, v4;
	_ =	sdelay $0x1  }
0x32: {  	v5 =	vmul.f32 $2.000000030e-01, v4  }
0x33: {  	vm0 =	vgt.f32 v4, $0.0e+00  }
0x34: {  	v4 =	vsel vm0, v4, v5  }
0x35: {  	v4 =	vsub.f32 v4, v1;
	_ =	sdelay $0x1  }
0x36: {  	v4 =	vmul.f32 $1.442695020e+00, v4;
	_ =	sdelay $0x1  }
0x37: {  	(erf) = vpow2.f32 v4;
	_ =	sdelay $0x8  }
0x38: {  	v4 =	vpop (erf)  }
0x39: {  	[tilespmem:v3+s18+$0x0] =	vst.idx.add.f32.msk $0xffff, v4  }
0x3a: {  	[tilespmem:s24+$0xFFFFFFB0] =	vst v2  }
0x3b: {  	[tilespmem:s24+$0x0] =	vst v4  }
0x3c: {  	v2 =	vld [tilespmem:s23+$0xFFFFFFF0]  }
0x3d: {  	v3 =	vld [tilespmem:s22+$0xFFFFFFF0];
	_ =	sdelay $0x6  }
0x3e: {  	v4 =	vld.idx.msk [tilespmem:v2+s15+$0x0], $0xffff  }
0x3f: {  	v60 =	vld.idx.msk [tilespmem:v3+s16+$0x0], $0xffff;
	_ =	sdelay $0x4  }
0x40: {  	v4 =	vadd.f32 v60, v4;
	_ =	sdelay $0x1  }
0x41: {  	v5 =	vmul.f32 $2.000000030e-01, v4  }
0x42: {  	vm12 =	vgt.f32 v4, $0.0e+00  }
0x43: {  	v4 =	vsel vm12, v4, v5  }
0x44: {  	v4 =	vsub.f32 v4, v1;
	_ =	sdelay $0x1  }
0x45: {  	v4 =	vmul.f32 $1.442695020e+00, v4;
	_ =	sdelay $0x1  }
0x46: {  	(erf) = vpow2.f32 v4;
	_ =	sdelay $0x8  }
0x47: {  	v4 =	vpop (erf)  }
0x48: {  	[tilespmem:v3+s18+$0x0] =	vst.idx.add.f32.msk $0xffff, v4  }
0x49: {  	[tilespmem:s24+$0xFFFFFFC0] =	vst v2  }
0x4a: {  	[tilespmem:s24+$0x10] =	vst v4  }
0x4b: {  	v2 =	vld [tilespmem:s23+$0x0]  }
0x4c: {  	v3 =	vld [tilespmem:s22+$0x0];
	_ =	sdelay $0x6  }
0x4d: {  	v4 =	vld.idx.msk [tilespmem:v2+s15+$0x0], $0xffff  }
0x4e: {  	v61 =	vld.idx.msk [tilespmem:v3+s16+$0x0], $0xffff;
	_ =	sdelay $0x4  }
0x4f: {  	v4 =	vadd.f32 v61, v4;
	_ =	sdelay $0x1  }
0x50: {  	v5 =	vmul.f32 $2.000000030e-01, v4  }
0x51: {  	vm13 =	vgt.f32 v4, $0.0e+00  }
0x52: {  	v4 =	vsel vm13, v4, v5  }
0x53: {  	v4 =	vsub.f32 v4, v1;
	_ =	sdelay $0x1  }
0x54: {  	v4 =	vmul.f32 $1.442695020e+00, v4;
	_ =	sdelay $0x1  }
0x55: {  	(erf) = vpow2.f32 v4;
	_ =	sdelay $0x8  }
0x56: {  	v4 =	vpop (erf)  }
0x57: {  	[tilespmem:v3+s18+$0x0] =	vst.idx.add.f32.msk $0xffff, v4  }
0x58: {  	[tilespmem:s24+$0xFFFFFFD0] =	vst v2  }
0x59: {  	[tilespmem:s24+$0x20] =	vst v4  }
0x5a: {  	v2 =	vld [tilespmem:s23+$0x10]  }
0x5b: {  	v3 =	vld [tilespmem:s22+$0x10];
	_ =	sdelay $0x6  }
0x5c: {  	v4 =	vld.idx.msk [tilespmem:v2+s15+$0x0], $0xffff  }
0x5d: {  	v62 =	vld.idx.msk [tilespmem:v3+s16+$0x0], $0xffff;
	_ =	sdelay $0x4  }
0x5e: {  	v4 =	vadd.f32 v62, v4;
	_ =	sdelay $0x1  }
0x5f: {  	v5 =	vmul.f32 $2.000000030e-01, v4  }
0x60: {  	vm14 =	vgt.f32 v4, $0.0e+00  }
0x61: {  	v4 =	vsel vm14, v4, v5  }
0x62: {  	v4 =	vsub.f32 v4, v1;
	_ =	sdelay $0x1  }
0x63: {  	v4 =	vmul.f32 $1.442695020e+00, v4;
	_ =	sdelay $0x1  }
0x64: {  	(erf) = vpow2.f32 v4;
	_ =	sdelay $0x8  }
0x65: {  	v4 =	vpop (erf)  }
0x66: {  	[tilespmem:v3+s18+$0x0] =	vst.idx.add.f32.msk $0xffff, v4  }
0x67: {  	s25 =	sand.u32 $0xFFE0, s21;
	[tilespmem:s24+$0xFFFFFFE0] =	vst v2  }
0x68: {  	[tilespmem:s25+$0xC800] =	vst v4  }
0x69: {  	v2 =	vld [tilespmem:s23+$0x20]  }
0x6a: {  	v3 =	vld [tilespmem:s22+$0x20];
	_ =	sdelay $0x6  }
0x6b: {  	v4 =	vld.idx.msk [tilespmem:v2+s15+$0x0], $0xffff  }
0x6c: {  	v63 =	vld.idx.msk [tilespmem:v3+s16+$0x0], $0xffff;
	_ =	sdelay $0x4  }
0x6d: {  	v4 =	vadd.f32 v63, v4;
	_ =	sdelay $0x1  }
0x6e: {  	v5 =	vmul.f32 $2.000000030e-01, v4  }
0x6f: {  	vm15 =	vgt.f32 v4, $0.0e+00  }
0x70: {  	v4 =	vsel vm15, v4, v5  }
0x71: {  	v4 =	vsub.f32 v4, v1;
	_ =	sdelay $0x1  }
0x72: {  	v4 =	vmul.f32 $1.442695020e+00, v4;
	_ =	sdelay $0x1  }
0x73: {  	(erf) = vpow2.f32 v4;
	_ =	sdelay $0x6  }
0x74: {  	p0 =	sne.s32 s21, $0x5000  }
.Ltmp1:
0x75: {  	_ = 	snop;
	(pc) =	sbr.rel @p0 .LBB2_4-.Ltmp1, $4  }
0x76: {  	v4 =	vpop (erf)  }
0x77: {  	[tilespmem:v3+s18+$0x0] =	vst.idx.add.f32.msk $0xffff, v4  }
0x78: {  	s21 =	sadd.s32 $0xA0, s21;
	[tilespmem:s24+$0xFFFFFFF0] =	vst v2  }
0x79: {  	s22 =	sadd.s32 $0x50, s22;
	s23 =	sadd.s32 $0x50, s23;
	[tilespmem:s24+$0x40] =	vst v4;
	s24 =	sadd.s32 $0xA0, s24  }
0x7a: {  	[hbm4b:s8+s11] =	stream.strided.scatter [tilespmem:s19], [sflag:$0x1], $0x5100, s12, s11, $0x38;
	[tilespmem:$0x11900] =	vst v63  }
0x7b: {  	s20 =	sadd.s32 $0x1, s20;
	_ =	swait.ge [sflag:s13], $0x5100  }
0x7c: {  	p0 =	sne.s32 s20, s10;
	[sflag:s13] =	ssyncset.done $0x0  }
.Ltmp2:
0x7d: {  	[sflag:s13] =	ssyncadd.s32 $0xFFFFAF00;
	(pc) =	sbr.rel @p0 .LBB2_1-.Ltmp2, $4  }
0x7e: {  	[hbm4b:s9+s11] =	stream.strided.scatter [tilespmem:s18], [sflag:$0x1], $0x2780, s12, s11, $0x38;
	[tilespmem:$0x11900] =	vst v63  }
0x7f: {  	_ =	swait.ge [sflag:s13], $0x2780  }
0x80: {  	[sflag:s13] =	ssyncset.done $0x0  }
0x81: {  	[sflag:s13] =	ssyncadd.s32 $0xFFFFD880  }
0x82: {  	_ =	sfence.sel $0x180000  }
0x83: {  	[bflag:$0x0] =	sbarrier.arrive $0xFFFF  }
0x84: {  	p0 =	sne.s32 s0, $0x0;
	_ =	strace $0x90000047  }
0x85: {  	s0 =	sadd.s32 @!p0 $0x100000, s1;
	[bflag:$0x2] =	sbarrier.arrive $0xFFFF  }
0x86: {  	[sflag:s0] =	ssyncadd.tile.s32 @!p0 $0x1;
	_ =	shalt  }
.Lfunc_end2:
_tile_overlayer_lowered:
.L_overlay_start_2:
0x87: {  	(tag) =	ssettag $0x2  }
0x88: {  	s0 =	rddreg [dreg:$0x0];
	s2 =	stileid.u32  }
0x89: {  	s1 =	rddreg [dreg:$0x1];
	p0 =	sne.s32 s2, $0x0  }
0x8a: {  	s3 =	rddreg [dreg:$0x2];
	[bflag:$0x3] =	sbarrier.arrive $0xFFFF;
	s2 =	simm.s32 @!p0 $0x1C01  }
0x8b: {  	[timem:s3], [sflag:s2] =	dma.local @!p0 [hbm:s0], s1  }
0x8c: {  	s0 =	simm.s32 @!p0 $0x1  }
0x8d: {  	_ =	swait.ge @!p0 [sflag:s0], s1  }
0x8e: {  	s1 =	ssub.s32 @!p0 $0x0, s1;
	[sflag:s0] =	ssyncset.done @!p0 $0x0  }
0x8f: {  	[sflag:s0] =	ssyncadd.s32 @!p0 s1  }
0x90: {  	[bflag:$0x3] =	sbarrier.arrive $0xFFFF  }
0x91: {  	_ =	shalt  }

// kernel: kernel.9.cloned.1.call-start
scs
__scs_entry_jumppad:
0x0: {  	(pc) =	sbr.rel $0x88, $3  }
0x1: {  	(tag) =	ssettag $0x0;
	lr =	simm.s32 $0x1  }
0x2: {  	[smem:$0x3F98] =	sst lr;
	_ =	strace $0xD0000000  }
0x3: {  	_ = 	snop  }
0x4: {  	_ = 	snop  }
0x5: {  	_ = 	snop  }
0x6: {  	_ = 	snop  }
0x7: {  	_ = 	snop  }
__scs_overlays_trampoline_lowered:
0x8: {  	[smem:$0x3FA7] =	sst s0  }
0x9: {  	[smem:$0x3FA8] =	sst s1  }
0xa: {  	[smem:$0x3FA9] =	sst s2  }
0xb: {  	[smem:$0x3FAA] =	sst s3  }
0xc: {  	[smem:$0x3FAB] =	sst s4  }
0xd: {  	[smem:$0x3FAC] =	sst s5  }
0xe: {  	[smem:$0x3FAD] =	sst s6  }
0xf: {  	[smem:$0x3FAE] =	sst s7  }
0x10: {  	[smem:$0x3FAF] =	sst s8  }
0x11: {  	[smem:$0x3FB0] =	sst s9;
	s0 =	simm.s32 @!p0 $0x0  }
0x12: {  	s1 =	sld [smem:$0x3F96];
	s0 =	simm.s32 @p0 $0x1  }
0x13: {  	[smem:$0x3FB1] =	sst s0;
	s0 =	simm.s32 @!p1 $0x0  }
0x14: {  	s2 =	sld [smem:$0x3F95];
	s0 =	simm.s32 @p1 $0x1  }
0x15: {  	[smem:$0x3FB2] =	sst s0;
	s0 =	simm.s32 @!p2 $0x0  }
0x16: {  	s3 =	sld [smem:$0x3FDB];
	s0 =	simm.s32 @p2 $0x1  }
0x17: {  	s4 =	simm.s32 $0x1BF5;
	[smem:$0x3FB4] =	sst s0  }
0x18: {  	s0 =	sld [smem:$0x3F97];
	_ =	swait.ge [sflag:s4], $0x0  }
0x19: {  	s7 =	sld [smem:$0x3F98]  }
0x1a: {  	s8 =	sadd.s32 $0xFFFFE003, lr  }
0x1b: {  	s9 =	sadd.s32 $0xFFFFFEF7, lr;
	s5 =	simm.s32 $0xFFFFFFFF;
	p2 =	slt.u32 s8, $0xFFFFF086  }
0x1c: {  	p1 =	slt.u32 s9, $0xF7A;
	s5 =	simm.s32 @!p2 $0x0  }
0x1d: {  	s5 =	simm.s32 @p1 $0x1;
	p0 =	seq.s32 s7, s2  }
0x1e: {  	s7 =	smul.u32 @!p0 $0xF7A, s2;
	p2 =	seq.s32 @!p0 s5, $0x0  }
0x1f: {  	s9 =	smul.u32 $0xF7A, s1;
	s8 =	simm.s32 @!p0 $0x1BF5;
	p2 =	por !p2, p0  }
0x20: {  	[sflag:s8] =	ssyncset.s32 @!p0 $0xFFFFF086;
	s6 =	sadd.s32 @!p0 s3, s7;
	s7 =	simm.s32 @!p0 $0x108  }
0x21: {  	s3 =	sadd.s32 s3, s9;
	s6 =	sadd.s32 @!p0 $0x88, s6;
	s7 =	simm.s32 @p2 $0x1082  }
0x22: {  	[simem:s7], [sflag:s8] =	dma.local @!p0 [hbm:s6], $0xF7A  }
0x23: {  	s9 =	sor.u32 $0xD0000000, s2;
	s6 =	simm.s32 $0x108;
	_ =	swait.ge @!p0 [sflag:s8], $0x0  }
0x24: {  	s3 =	sadd.s32 $0x88, s3;
	s6 =	simm.s32 @!p1 $0x1082;
	[sflag:s4] =	ssyncset.s32 $0xFFFFF086  }
0x25: {  	[simem:s6], [sflag:s4] =	dma.local [hbm:s3], $0xF7A  }
0x26: {  	[smem:$0x3F98] =	sst s1;
	(tag) =	ssettag s2;
	_ =	strace s9  }
0x27: {  	s1 =	sld [smem:$0x3FA8]  }
0x28: {  	s2 =	sld [smem:$0x3FA9]  }
0x29: {  	s4 =	sld [smem:$0x3FAB]  }
0x2a: {  	p0 =	seq.s32 s5, $0x0;
	s5 =	sld [smem:$0x3FAC]  }
0x2b: {  	s6 =	sld [smem:$0x3FAD]  }
0x2c: {  	s7 =	sld [smem:$0x3FAE]  }
0x2d: {  	s3 =	simm.s32 $0x108;
	s8 =	sld [smem:$0x3FAF]  }
0x2e: {  	s3 =	simm.s32 @!p0 $0x1082;
	s9 =	sld [smem:$0x3FB0]  }
0x2f: {  	lr =	sadd.s32 s0, s3;
	s0 =	sld [smem:$0x3FA7]  }
0x30: {  	s3 =	sld [smem:$0x3FAA]  }
0x31: {  	[smem:$0x3FB3] =	sst s10  }
0x32: {  	s10 =	sld [smem:$0x3FB1];
	_ =	sdelay $0x3  }
0x33: {  	p0 =	seq.s32 s10, $0x1;
	s10 =	sld [smem:$0x3FB3];
	_ =	sdelay $0x3  }
0x34: {  	[smem:$0x3FB3] =	sst s10  }
0x35: {  	s10 =	sld [smem:$0x3FB2];
	_ =	sdelay $0x3  }
0x36: {  	p1 =	seq.s32 s10, $0x1;
	s10 =	sld [smem:$0x3FB3];
	_ =	sdelay $0x3  }
0x37: {  	[smem:$0x3FB3] =	sst s10  }
0x38: {  	s10 =	sld [smem:$0x3FB4]  }
0x39: {  	_ = 	snop;
	(pc) =	sbr.ind lr, $3  }
0x3a: {  	_ = 	snop  }
0x3b: {  	_ = 	snop  }
0x3c: {  	p2 =	seq.s32 s10, $0x1;
	s10 =	sld [smem:$0x3FB3]  }
0x3d: {  	_ =	shalt  }
0x3e: {  	_ =	shalt  }
0x3f: {  	_ =	shalt  }
0x40: {  	_ =	shalt  }
0x41: {  	_ =	shalt  }
0x42: {  	_ =	shalt  }
0x43: {  	_ =	shalt  }
0x44: {  	_ =	shalt  }
0x45: {  	_ =	shalt  }
0x46: {  	_ =	shalt  }
0x47: {  	_ =	shalt  }
0x48: {  	_ =	shalt  }
0x49: {  	_ =	shalt  }
0x4a: {  	_ =	shalt  }
0x4b: {  	_ =	shalt  }
0x4c: {  	_ =	shalt  }
0x4d: {  	_ =	shalt  }
0x4e: {  	_ =	shalt  }
0x4f: {  	_ =	shalt  }
0x50: {  	_ =	shalt  }
0x51: {  	_ =	shalt  }
0x52: {  	_ =	shalt  }
0x53: {  	_ =	shalt  }
0x54: {  	_ =	shalt  }
0x55: {  	_ =	shalt  }
0x56: {  	_ =	shalt  }
0x57: {  	_ =	shalt  }
0x58: {  	_ =	shalt  }
0x59: {  	_ =	shalt  }
0x5a: {  	_ =	shalt  }
0x5b: {  	_ =	shalt  }
0x5c: {  	_ =	shalt  }
0x5d: {  	_ =	shalt  }
0x5e: {  	_ =	shalt  }
0x5f: {  	_ =	shalt  }
0x60: {  	_ =	shalt  }
0x61: {  	_ =	shalt  }
0x62: {  	_ =	shalt  }
0x63: {  	_ =	shalt  }
0x64: {  	_ =	shalt  }
0x65: {  	_ =	shalt  }
0x66: {  	_ =	shalt  }
0x67: {  	_ =	shalt  }
0x68: {  	_ =	shalt  }
0x69: {  	_ =	shalt  }
0x6a: {  	_ =	shalt  }
0x6b: {  	_ =	shalt  }
0x6c: {  	_ =	shalt  }
0x6d: {  	_ =	shalt  }
0x6e: {  	_ =	shalt  }
0x6f: {  	_ =	shalt  }
0x70: {  	_ =	shalt  }
0x71: {  	_ =	shalt  }
0x72: {  	_ =	shalt  }
0x73: {  	_ =	shalt  }
0x74: {  	_ =	shalt  }
0x75: {  	_ =	shalt  }
0x76: {  	_ =	shalt  }
0x77: {  	_ =	shalt  }
0x78: {  	_ =	shalt  }
0x79: {  	_ =	shalt  }
0x7a: {  	_ =	shalt  }
0x7b: {  	_ =	shalt  }
0x7c: {  	_ =	shalt  }
0x7d: {  	_ =	shalt  }
0x7e: {  	_ =	shalt  }
0x7f: {  	_ =	shalt  }
0x80: {  	_ =	shalt  }
0x81: {  	_ =	shalt  }
0x82: {  	_ =	shalt  }
0x83: {  	_ =	shalt  }
0x84: {  	_ =	shalt  }
0x85: {  	_ =	shalt  }
0x86: {  	_ =	shalt  }
0x87: {  	_ =	shalt  }
.Lfunc_end0:
.L_simem_size_0:
called_computation.1_lowered:
.L_overlay_start_0:
0x88: {  	s2 =	sld [smem:$0x3FD9]  }
0x89: {  	s3 =	sld [smem:$0x3FFE];
	_ =	sdelay $0x1  }
0x8a: {  	s1 =	srdreg.scid  }
0x8b: {  	s0 =	sand.u32 $0x1, s1  }
0x8c: {  	s17 =	sshll.u32 s0, $0xA;
	s2 =	sadd.s32 s3, s2  }
0x8d: {  	s2 =	sadd.s32 s2, s17  }
0x8e: {  	[smem:$0x3FBF] =	sst s2  }
0x8f: {  	_ = 	snop  }
0x90: {  	s2 =	sld [smem:$0x3FD0];
	(tm) =	ssettm $0x1  }
0x91: {  	s18 =	sld [smem:$0x3FFB];
	_ =	sdelay $0x3  }
0x92: {  	_ =	strace s18  }
0x93: {  	s3 =	sld [smem:$0x3FFC];
	_ =	sdelay $0x3  }
0x94: {  	_ =	strace s3  }
0x95: {  	s3 =	sld [smem:$0x3FFD];
	_ =	sdelay $0x3  }
0x96: {  	_ =	strace s3  }
0x97: {  	_ =	strace $0x8FFFFFFF  }
0x98: {  	s19 =	sld [smem:$0x3FDB];
	_ =	sdelay $0x1  }
0x99: {  	s4 =	simm.s32 $_scs_section_size  }
0x9a: {  	s5 =	simm.s32 $_size__tile_overlayer_lowered;
	s6 =	simm.s32 $_tile_overlayer_lowered  }
0x9b: {  	s22 =	simm.s32 $0x1BFF;
	s21 =	sshll.u32 s6, $0x1;
	s3 =	sadd.s32 s4, s19  }
0x9c: {  	s7 =	simm.s32 $0x0;
	s20 =	sshll.u32 s5, $0x1;
	s5 =	sadd.s32 s21, s3  }
0x9d: {  	[timem:s7], [sflag:s22] =	dma.local [hbm:s5], s20  }
0x9e: {  	_ =	swait.ge [sflag:s22], s20  }
0x9f: {  	s4 =	ssub.s32 $0x0, s20;
	[sflag:s22] =	ssyncset.done $0x0  }
0xa0: {  	[sflag:s22] =	ssyncadd.s32 s4;
	_ =	sdelay $0x1  }
0xa1: {  	s23 =	simm.s32 $0x1B8B  }
0xa2: {  	_ =	swait.ge [sflag:s23], $0x1  }
0xa3: {  	[sflag:s23] =	ssyncset.done $0x0  }
0xa4: {  	s25 =	simm.s32 $0x1B8E;
	s24 =	sld [smem:$0x3FFE];
	[sflag:s23] =	ssyncadd.s32 $0xFFFFFFFF  }
0xa5: {  	s26 =	simm.s32 $execute0_lowered;
	[smem:$0x3FD2] =	sst s25  }
0xa6: {  	s5 =	sshll.u32 s26, $0x1;
	_ =	strace $0x80000049;
	[dreg:$0x1] =	wrdreg $0xFFFFFFFF  }
0xa7: {  	s28 =	simm.s32 $_size_execute0_lowered;
	s3 =	sadd.s32 s3, s5;
	[dreg:$0x0] =	wrdreg $0x0  }
0xa8: {  	s5 =	sshll.u32 s28, $0x1;
	[dreg:$0x2] =	wrdreg s3  }
0xa9: {  	[dreg:$0x3] =	wrdreg s5  }
0xaa: {  	[dreg:$0x4] =	wrdreg $0xC0  }
0xab: {  	_ =	task [dreg:s7], $0x5FFFF  }
0xac: {  	[dreg:$0x1] =	wrdreg $0xFFFFFFFF  }
0xad: {  	[dreg:$0x0] =	wrdreg $0x60  }
0xae: {  	[dreg:$0x2] =	wrdreg s24  }
0xaf: {  	[dreg:$0x3] =	wrdreg s2  }
0xb0: {  	[dreg:$0x4] =	wrdreg $0xBF000  }
0xb1: {  	[dreg:$0x5] =	wrdreg $0x9  }
0xb2: {  	_ =	task.clear_ibuf [dreg:s7], $0x6FFFF;
	_ =	strace $0x90000049  }
0xb3: {  	s29 =	simm.s32 $0x9;
	_ =	strace $0x8000004B  }
0xb4: {  	_ =	swait.ge [sflag:s29], $0x1  }
0xb5: {  	[sflag:s29] =	ssyncadd.s32 $0xFFFFFFFF  }
0xb6: {  	_ =	strace $0x9000004B  }
0xb7: {  	_ =	sfence  }
0xb8: {  	s30 =	sld [smem:$0x0];
	_ =	sdelay $0x2  }
0xb9: {  	s31 =	sshll.u32 s1, $0xD;
	s1 =	sshrl.u32 s1, $0x2  }
0xba: {  	s3 =	sand.u32 $0x4000, s31;
	s1 =	sadd.s32 s1, s30  }
0xbb: {  	s0 =	sor.u32 s3, s0;
	s1 =	sshll.u32 s1, $0x11  }
0xbc: {  	s0 =	sor.u32 s1, s0  }
0xbd: {  	s0 =	sadd.s32 $0x8F2B, s0  }
0xbe: {  	[sflag:s0] =	ssyncadd.remote.s32 $0x1  }
0xbf: {  	_ =	sfence.sel $0xFFFF  }
0xc0: {  	[dreg:$0x0] =	wrdreg $0xFFFFFFFF;
	(pc) =	sbr.abs _section_cstart, $3  }
0xc1: {  	[dreg:$0x1] =	wrdreg $0xFFFFFFFF  }
0xc2: {  	_ =	task.clear_ibuf [dreg:s7], $0x2FFFF;
	_ =	strace $0x9FFFFFFF  }
0xc3: {  	(tm) =	ssettm $0x7FFFFFFF  }
tec
execute0_lowered:
.L_overlay_start_1:
0x0: {  	(tag) =	ssettag $0x1  }
0x1: {  	s0 =	rddreg [dreg:$0x0]  }
0x2: {  	s1 =	rddreg [dreg:$0x1]  }
0x3: {  	s3 =	rddreg [dreg:$0x2]  }
0x4: {  	s2 =	srdreg.scid;
	s9 =	stileid.u32  }
0x5: {  	s4 =	simm.s32 $0x0;
	s28 =	simm.s32 $0x4500;
	s29 =	simm.s32 $0x4600  }
0x6: {  	s31 =	simm.s32 $0x50;
	s10 =	simm.s32 $0x5;
	s11 =	simm.s32 $0x6  }
0x7: {  	s12 =	simm.s32 $0x8;
	s14 =	simm.s32 $0x9;
	s2 =	sand.u32 $0x1, s2  }
0x8: {  	s15 =	smul.u32 $0x13C00, s9;
	[smem:$0x7FF] =	sst s4;
	s5 =	sshll.u32 s2, $0x4  }
0x9: {  	s6 =	smul.u32 $0x13C000, s2;
	_ =	strace $0x8000004A;
	s2 =	ssub.s32 $0x2, s2  }
0xa: {  	s7 =	sor.u32 s9, s5;
	s9 =	smul.u32 $0x4F000, s9;
	s5 =	sadd.s32 $0x45A00, s0  }
0xb: {  	s17 =	sshrl.u32 s2, $0x1;
	s8 =	smul.u32 $0x880, s7;
	s6 =	sadd.s32 s15, s6  }
0xc: {  	s2 =	ssub.s32 s2, s17;
	s6 =	sshrl.u32 s6, $0x3;
	s16 =	sshrl.u32 s9, $0x2  }
0xd: {  	s30 =	smax.u32 s2, $0x1;
	s8 =	sadd.s32 s8, s0;
	s0 =	sadd.s32 s6, s0  }
0xe: {  	s6 =	sadd.s32 s16, s3;
	[dreg:$0x10] =	wrdreg s30;
	s8 =	sadd.s32 $0x34A00, s8  }
0xf: {  	s7 =	smul.u32 $0x8100, s7;
	s18 =	sadd.s32 $0x2800, s6;
	[dreg:$0x4] =	wrdreg s8  }
0x10: {  	s15 =	simm.s32 $0x0;
	s19 =	sadd.s32 $0x5000, s6;
	[dreg:$0x5] =	wrdreg s18  }
0x11: {  	s2 =	simm.s32 $0x6F00;
	s20 =	sadd.s32 $0x7800, s6;
	[dreg:$0x6] =	wrdreg s19  }
0x12: {  	s9 =	simm.s32 $0x9700;
	s22 =	sadd.s32 $0xA000, s6;
	[dreg:$0x7] =	wrdreg s20  }
0x13: {  	s21 =	sshrl.u32 s7, $0x3;
	s23 =	sadd.s32 $0xC800, s6;
	[dreg:$0x8] =	wrdreg s22  }
0x14: {  	s24 =	sadd.s32 $0xF000, s6;
	s25 =	sadd.s32 $0x11800, s6;
	[dreg:$0x9] =	wrdreg s23  }
0x15: {  	s0 =	sadd.s32 $0x65E00, s0;
	s8 =	sadd.s32 s5, s21;
	[dreg:$0xb] =	wrdreg s24  }
0x16: {  	[dreg:$0xc] =	wrdreg s25;
	s18 =	sadd.s32 $0x300, s7;
	s19 =	sadd.s32 $0x400, s7  }
.Ltmp0:
0x17: {  	s20 =	sadd.s32 $0x500, s7;
	[dreg:$0xf] =	wrdreg s0;
	(pc) =	sbr.rel .LBB2_1-.Ltmp0, $4  }
0x18: {  	s23 =	simm.s32 $0xA;
	s24 =	simm.s32 $0x4700;
	s25 =	simm.s32 $0x7  }
0x19: {  	s0 =	simm.s32 $0x2;
	s26 =	sadd.s32 $0x20, s8;
	[dreg:$0xa] =	wrdreg s8  }
0x1a: {  	s7 =	simm.s32 $0x4;
	s8 =	sadd.s32 $0x40, s8;
	[dreg:$0xd] =	wrdreg s26  }
0x1b: {  	v0 =	vimm.f32 $0.0e+00;
	[dreg:$0xe] =	wrdreg s8;
	s26 =	simm.s32 $0x4400;
	s8 =	simm.s32 $0x3  }
.LBB2_12:
0x1c: {  	_ =	swait.ge [sflag:s12], $0x2800  }
0x1d: {  	[sflag:s12] =	ssyncset.done $0x0  }
0x1e: {  	[sflag:s12] =	ssyncadd.s32 $0xFFFFD800  }
0x1f: {  	_ =	swait.ge [sflag:s14], $0x2800  }
0x20: {  	[sflag:s14] =	ssyncset.done $0x0  }
0x21: {  	s13 =	stileid.u32;
	[sflag:s14] =	ssyncadd.s32 $0xFFFFD800  }
0x22: {  	s13 =	sshll.u32 s13, $0x6;
	[bflag:$0x0] =	sbarrier.arrive $0xFFFF  }
0x23: {  	s16 =	sshrl.u32 s6, $0x3;
	s13 =	sor.u32 $0x1C0A, s13;
	s17 =	rddreg [dreg:$0xf]  }
0x24: {  	[hbm:s17], [sflag:s13] =	dma.local [spmem:s16], $0x2780  }
0x25: {  	_ =	swait.ge [sflag:s23], $0x2780  }
0x26: {  	s15 =	sadd.s32 $0x1, s15;
	s30 =	rddreg [dreg:$0x10]  }
0x27: {  	p0 =	sne.s32 s15, s30  }
.Ltmp1:
0x28: {  	_ = 	snop;
	(pc) =	sbr.rel @!p0 .LBB2_13-.Ltmp1, $3  }
0x29: {  	_ =	sdelay $0x1  }
0x2a: {  	[sflag:s23] =	ssyncset.done $0x0  }
0x2b: {  	[sflag:s23] =	ssyncadd.s32 $0xFFFFD880  }
.LBB2_1:
0x2c: {  	s13 =	rddreg [dreg:$0x4]  }
0x2d: {  	[tilespmem:s4], [sflag:$0xA] =	stream.linear.gather [hbm4b:s13+s4], $0x4080, $0x38;
	[tilespmem:$0x1FB00] =	vst v63  }
0x2e: {  	_ =	swait.ge [sflag:s23], $0x4080  }
0x2f: {  	[sflag:s23] =	ssyncset.done $0x0  }
0x30: {  	s16 =	simm.s32 $0x200;
	s13 =	simm.s32 $0x0;
	[sflag:s23] =	ssyncadd.s32 $0xFFFFBF80  }
.LBB2_2:
0x31: {  	p0 =	sne.s32 s16, $0x9E00;
	[tilespmem:s13+$0x4770] =	vst v0  }
0x32: {  	[tilespmem:s13+$0x4700] =	vst v0  }
0x33: {  	[tilespmem:s13+$0x4710] =	vst v0  }
.Ltmp2:
0x34: {  	[tilespmem:s13+$0x4720] =	vst v0;
	(pc) =	sbr.rel @p0 .LBB2_2-.Ltmp2, $4  }
0x35: {  	[tilespmem:s13+$0x4730] =	vst v0  }
0x36: {  	[tilespmem:s13+$0x4740] =	vst v0  }
0x37: {  	[tilespmem:s13+$0x4750] =	vst v0  }
0x38: {  	[tilespmem:s13+$0x4760] =	vst v0;
	s13 =	sshra.s32 s16, $0x2;
	s16 =	sadd.s32 $0x200, s16  }
0x39: {  	[tilespmem:s13+$0x4770] =	vst v0  }
0x3a: {  	[tilespmem:s13+$0x4700] =	vst v0  }
0x3b: {  	[tilespmem:s13+$0x4710] =	vst v0  }
0x3c: {  	[tilespmem:s13+$0x4720] =	vst v0  }
0x3d: {  	[tilespmem:s13+$0x4730] =	vst v0  }
0x3e: {  	[tilespmem:s13+$0x4740] =	vst v0  }
0x3f: {  	[tilespmem:s13+$0x4750] =	vst v0  }
0x40: {  	[tilespmem:s13+$0x4760] =	vst v0  }
0x41: {  	[spmem:s6] =	stream.linear.scatter [tilespmem:s24], [sflag:$0x7], $0x2800, $0x38;
	[tilespmem:$0x1FB00] =	vst v63  }
0x42: {  	s30 =	rddreg [dreg:$0x5]  }
0x43: {  	[spmem:s30] =	stream.linear.scatter [tilespmem:s24], [sflag:$0x7], $0x2800, $0x38;
	[tilespmem:$0x1FB00] =	vst v63  }
0x44: {  	s16 =	rddreg [dreg:$0x6]  }
0x45: {  	[spmem:s16] =	stream.linear.scatter [tilespmem:s24], [sflag:$0x7], $0x2800, $0x38;
	[tilespmem:$0x1FB00] =	vst v63  }
0x46: {  	s17 =	rddreg [dreg:$0x7]  }
0x47: {  	[spmem:s17] =	stream.linear.scatter [tilespmem:s24], [sflag:$0x7], $0x2800, $0x38;
	[tilespmem:$0x1FB00] =	vst v63  }
0x48: {  	s21 =	rddreg [dreg:$0x8]  }
0x49: {  	[spmem:s21] =	stream.linear.scatter [tilespmem:s24], [sflag:$0x7], $0x2800, $0x38;
	[tilespmem:$0x1FB00] =	vst v63  }
0x4a: {  	s22 =	rddreg [dreg:$0x9]  }
0x4b: {  	[spmem:s22] =	stream.linear.scatter [tilespmem:s24], [sflag:$0x7], $0x2800, $0x38;
	[tilespmem:$0x1FB00] =	vst v63  }
0x4c: {  	s30 =	rddreg [dreg:$0xb]  }
0x4d: {  	[spmem:s30] =	stream.linear.scatter [tilespmem:s24], [sflag:$0x7], $0x2800, $0x38;
	[tilespmem:$0x1FB00] =	vst v63  }
0x4e: {  	s16 =	rddreg [dreg:$0xc]  }
0x4f: {  	[spmem:s16] =	stream.linear.scatter [tilespmem:s24], [sflag:$0x7], $0x2400, $0x38;
	[tilespmem:$0x1FB00] =	vst v63  }
0x50: {  	_ =	swait.ge [sflag:s25], $0x2800  }
0x51: {  	[sflag:s25] =	ssyncset.done $0x0  }
0x52: {  	[sflag:s25] =	ssyncadd.s32 $0xFFFFD800  }
0x53: {  	_ =	swait.ge [sflag:s25], $0x2800  }
0x54: {  	[sflag:s25] =	ssyncset.done $0x0  }
0x55: {  	[sflag:s25] =	ssyncadd.s32 $0xFFFFD800  }
0x56: {  	_ =	swait.ge [sflag:s25], $0x2800  }
0x57: {  	[sflag:s25] =	ssyncset.done $0x0  }
0x58: {  	[sflag:s25] =	ssyncadd.s32 $0xFFFFD800  }
0x59: {  	_ =	swait.ge [sflag:s25], $0x2800  }
0x5a: {  	[sflag:s25] =	ssyncset.done $0x0  }
0x5b: {  	[sflag:s25] =	ssyncadd.s32 $0xFFFFD800  }
0x5c: {  	_ =	swait.ge [sflag:s25], $0x2800  }
0x5d: {  	[sflag:s25] =	ssyncset.done $0x0  }
0x5e: {  	[sflag:s25] =	ssyncadd.s32 $0xFFFFD800  }
0x5f: {  	_ =	swait.ge [sflag:s25], $0x2800  }
0x60: {  	[sflag:s25] =	ssyncset.done $0x0  }
0x61: {  	[sflag:s25] =	ssyncadd.s32 $0xFFFFD800  }
0x62: {  	_ =	swait.ge [sflag:s25], $0x2800  }
0x63: {  	[sflag:s25] =	ssyncset.done $0x0  }
0x64: {  	[sflag:s25] =	ssyncadd.s32 $0xFFFFD800  }
0x65: {  	_ =	swait.ge [sflag:s25], $0x2400  }
0x66: {  	[sflag:s25] =	ssyncset.done $0x0  }
0x67: {  	[sflag:s25] =	ssyncadd.s32 $0xFFFFDC00  }
0x68: {  	[bflag:$0x0] =	sbarrier.arrive $0xFFFF  }
0x69: {  	s16 =	simm.s32 $0x0;
	s17 =	rddreg [dreg:$0xa]  }
0x6a: {  	[tilespmem:s26], [sflag:$0x1] =	stream.linear.gather [hbm4b:s17+s16], $0x100, $0x38;
	[tilespmem:$0x1FB00] =	vst v63  }
0x6b: {  	s21 =	rddreg [dreg:$0xd]  }
0x6c: {  	[tilespmem:s28], [sflag:$0x2] =	stream.linear.gather [hbm4b:s21+s16], $0x100, $0x38;
	[tilespmem:$0x1FB00] =	vst v63  }
0x6d: {  	s30 =	simm.s32 $0x1;
	s22 =	rddreg [dreg:$0xe]  }
0x6e: {  	[tilespmem:s29], [sflag:$0x3] =	stream.linear.gather [hbm4b:s22+s16], $0x100, $0x38;
	[tilespmem:$0x1FB00] =	vst v63  }
0x6f: {  	_ =	swait.ge [sflag:s30], $0x100  }
0x70: {  	[sflag:s30] =	ssyncset.done $0x0  }
0x71: {  	[sflag:s30] =	ssyncadd.s32 $0xFFFFFF00  }
0x72: {  	[tilespmem:s24], [sflag:$0x4] =	stream.indirect.gather [hbm4b:s1+s31], $0x80, s26, s31, $0xb8;
	[tilespmem:$0x1FB00] =	vst v63  }
0x73: {  	_ =	swait.ge [sflag:s0], $0x100  }
0x74: {  	[sflag:s0] =	ssyncset.done $0x0  }
0x75: {  	[sflag:s0] =	ssyncadd.s32 $0xFFFFFF00  }
0x76: {  	[tilespmem:s2], [sflag:$0x5] =	stream.indirect.gather [hbm4b:s1+s31], $0x80, s28, s31, $0xb8;
	[tilespmem:$0x1FB00] =	vst v63  }
.LBB2_4:
0x77: {  	s13 =	simm.s32 $0x1  }
0x78: {  	v1 =	vmov s13  }
0x79: {  	_ =	swait.ge [sflag:s7], $0x2800;
	v1 =	vand.u32 $0x7F, v1  }
0x7a: {  	[sflag:s7] =	ssyncset.done $0x0;
	v1 =	vor.u32 $0x80, v1  }
0x7b: {  	s17 =	simm.s32 $0x4780;
	[sflag:s7] =	ssyncadd.s32 $0xFFFFD800;
	v1 =	vbroadcast v1, $0x0  }
0x7c: {  	v5 =	vld [tilespmem:s17+$0xFFFFFFF0]  }
0x7d: {  	v4 =	vld [tilespmem:s17+$0x50]  }
0x7e: {  	s30 =	simm.s32 $0x0;
	v6 =	vld [tilespmem:s17+$0x70]  }
0x7f: {  	v2 =	vmov s30;
	v7 =	vld [tilespmem:s17+$0x30]  }
0x80: {  	v2 =	vand.u32 $0x7E, v2;
	v3 =	vld [tilespmem:s17+$0x10]  }
0x81: {  	v2 =	vor.u32 $0x80, v2;
	v8 =	vld.idx.msk [tilespmem:v1+s26+$0x0], $0xffff  }
0x82: {  	v1 =	vbroadcast v2, $0x0;
	v2 =	vld [tilespmem:s17+$0x0]  }
0x83: {  	v9 =	vld [tilespmem:s17+$0x20]  }
0x84: {  	v10 =	vld [tilespmem:s17+$0x40]  }
0x85: {  	v11 =	vld [tilespmem:s17+$0x60]  }
0x86: {  	v12 =	vld [tilespmem:s17+$0xFFFFFFD0]  }
0x87: {  	v14 =	vld [tilespmem:s17+$0xFFFFFF80];
	v13 =	vmul.f32 v8, v2  }
0x88: {  	v63 =	vld [tilespmem:s17+$0xFFFFFFA0];
	v9 =	vmul.f32 v8, v9  }
0x89: {  	v4 =	vmul.f32 v8, v4;
	v2 =	vld.idx.msk [tilespmem:v1+s26+$0x0], $0xffff;
	[tilespmem:s17+$0x0] =	vst v13  }
0x8a: {  	v7 =	vmul.f32 v8, v7;
	v1 =	vmul.f32 v8, v3;
	v3 =	vld [tilespmem:s17+$0xFFFFFFE0];
	[tilespmem:s17+$0x20] =	vst v9  }
0x8b: {  	[tilespmem:s17+$0x50] =	vst v4;
	v4 =	vld [tilespmem:s17+$0xFFFFFF90]  }
0x8c: {  	v11 =	vmul.f32 v8, v11;
	[tilespmem:s17+$0x30] =	vst v7;
	v7 =	vld [tilespmem:s17+$0xFFFFFFC0]  }
0x8d: {  	v15 =	vmul.f32 v8, v10;
	v6 =	vmul.f32 v8, v6;
	[tilespmem:s17+$0x10] =	vst v1;
	v1 =	vld [tilespmem:s17+$0xFFFFFFB0]  }
0x8e: {  	[tilespmem:s17+$0x60] =	vst v11;
	v8 =	vmul.f32 v2, v14;
	v10 =	vmul.f32 v2, v5  }
0x8f: {  	s21 =	simm.s32 $0x3;
	s22 =	simm.s32 $0x4780;
	[tilespmem:s17+$0x40] =	vst v15;
	v5 =	vmul.f32 v2, v63;
	v9 =	vmul.f32 v2, v12  }
.LBB2_5:
0x90: {  	p0 =	sne.s32 s21, $0x4F  }
0x91: {  	v11 =	vmov s21;
	v4 =	vmul.f32 v2, v4;
	v3 =	vmul.f32 v2, v3;
	[tilespmem:s17+$0x70] =	vst v6;
	s22 =	sadd.s32 $0x100, s22;
	s13 =	smov.u32 s21;
	s21 =	sadd.s32 $0x2, s21  }
0x92: {  	v1 =	vmul.f32 v2, v1;
	v6 =	vand.u32 $0x7F, v11;
	v2 =	vmul.f32 v2, v7;
	[tilespmem:s17+$0xFFFFFFF0] =	vst v10  }
0x93: {  	v6 =	vor.u32 $0x80, v6;
	[tilespmem:s17+$0xFFFFFF80] =	vst v8  }
0x94: {  	v6 =	vbroadcast v6, $0x0;
	v10 =	vld [tilespmem:s22+$0xFFFFFFF0];
	[tilespmem:s17+$0xFFFFFFD0] =	vst v9  }
0x95: {  	v7 =	vld [tilespmem:s22+$0x50];
	[tilespmem:s17+$0xFFFFFFA0] =	vst v5  }
0x96: {  	v5 =	vld [tilespmem:s22+$0x70];
	[tilespmem:s17+$0xFFFFFFB0] =	vst v1  }
0x97: {  	s13 =	sadd.s32 $0xFFFFFFFF, s13;
	v1 =	vld [tilespmem:s22+$0xFFFFFFB0];
	[tilespmem:s17+$0xFFFFFFC0] =	vst v2  }
0x98: {  	v2 =	vmov s13;
	v8 =	vld [tilespmem:s22+$0x30];
	[tilespmem:s17+$0xFFFFFFE0] =	vst v3  }
0x99: {  	v2 =	vand.u32 $0x7E, v2;
	v3 =	vld [tilespmem:s22+$0x10];
	[tilespmem:s17+$0xFFFFFF90] =	vst v4;
	s17 =	smov.u32 s22  }
0x9a: {  	v2 =	vor.u32 $0x80, v2;
	v4 =	vld.idx.msk [tilespmem:v6+s26+$0x0], $0xffff  }
0x9b: {  	v2 =	vbroadcast v2, $0x0;
	v6 =	vld [tilespmem:s22+$0x0]  }
0x9c: {  	v9 =	vld [tilespmem:s22+$0x20]  }
0x9d: {  	v11 =	vld [tilespmem:s22+$0x40]  }
0x9e: {  	v12 =	vld [tilespmem:s22+$0x60]  }
0x9f: {  	v13 =	vld [tilespmem:s22+$0xFFFFFFD0]  }
0xa0: {  	v15 =	vmul.f32 v4, v3;
	v14 =	vld [tilespmem:s22+$0xFFFFFF80];
	v6 =	vmul.f32 v4, v6  }
0xa1: {  	v16 =	vmul.f32 v4, v8;
	v2 =	vld.idx.msk [tilespmem:v2+s26+$0x0], $0xffff;
	v9 =	vmul.f32 v4, v9  }
0xa2: {  	v8 =	vmul.f32 v4, v7;
	v17 =	vld [tilespmem:s22+$0xFFFFFFA0];
	[tilespmem:s22+$0x0] =	vst v6;
	v11 =	vmul.f32 v4, v11  }
0xa3: {  	v6 =	vmul.f32 v4, v5;
	v3 =	vld [tilespmem:s22+$0xFFFFFFE0];
	[tilespmem:s22+$0x10] =	vst v15;
	v12 =	vmul.f32 v4, v12  }
.Ltmp3:
0xa4: {  	v4 =	vld [tilespmem:s22+$0xFFFFFF90];
	[tilespmem:s22+$0x20] =	vst v9;
	(pc) =	sbr.rel @p0 .LBB2_5-.Ltmp3, $4  }
0xa5: {  	v7 =	vld [tilespmem:s22+$0xFFFFFFC0];
	[tilespmem:s22+$0x50] =	vst v8  }
0xa6: {  	[tilespmem:s22+$0x60] =	vst v12  }
0xa7: {  	v8 =	vmul.f32 v2, v14;
	v10 =	vmul.f32 v2, v10;
	[tilespmem:s22+$0x30] =	vst v16  }
0xa8: {  	v9 =	vmul.f32 v2, v13;
	v5 =	vmul.f32 v2, v17;
	[tilespmem:s22+$0x40] =	vst v11  }
0xa9: {  	[tilespmem:s17+$0x70] =	vst v6  }
0xaa: {  	[tilespmem:s17+$0xFFFFFFF0] =	vst v10  }
0xab: {  	[tilespmem:s17+$0xFFFFFF80] =	vst v8  }
0xac: {  	v1 =	vmul.f32 v2, v1;
	[tilespmem:s17+$0xFFFFFFD0] =	vst v9  }
0xad: {  	v3 =	vmul.f32 v2, v3;
	[tilespmem:s17+$0xFFFFFFA0] =	vst v5  }
0xae: {  	v6 =	vmul.f32 v2, v7;
	[tilespmem:s17+$0xFFFFFFB0] =	vst v1  }
0xaf: {  	s13 =	smul.u32 $0x600, s16;
	v1 =	vmul.f32 v2, v4;
	[tilespmem:s17+$0xFFFFFFE0] =	vst v3  }
0xb0: {  	p0 =	seq.s32 s16, $0x2A;
	[tilespmem:s17+$0xFFFFFFC0] =	vst v6  }
0xb1: {  	[tilespmem:s17+$0xFFFFFF90] =	vst v1;
	s17 =	sshra.s32 s13, $0x2;
	s13 =	smul.u32 @!p0 $0x300, s16  }
0xb2: {  	[spmem:s3] =	stream.indirect.scatter.add.f32 [tilespmem:s24], [sflag:$0x7], $0x80, s17, s31, $0xb8;
	[tilespmem:$0x1FB00] =	vst v63  }
0xb3: {  	s13 =	sadd.s32 @!p0 s13, s18  }
0xb4: {  	s21 =	simm.s32 @!p0 $0x0;
	p1 =	seq.s32 @!p0 s16, $0x0;
	s13 =	sshrl.u32 @!p0 s13, $0x3  }
0xb5: {  	s22 =	simm.s32 @!p0 $0x4400;
	p1 =	por p0, !p1;
	s13 =	sadd.s32 @!p0 s5, s13  }
0xb6: {  	[tilespmem:s22], [sflag:$0x1] =	stream.linear.gather @!p0 [hbm4b:s13+s21], $0x100, $0x38;
	[tilespmem:$0x1FB00] =	vst v63  }
0xb7: {  	_ =	swait.ge @p1 [sflag:s14], $0x2800  }
0xb8: {  	[sflag:s14] =	ssyncset.done @p1 $0x0  }
0xb9: {  	[sflag:s14] =	ssyncadd.s32 @p1 $0xFFFFD800  }
0xba: {  	_ =	swait.ge [sflag:s8], $0x100  }
0xbb: {  	s22 =	simm.s32 $0x1;
	[sflag:s8] =	ssyncset.done $0x0  }
0xbc: {  	v1 =	vmov s22;
	[sflag:s8] =	ssyncadd.s32 $0xFFFFFF00  }
0xbd: {  	v1 =	vand.u32 $0x7F, v1;
	[tilespmem:s9], [sflag:$0x6] =	stream.indirect.gather [hbm4b:s1+s31], $0x80, s29, s31, $0xb8;
	[tilespmem:$0x1FB00] =	vst v63  }
0xbe: {  	v1 =	vor.u32 $0x80, v1;
	_ =	swait.ge [sflag:s10], $0x2800  }
0xbf: {  	v1 =	vbroadcast v1, $0x0;
	[sflag:s10] =	ssyncset.done $0x0  }
0xc0: {  	s21 =	simm.s32 $0x6F80;
	[sflag:s10] =	ssyncadd.s32 $0xFFFFD800  }
0xc1: {  	v5 =	vld [tilespmem:s21+$0xFFFFFFF0]  }
0xc2: {  	s30 =	simm.s32 $0x0;
	v4 =	vld [tilespmem:s21+$0x50]  }
0xc3: {  	v2 =	vmov s30;
	v6 =	vld [tilespmem:s21+$0x70]  }
0xc4: {  	v2 =	vand.u32 $0x7E, v2;
	v7 =	vld [tilespmem:s21+$0x30]  }
0xc5: {  	v2 =	vor.u32 $0x80, v2;
	v8 =	vld.idx.msk [tilespmem:v1+s28+$0x0], $0xffff  }
0xc6: {  	v1 =	vbroadcast v2, $0x0;
	v2 =	vld [tilespmem:s21+$0x0]  }
0xc7: {  	v3 =	vld [tilespmem:s21+$0x10]  }
0xc8: {  	v9 =	vld [tilespmem:s21+$0x20]  }
0xc9: {  	v10 =	vld [tilespmem:s21+$0x40]  }
0xca: {  	v11 =	vld [tilespmem:s21+$0x60]  }
0xcb: {  	v12 =	vld [tilespmem:s21+$0xFFFFFFD0]  }
0xcc: {  	v14 =	vld [tilespmem:s21+$0xFFFFFF80];
	v13 =	vmul.f32 v8, v2  }
0xcd: {  	v63 =	vld [tilespmem:s21+$0xFFFFFFA0];
	v9 =	vmul.f32 v8, v9  }
0xce: {  	v4 =	vmul.f32 v8, v4;
	v2 =	vld.idx.msk [tilespmem:v1+s28+$0x0], $0xffff;
	[tilespmem:s21+$0x0] =	vst v13  }
0xcf: {  	v7 =	vmul.f32 v8, v7;
	v1 =	vmul.f32 v8, v3;
	v3 =	vld [tilespmem:s21+$0xFFFFFFE0];
	[tilespmem:s21+$0x20] =	vst v9  }
0xd0: {  	[tilespmem:s21+$0x50] =	vst v4;
	v4 =	vld [tilespmem:s21+$0xFFFFFF90]  }
0xd1: {  	v11 =	vmul.f32 v8, v11;
	[tilespmem:s21+$0x30] =	vst v7;
	v7 =	vld [tilespmem:s21+$0xFFFFFFC0]  }
0xd2: {  	v15 =	vmul.f32 v8, v10;
	v6 =	vmul.f32 v8, v6;
	[tilespmem:s21+$0x10] =	vst v1;
	v1 =	vld [tilespmem:s21+$0xFFFFFFB0]  }
0xd3: {  	[tilespmem:s21+$0x60] =	vst v11;
	v8 =	vmul.f32 v2, v14;
	v10 =	vmul.f32 v2, v5  }
0xd4: {  	s13 =	simm.s32 $0x6F80;
	s22 =	simm.s32 $0x3;
	[tilespmem:s21+$0x40] =	vst v15;
	v5 =	vmul.f32 v2, v63;
	v9 =	vmul.f32 v2, v12  }
.LBB2_7:
0xd5: {  	p1 =	sne.s32 s22, $0x4F  }
0xd6: {  	v11 =	vmov s22;
	v4 =	vmul.f32 v2, v4;
	v3 =	vmul.f32 v2, v3;
	[tilespmem:s21+$0x70] =	vst v6;
	s13 =	sadd.s32 $0x100, s13;
	s30 =	smov.u32 s22;
	s22 =	sadd.s32 $0x2, s22  }
0xd7: {  	v1 =	vmul.f32 v2, v1;
	v6 =	vand.u32 $0x7F, v11;
	v2 =	vmul.f32 v2, v7;
	[tilespmem:s21+$0xFFFFFFF0] =	vst v10  }
0xd8: {  	v6 =	vor.u32 $0x80, v6;
	[tilespmem:s21+$0xFFFFFF80] =	vst v8  }
0xd9: {  	v6 =	vbroadcast v6, $0x0;
	v10 =	vld [tilespmem:s13+$0xFFFFFFF0];
	[tilespmem:s21+$0xFFFFFFD0] =	vst v9  }
0xda: {  	v7 =	vld [tilespmem:s13+$0x50];
	[tilespmem:s21+$0xFFFFFFA0] =	vst v5  }
0xdb: {  	v5 =	vld [tilespmem:s13+$0x70];
	[tilespmem:s21+$0xFFFFFFB0] =	vst v1  }
0xdc: {  	s30 =	sadd.s32 $0xFFFFFFFF, s30;
	v1 =	vld [tilespmem:s13+$0xFFFFFFB0];
	[tilespmem:s21+$0xFFFFFFC0] =	vst v2  }
0xdd: {  	v2 =	vmov s30;
	v8 =	vld [tilespmem:s13+$0x30];
	[tilespmem:s21+$0xFFFFFFE0] =	vst v3  }
0xde: {  	v2 =	vand.u32 $0x7E, v2;
	v3 =	vld [tilespmem:s13+$0x10];
	[tilespmem:s21+$0xFFFFFF90] =	vst v4;
	s21 =	smov.u32 s13  }
0xdf: {  	v2 =	vor.u32 $0x80, v2;
	v4 =	vld.idx.msk [tilespmem:v6+s28+$0x0], $0xffff  }
0xe0: {  	v2 =	vbroadcast v2, $0x0;
	v6 =	vld [tilespmem:s13+$0x0]  }
0xe1: {  	v9 =	vld [tilespmem:s13+$0x20]  }
0xe2: {  	v11 =	vld [tilespmem:s13+$0x40]  }
0xe3: {  	v12 =	vld [tilespmem:s13+$0x60]  }
0xe4: {  	v13 =	vld [tilespmem:s13+$0xFFFFFFD0]  }
0xe5: {  	v15 =	vmul.f32 v4, v3;
	v14 =	vld [tilespmem:s13+$0xFFFFFF80];
	v6 =	vmul.f32 v4, v6  }
0xe6: {  	v16 =	vmul.f32 v4, v8;
	v2 =	vld.idx.msk [tilespmem:v2+s28+$0x0], $0xffff;
	v9 =	vmul.f32 v4, v9  }
0xe7: {  	v8 =	vmul.f32 v4, v7;
	v17 =	vld [tilespmem:s13+$0xFFFFFFA0];
	[tilespmem:s13+$0x0] =	vst v6;
	v11 =	vmul.f32 v4, v11  }
0xe8: {  	v6 =	vmul.f32 v4, v5;
	v3 =	vld [tilespmem:s13+$0xFFFFFFE0];
	[tilespmem:s13+$0x10] =	vst v15;
	v12 =	vmul.f32 v4, v12  }
.Ltmp4:
0xe9: {  	v4 =	vld [tilespmem:s13+$0xFFFFFF90];
	[tilespmem:s13+$0x20] =	vst v9;
	(pc) =	sbr.rel @p1 .LBB2_7-.Ltmp4, $4  }
0xea: {  	v7 =	vld [tilespmem:s13+$0xFFFFFFC0];
	[tilespmem:s13+$0x50] =	vst v8  }
0xeb: {  	[tilespmem:s13+$0x60] =	vst v12  }
0xec: {  	v8 =	vmul.f32 v2, v14;
	v10 =	vmul.f32 v2, v10;
	[tilespmem:s13+$0x30] =	vst v16  }
0xed: {  	v9 =	vmul.f32 v2, v13;
	v5 =	vmul.f32 v2, v17;
	[tilespmem:s13+$0x40] =	vst v11  }
0xee: {  	[tilespmem:s21+$0x70] =	vst v6  }
0xef: {  	[tilespmem:s21+$0xFFFFFFF0] =	vst v10  }
0xf0: {  	[tilespmem:s21+$0xFFFFFF80] =	vst v8  }
0xf1: {  	v1 =	vmul.f32 v2, v1;
	[tilespmem:s21+$0xFFFFFFD0] =	vst v9  }
0xf2: {  	v3 =	vmul.f32 v2, v3;
	[tilespmem:s21+$0xFFFFFFA0] =	vst v5  }
0xf3: {  	v6 =	vmul.f32 v2, v7;
	[tilespmem:s21+$0xFFFFFFB0] =	vst v1  }
0xf4: {  	v1 =	vmul.f32 v2, v4;
	[tilespmem:s21+$0xFFFFFFE0] =	vst v3  }
0xf5: {  	p1 =	sne.s32 s16, $0x2A;
	[tilespmem:s21+$0xFFFFFFC0] =	vst v6  }
0xf6: {  	s13 =	sadd.s32 $0x80, s17;
	[tilespmem:s21+$0xFFFFFF90] =	vst v1;
	s21 =	smul.u32 @p1 $0x300, s16  }
0xf7: {  	[spmem:s3] =	stream.indirect.scatter.add.f32 [tilespmem:s2], [sflag:$0x8], $0x80, s13, s31, $0xb8;
	[tilespmem:$0x1FB00] =	vst v63  }
0xf8: {  	s13 =	sadd.s32 @p1 s21, s19  }
0xf9: {  	s13 =	sshrl.u32 @p1 s13, $0x3  }
0xfa: {  	s22 =	simm.s32 @p1 $0x4500;
	s21 =	simm.s32 @p1 $0x0;
	s13 =	sadd.s32 @p1 s5, s13  }
0xfb: {  	[tilespmem:s22], [sflag:$0x2] =	stream.linear.gather @p1 [hbm4b:s13+s21], $0x100, $0x38;
	[tilespmem:$0x1FB00] =	vst v63  }
0xfc: {  	s13 =	simm.s32 @p1 $0x7  }
0xfd: {  	_ =	swait.ge @p1 [sflag:s13], $0x2800  }
0xfe: {  	[sflag:s13] =	ssyncset.done @p1 $0x0  }
0xff: {  	[sflag:s13] =	ssyncadd.s32 @p1 $0xFFFFD800;
	s13 =	simm.s32 @p1 $0x1  }
0x100: {  	_ =	swait.ge @p1 [sflag:s13], $0x100  }
0x101: {  	s21 =	simm.s32 @p1 $0x4400;
	[sflag:s13] =	ssyncset.done @p1 $0x0  }
0x102: {  	s22 =	simm.s32 @p1 $0x4700;
	[sflag:s13] =	ssyncadd.s32 @p1 $0xFFFFFF00;
	s13 =	simm.s32 @p1 $0x50  }
0x103: {  	[tilespmem:s22], [sflag:$0x4] =	stream.indirect.gather @p1 [hbm4b:s1+s13], $0x80, s21, s13, $0xb8;
	[tilespmem:$0x1FB00] =	vst v63  }
0x104: {  	s13 =	simm.s32 @!p1 $0x7  }
0x105: {  	_ =	swait.ge @!p1 [sflag:s13], $0x2800  }
0x106: {  	s22 =	simm.s32 $0x1;
	[sflag:s13] =	ssyncset.done @!p1 $0x0  }
0x107: {  	v1 =	vmov s22;
	[sflag:s13] =	ssyncadd.s32 @!p1 $0xFFFFD800  }
0x108: {  	v1 =	vand.u32 $0x7F, v1;
	_ =	swait.ge [sflag:s11], $0x2800  }
0x109: {  	v1 =	vor.u32 $0x80, v1;
	[sflag:s11] =	ssyncset.done $0x0  }
0x10a: {  	s21 =	simm.s32 $0x9780;
	v1 =	vbroadcast v1, $0x0;
	[sflag:s11] =	ssyncadd.s32 $0xFFFFD800  }
0x10b: {  	v5 =	vld [tilespmem:s21+$0xFFFFFFF0]  }
0x10c: {  	v4 =	vld [tilespmem:s21+$0x50]  }
0x10d: {  	s30 =	simm.s32 $0x0;
	v6 =	vld [tilespmem:s21+$0x70]  }
0x10e: {  	v2 =	vmov s30;
	v7 =	vld [tilespmem:s21+$0x30]  }
0x10f: {  	v2 =	vand.u32 $0x7E, v2;
	v3 =	vld [tilespmem:s21+$0x10]  }
0x110: {  	v2 =	vor.u32 $0x80, v2;
	v8 =	vld.idx.msk [tilespmem:v1+s29+$0x0], $0xffff  }
0x111: {  	v1 =	vbroadcast v2, $0x0;
	v2 =	vld [tilespmem:s21+$0x0]  }
0x112: {  	v9 =	vld [tilespmem:s21+$0x20]  }
0x113: {  	v10 =	vld [tilespmem:s21+$0x40]  }
0x114: {  	v11 =	vld [tilespmem:s21+$0x60]  }
0x115: {  	v12 =	vld [tilespmem:s21+$0xFFFFFFD0]  }
0x116: {  	v14 =	vld [tilespmem:s21+$0xFFFFFF80];
	v13 =	vmul.f32 v8, v2  }
0x117: {  	v63 =	vld [tilespmem:s21+$0xFFFFFFA0];
	v9 =	vmul.f32 v8, v9  }
0x118: {  	v4 =	vmul.f32 v8, v4;
	v2 =	vld.idx.msk [tilespmem:v1+s29+$0x0], $0xffff;
	[tilespmem:s21+$0x0] =	vst v13  }
0x119: {  	v7 =	vmul.f32 v8, v7;
	v1 =	vmul.f32 v8, v3;
	v3 =	vld [tilespmem:s21+$0xFFFFFFE0];
	[tilespmem:s21+$0x20] =	vst v9  }
0x11a: {  	[tilespmem:s21+$0x50] =	vst v4;
	v4 =	vld [tilespmem:s21+$0xFFFFFF90]  }
0x11b: {  	v11 =	vmul.f32 v8, v11;
	[tilespmem:s21+$0x30] =	vst v7;
	v7 =	vld [tilespmem:s21+$0xFFFFFFC0]  }
0x11c: {  	v15 =	vmul.f32 v8, v10;
	v6 =	vmul.f32 v8, v6;
	[tilespmem:s21+$0x10] =	vst v1;
	v1 =	vld [tilespmem:s21+$0xFFFFFFB0]  }
0x11d: {  	[tilespmem:s21+$0x60] =	vst v11;
	v8 =	vmul.f32 v2, v14;
	v10 =	vmul.f32 v2, v5  }
0x11e: {  	s22 =	simm.s32 $0x3;
	s13 =	simm.s32 $0x9780;
	[tilespmem:s21+$0x40] =	vst v15;
	v5 =	vmul.f32 v2, v63;
	v9 =	vmul.f32 v2, v12  }
.LBB2_9:
0x11f: {  	p1 =	sne.s32 s22, $0x4F  }
0x120: {  	v11 =	vmov s22;
	v4 =	vmul.f32 v2, v4;
	v3 =	vmul.f32 v2, v3;
	[tilespmem:s21+$0x70] =	vst v6;
	s13 =	sadd.s32 $0x100, s13;
	s30 =	smov.u32 s22;
	s22 =	sadd.s32 $0x2, s22  }
0x121: {  	v1 =	vmul.f32 v2, v1;
	v6 =	vand.u32 $0x7F, v11;
	v2 =	vmul.f32 v2, v7;
	[tilespmem:s21+$0xFFFFFFF0] =	vst v10  }
0x122: {  	v6 =	vor.u32 $0x80, v6;
	[tilespmem:s21+$0xFFFFFF80] =	vst v8  }
0x123: {  	v6 =	vbroadcast v6, $0x0;
	v10 =	vld [tilespmem:s13+$0xFFFFFFF0];
	[tilespmem:s21+$0xFFFFFFD0] =	vst v9  }
0x124: {  	v7 =	vld [tilespmem:s13+$0x50];
	[tilespmem:s21+$0xFFFFFFA0] =	vst v5  }
0x125: {  	v5 =	vld [tilespmem:s13+$0x70];
	[tilespmem:s21+$0xFFFFFFB0] =	vst v1  }
0x126: {  	s30 =	sadd.s32 $0xFFFFFFFF, s30;
	v1 =	vld [tilespmem:s13+$0xFFFFFFB0];
	[tilespmem:s21+$0xFFFFFFC0] =	vst v2  }
0x127: {  	v2 =	vmov s30;
	v8 =	vld [tilespmem:s13+$0x30];
	[tilespmem:s21+$0xFFFFFFE0] =	vst v3  }
0x128: {  	v2 =	vand.u32 $0x7E, v2;
	v3 =	vld [tilespmem:s13+$0x10];
	[tilespmem:s21+$0xFFFFFF90] =	vst v4;
	s21 =	smov.u32 s13  }
0x129: {  	v2 =	vor.u32 $0x80, v2;
	v4 =	vld.idx.msk [tilespmem:v6+s29+$0x0], $0xffff  }
0x12a: {  	v2 =	vbroadcast v2, $0x0;
	v6 =	vld [tilespmem:s13+$0x0]  }
0x12b: {  	v9 =	vld [tilespmem:s13+$0x20]  }
0x12c: {  	v11 =	vld [tilespmem:s13+$0x40]  }
0x12d: {  	v12 =	vld [tilespmem:s13+$0x60]  }
0x12e: {  	v13 =	vld [tilespmem:s13+$0xFFFFFFD0]  }
0x12f: {  	v15 =	vmul.f32 v4, v3;
	v14 =	vld [tilespmem:s13+$0xFFFFFF80];
	v6 =	vmul.f32 v4, v6  }
0x130: {  	v16 =	vmul.f32 v4, v8;
	v2 =	vld.idx.msk [tilespmem:v2+s29+$0x0], $0xffff;
	v9 =	vmul.f32 v4, v9  }
0x131: {  	v8 =	vmul.f32 v4, v7;
	v17 =	vld [tilespmem:s13+$0xFFFFFFA0];
	[tilespmem:s13+$0x0] =	vst v6;
	v11 =	vmul.f32 v4, v11  }
0x132: {  	v6 =	vmul.f32 v4, v5;
	v3 =	vld [tilespmem:s13+$0xFFFFFFE0];
	[tilespmem:s13+$0x10] =	vst v15;
	v12 =	vmul.f32 v4, v12  }
.Ltmp5:
0x133: {  	v4 =	vld [tilespmem:s13+$0xFFFFFF90];
	[tilespmem:s13+$0x20] =	vst v9;
	(pc) =	sbr.rel @p1 .LBB2_9-.Ltmp5, $4  }
0x134: {  	v7 =	vld [tilespmem:s13+$0xFFFFFFC0];
	[tilespmem:s13+$0x50] =	vst v8  }
0x135: {  	[tilespmem:s13+$0x60] =	vst v12  }
0x136: {  	v8 =	vmul.f32 v2, v14;
	v10 =	vmul.f32 v2, v10;
	[tilespmem:s13+$0x30] =	vst v16  }
0x137: {  	v9 =	vmul.f32 v2, v13;
	v5 =	vmul.f32 v2, v17;
	[tilespmem:s13+$0x40] =	vst v11  }
0x138: {  	[tilespmem:s21+$0x70] =	vst v6  }
0x139: {  	[tilespmem:s21+$0xFFFFFFF0] =	vst v10  }
0x13a: {  	[tilespmem:s21+$0xFFFFFF80] =	vst v8  }
0x13b: {  	v1 =	vmul.f32 v2, v1;
	[tilespmem:s21+$0xFFFFFFD0] =	vst v9  }
0x13c: {  	v3 =	vmul.f32 v2, v3;
	[tilespmem:s21+$0xFFFFFFA0] =	vst v5  }
.Ltmp6:
0x13d: {  	v63 =	vmul.f32 v2, v7;
	[tilespmem:s21+$0xFFFFFFB0] =	vst v1;
	(pc) =	sbr.rel @p0 .LBB2_12-.Ltmp6, $4  }
0x13e: {  	v1 =	vmul.f32 v2, v4;
	[tilespmem:s21+$0xFFFFFFE0] =	vst v3  }
0x13f: {  	[tilespmem:s21+$0xFFFFFFC0] =	vst v63  }
0x140: {  	s13 =	sadd.s32 $0x100, s17;
	[tilespmem:s21+$0xFFFFFF90] =	vst v1  }
0x141: {  	[spmem:s3] =	stream.indirect.scatter.add.f32 [tilespmem:s9], [sflag:$0x9], $0x80, s13, s31, $0xb8;
	[tilespmem:$0x1FB00] =	vst v63  }
0x142: {  	s13 =	smul.u32 $0x300, s16;
	_ =	sdelay $0x1  }
0x143: {  	s13 =	sadd.s32 s13, s20  }
0x144: {  	s13 =	sshrl.u32 s13, $0x3  }
0x145: {  	s13 =	sadd.s32 s5, s13  }
0x146: {  	[tilespmem:s29], [sflag:$0x3] =	stream.linear.gather [hbm4b:s13+s4], $0x100, $0x38;
	[tilespmem:$0x1FB00] =	vst v63  }
0x147: {  	_ =	swait.ge [sflag:s12], $0x2800  }
0x148: {  	[sflag:s12] =	ssyncset.done $0x0  }
.Ltmp7:
0x149: {  	[sflag:s12] =	ssyncadd.s32 $0xFFFFD800;
	(pc) =	sbr.rel .LBB2_4-.Ltmp7, $4  }
0x14a: {  	_ =	swait.ge [sflag:s0], $0x100  }
0x14b: {  	[sflag:s0] =	ssyncset.done $0x0  }
0x14c: {  	s16 =	sadd.s32 $0x1, s16;
	[sflag:s0] =	ssyncadd.s32 $0xFFFFFF00  }
0x14d: {  	[tilespmem:s2], [sflag:$0x5] =	stream.indirect.gather [hbm4b:s1+s31], $0x80, s28, s31, $0xb8;
	[tilespmem:$0x1FB00] =	vst v63  }
.LBB2_13:
0x14e: {  	_ =	sfence.sel $0x180000  }
0x14f: {  	[bflag:$0x0] =	sbarrier.arrive $0xFFFF  }
0x150: {  	_ =	strace $0x9000004A  }
0x151: {  	s0 =	stileid.u32;
	[bflag:$0x2] =	sbarrier.arrive $0xFFFF  }
0x152: {  	p0 =	sne.s32 s0, $0x0;
	s0 =	rddreg [dreg:$0x3]  }
0x153: {  	s0 =	sadd.s32 @!p0 $0x100000, s0  }
0x154: {  	[sflag:s0] =	ssyncadd.tile.s32 @!p0 $0x1;
	_ =	shalt  }
.Lfunc_end2:
_tile_overlayer_lowered:
.L_overlay_start_2:
0x155: {  	(tag) =	ssettag $0x2  }
0x156: {  	s0 =	rddreg [dreg:$0x0];
	s2 =	stileid.u32  }
0x157: {  	s1 =	rddreg [dreg:$0x1];
	p0 =	sne.s32 s2, $0x0  }
0x158: {  	s3 =	rddreg [dreg:$0x2];
	[bflag:$0x3] =	sbarrier.arrive $0xFFFF;
	s2 =	simm.s32 @!p0 $0x1C0A  }
0x159: {  	[timem:s3], [sflag:s2] =	dma.local @!p0 [hbm:s0], s1  }
0x15a: {  	s0 =	simm.s32 @!p0 $0xA  }
0x15b: {  	_ =	swait.ge @!p0 [sflag:s0], s1  }
0x15c: {  	s1 =	ssub.s32 @!p0 $0x0, s1;
	[sflag:s0] =	ssyncset.done @!p0 $0x0  }
0x15d: {  	[sflag:s0] =	ssyncadd.s32 @!p0 s1  }
0x15e: {  	[bflag:$0x3] =	sbarrier.arrive $0xFFFF  }
0x15f: {  	_ =	shalt  }

</sc_bundles>
